<compile_context>
chip_gen: v7x
topology: tpu7x:2x2x1
jax: 0.10.2.dev20260603
libtpu: 0.0.44.dev20260713+nightly
codegen_flags: <defaults>
</compile_context>

<pallas_src>
import functools

import jax
import jax.numpy as jnp
from jax import lax
from jax.experimental import pallas as pl
from jax.experimental.pallas import tpu as pltpu
from jax.experimental.pallas import tpu_sc as plsc

_B = 64
_S = 4096
_D = 256
_V = 6
_BOT = 8
_K = max(1, int(_S * 0.1))
_KPAD = 416
_LANES = 16
_CHUNKS = _S // _LANES
_NWORKERS = 32
_BPW = _B // _NWORKERS


def _sigmoid(x):
    return 1.0 / (1.0 + jnp.exp(-x))


def _scorer_body(tab_ref, w1_ref, b1_ref, w2_ref, b2_ref,
                 stab_ref, vslot_ref, p_ref):
    f32 = jnp.float32
    h = lax.dot_general(tab_ref[...], w1_ref[...], (((1,), (1,)), ((), ())),
                        preferred_element_type=f32, precision=lax.Precision.HIGHEST)
    h = jnp.maximum(h + b1_ref[...], 0.0)
    logit = jnp.sum(h * w2_ref[...], axis=1, keepdims=True) + b2_ref[...]
    scol = _sigmoid(logit)
    scol = jnp.concatenate([scol, jnp.zeros((8 - _V, 1), f32)], axis=0)
    eye = jnp.eye(8, dtype=f32)
    tr = lambda col: lax.dot_general(col, eye, (((0,), (0,)), ((), ())),
                                     preferred_element_type=f32,
                                     precision=lax.Precision.HIGHEST)
    srow = tr(scol)
    scol_b = jnp.broadcast_to(scol, (8, 8))
    srow_b = jnp.broadcast_to(srow, (8, 8))
    lane = lax.broadcasted_iota(jnp.int32, (8, 8), 1)
    subl = lax.broadcasted_iota(jnp.int32, (8, 8), 0)
    validj = lane < _V
    eqlow = (srow_b == scol_b) & (lane < subl) & validj
    first_col = jnp.sum(jnp.where(eqlow, 1.0, 0.0), axis=1, keepdims=True) == 0.0
    first_row = tr(jnp.where(first_col, 1.0, 0.0))
    first_row_b = jnp.broadcast_to(first_row, (8, 8))
    gt = (srow_b > scol_b) & validj
    gid_col = jnp.sum(jnp.where(gt, 1.0, 0.0) * first_row_b, axis=1, keepdims=True)
    gid_row = tr(gid_col)
    gid_row_b = jnp.broadcast_to(gid_row, (8, 8))
    p_ref[...] = jnp.where(
        (gid_row_b == subl.astype(f32)) & (first_row_b > 0.0) & validj, 1.0, 0.0)
    pad8 = jnp.zeros((1, 8), f32)
    stab_ref[...] = jnp.concatenate([srow, pad8], axis=1)
    vslot_ref[...] = jnp.concatenate(
        [gid_row, pad8], axis=1).astype(jnp.int32)


def _finish_body(cnt_ref, p_ref, tab_ref, wm1_ref, bm1_ref,
                 wm2_ref, bm2_ref, wm3_ref, bm3_ref, wc1_ref, bc1_ref,
                 wc2_ref, bc2_ref, out_ref):
    f32 = jnp.float32
    hi = lax.Precision.HIGHEST
    wm1 = wm1_ref[...]
    wq = wm1[:, :_D]
    wsum = wm1[:, _D:2 * _D] + wm1[:, 2 * _D:]
    cnt8 = cnt_ref[...][:, :8].astype(f32)
    ltri = jnp.where(
        lax.broadcasted_iota(jnp.int32, (8, 8), 0)
        < lax.broadcasted_iota(jnp.int32, (8, 8), 1), 1.0, 0.0)
    base = lax.dot_general(cnt8, ltri, (((1,), (0,)), ((), ())),
                           preferred_element_type=f32, precision=hi)
    sel8 = jnp.minimum(jnp.maximum(float(_K) - base, 0.0), cnt8)
    tabs = lax.dot_general(p_ref[...][:, :_V], tab_ref[...],
                           (((1,), (0,)), ((), ())),
                           preferred_element_type=f32, precision=hi)
    query = lax.dot_general(cnt8, tabs, (((1,), (0,)), ((), ())),
                            preferred_element_type=f32, precision=hi) * (1.0 / _S)
    qa = lax.dot_general(query, wq, (((1,), (1,)), ((), ())),
                         preferred_element_type=f32, precision=hi)
    tb = lax.dot_general(tabs, wsum, (((1,), (1,)), ((), ())),
                         preferred_element_type=f32, precision=hi)
    m1 = jnp.maximum(qa[:, None, :] + tb[None, :, :] + bm1_ref[...], 0.0)
    m1 = m1.reshape(_B * 8, _BOT)
    m2 = lax.dot_general(m1, wm2_ref[...], (((1,), (1,)), ((), ())),
                         preferred_element_type=f32, precision=lax.Precision.HIGHEST)
    m2 = jnp.maximum(m2 + bm2_ref[...], 0.0)
    m3 = lax.dot_general(m2, wm3_ref[...], (((1,), (1,)), ((), ())),
                         preferred_element_type=f32, precision=lax.Precision.HIGHEST) + bm3_ref[...]
    m3 = m3.reshape(_B, 8, _D)
    approx = jnp.sum(sel8[:, :, None] * m3, axis=1) * (1.0 / _K)
    c = lax.dot_general(approx, wc1_ref[...], (((1,), (1,)), ((), ())),
                        preferred_element_type=f32, precision=lax.Precision.HIGHEST)
    c = jnp.maximum(c + bc1_ref[...], 0.0)
    logit = jnp.sum(c * wc2_ref[...], axis=1, keepdims=True) + bc2_ref[...]
    out_ref[...] = _sigmoid(logit)


@functools.lru_cache(maxsize=1)
def _make_sc_kernel():
    mesh = plsc.VectorSubcoreMesh(core_axis_name="c", subcore_axis_name="s")

    @functools.partial(
        pl.kernel,
        mesh=mesh,
        compiler_params=pltpu.CompilerParams(needs_layout_passes=False),
        out_type=[
            jax.ShapeDtypeStruct((_B, _S), jnp.float32),
            jax.ShapeDtypeStruct((_B, _KPAD), jnp.int32),
            jax.ShapeDtypeStruct((_B, _LANES), jnp.int32),
        ],
        scratch_types=[
            pltpu.VMEM((_BPW * _S,), jnp.int32),
            pltpu.VMEM((_BPW * _S,), jnp.float32),
            pltpu.VMEM((_S,), jnp.int32),
            pltpu.VMEM((_KPAD,), jnp.int32),
            pltpu.VMEM((_KPAD,), jnp.int32),
            pltpu.VMEM((_S,), jnp.int32),
            pltpu.VMEM((_LANES,), jnp.float32),
            pltpu.VMEM((_LANES,), jnp.int32),
            pltpu.VMEM((_LANES,), jnp.int32),
            pltpu.VMEM((_LANES,), jnp.int32),
            pltpu.SemaphoreType.DMA,
            pltpu.SemaphoreType.DMA,
        ],
    )
    def sc_kernel(x_hbm, stab_hbm, vslot_hbm,
                  scores_hbm, idx_hbm, cnt_hbm,
                  x2_v, sc2_v, g_v, idx_va, idx_vb, hc_v, stab_v, vslot_v,
                  cnt_va, cnt_vb, sem_in, sem_out):
        wid = lax.axis_index("s") * 2 + lax.axis_index("c")
        cpx = [pltpu.async_copy(x_hbm.at[wid * _BPW + bl],
                                x2_v.at[pl.ds(bl * _S, _S)], sem_in)
               for bl in range(_BPW)]
        pltpu.sync_copy(stab_hbm.at[0], stab_v)
        pltpu.sync_copy(vslot_hbm.at[0], vslot_v)
        iota = lax.iota(jnp.int32, _LANES)
        zero = jnp.zeros((_LANES,), jnp.int32)
        UNROLL = 8
        outcps = []

        for bl in range(_BPW):
            b = wid * _BPW + bl
            xo = bl * _S
            idx_v = idx_va if bl == 0 else idx_vb
            cnt_v = cnt_va if bl == 0 else cnt_vb
            cpx[bl].wait()

            def pass1(c, carry):
                offs = [(c * UNROLL + u) * _LANES for u in range(UNROLL)]
                for off in offs:
                    hc_v[pl.ds(off, _LANES)] = zero
                xs = [x2_v[pl.ds(xo + off, _LANES)] for off in offs]
                ss = [plsc.load_gather(stab_v, [x16]) for x16 in xs]
                gs = [plsc.load_gather(vslot_v, [x16]) for x16 in xs]
                for off, s16 in zip(offs, ss):
                    sc2_v[pl.ds(xo + off, _LANES)] = s16
                for off, g16 in zip(offs, gs):
                    g_v[pl.ds(off, _LANES)] = g16
                scans = [plsc.scan_count(g16) for g16 in gs]
                for off, g16, (dup, lastm) in zip(offs, gs, scans):
                    plsc.store_scatter(hc_v, [off + g16], dup, mask=lastm)
                return carry

            lax.fori_loop(0, _CHUNKS // UNROLL, pass1, 0)

            def prefix(c, run):
                offs = [(c * UNROLL + u) * _LANES for u in range(UNROLL)]
                hs = [hc_v[pl.ds(off, _LANES)] for off in offs]
                for off, h in zip(offs, hs):
                    hc_v[pl.ds(off, _LANES)] = run
                    run = run + h
                return run

            tot = lax.fori_loop(0, _CHUNKS // UNROLL, prefix, zero)
            base = plsc.cumsum(tot) - tot

            def foldbase(c, carry):
                offs = [(c * UNROLL + u) * _LANES for u in range(UNROLL)]
                hs = [hc_v[pl.ds(off, _LANES)] for off in offs]
                for off, h in zip(offs, hs):
                    hc_v[pl.ds(off, _LANES)] = h + base
                return carry

            lax.fori_loop(0, _CHUNKS // UNROLL, foldbase, 0)

            def pass2(c, carry):
                offs = [(c * UNROLL + u) * _LANES for u in range(UNROLL)]
                gs = [g_v[pl.ds(off, _LANES)] for off in offs]
                scans = [plsc.scan_count(g16) for g16 in gs]
                priors = [plsc.load_gather(hc_v, [off + g16])
                          for off, g16 in zip(offs, gs)]
                for off, (dup, _), prior in zip(offs, scans, priors):
                    rank = prior + dup - 1
                    pos = off + iota
                    plsc.store_scatter(idx_v, [rank], pos, mask=rank < _K)
                return carry

            lax.fori_loop(0, _CHUNKS // UNROLL, pass2, 0)

            cnt_v[...] = tot
            outcps.append(pltpu.async_copy(
                sc2_v.at[pl.ds(xo, _S)], scores_hbm.at[b], sem_out))
            outcps.append(pltpu.async_copy(idx_v, idx_hbm.at[b], sem_out))
            outcps.append(pltpu.async_copy(cnt_v, cnt_hbm.at[b], sem_out))

        for cp in outcps:
            cp.wait()

    return sc_kernel


def _sc_call(x32, stab16, usc16):
    return _make_sc_kernel()(x32, stab16, usc16)


def kernel(x, table, W1, b1, W2, b2, Wm1, bm1, Wm2, bm2, Wm3, bm3,
           Wc1, bc1, Wc2, bc2):
    f32 = jnp.float32
    x32 = x.astype(jnp.int32)

    stab16, vslot16, pmat = pl.pallas_call(
        _scorer_body,
        out_shape=[
            jax.ShapeDtypeStruct((1, _LANES), f32),
            jax.ShapeDtypeStruct((1, _LANES), jnp.int32),
            jax.ShapeDtypeStruct((8, 8), f32),
        ],
    )(table, W1, b1, W2, b2)

    scores, idx_pad, cnt_slot = _sc_call(x32, stab16, vslot16)
    idx = idx_pad[:, :_K]

    out_mat = pl.pallas_call(
        _finish_body,
        out_shape=jax.ShapeDtypeStruct((_B, 1), f32),
    )(cnt_slot, pmat, table, Wm1, bm1, Wm2, bm2, Wm3, bm3, Wc1, bc1, Wc2, bc2)
    out = out_mat.reshape(_B)
    return (out, idx, scores)

# --- scband reference (transcript-rebuilt; emitter-appended) ---
"""Pipeline reference for scband-sparse-attention-approximator-83708912599685 (READ-ONLY COPY).

The authoritative reference and input builder live on the scoring server;
editing this copy changes nothing except your own understanding.
"""

import jax, jax.numpy as jnp
import numpy as np

B = 64
S = 4096
D = 256
VOCAB = 6
BOT = 8
SPARSITY = 0.1
K = max(1, int(S * SPARSITY))


def _uni(key, shape, fan_in):
    bound = 1.0 / np.sqrt(fan_in)
    return jax.random.uniform(key, shape, jnp.float32, -bound, bound)


def setup_inputs(seed: int = 0) -> dict:
    key = jax.random.key(seed)
    ks = jax.random.split(key, 12)
    x = jax.random.randint(ks[0], (B, S), 0, VOCAB, dtype=jnp.int64 if jax.config.jax_enable_x64 else jnp.int32)
    table = jax.random.normal(ks[1], (VOCAB, D), jnp.float32)
    table = table.at[5].set(0.0)  # padding_idx=5
    W1 = _uni(ks[2], (D // 2, D), D); b1 = jnp.zeros((D // 2,), jnp.float32)
    W2 = _uni(ks[3], (1, D // 2), D // 2); b2 = jnp.zeros((1,), jnp.float32)
    Wm1 = _uni(ks[4], (BOT, 3 * D), 3 * D); bm1 = jnp.zeros((BOT,), jnp.float32)
    Wm2 = _uni(ks[5], (BOT, BOT), BOT); bm2 = jnp.zeros((BOT,), jnp.float32)
    Wm3 = _uni(ks[6], (D, BOT), BOT); bm3 = jnp.zeros((D,), jnp.float32)
    Wc1 = _uni(ks[7], (D // 2, D), D); bc1 = jnp.zeros((D // 2,), jnp.float32)
    Wc2 = _uni(ks[8], (1, D // 2), D // 2); bc2 = jnp.zeros((1,), jnp.float32)
    return {"x": x, "table": table, "W1": W1, "b1": b1, "W2": W2, "b2": b2,
            "Wm1": Wm1, "bm1": bm1, "Wm2": Wm2, "bm2": bm2, "Wm3": Wm3, "bm3": bm3,
            "Wc1": Wc1, "bc1": bc1, "Wc2": Wc2, "bc2": bc2}


def reference(x, table, W1, b1, W2, b2, Wm1, bm1, Wm2, bm2, Wm3, bm3, Wc1, bc1, Wc2, bc2):
    # embedding lookup
    emb = jnp.take(table, x, axis=0)  # [B, S, D]
    # token selector: score each position
    h = jax.nn.relu(emb @ W1.T + b1)  # [B, S, D//2]
    scores = jax.nn.sigmoid(h @ W2.T + b2)[..., 0]  # [B, S]
    # top-k selection
    _, idx = jax.lax.top_k(scores, K)  # [B, K]
    selected = jnp.take_along_axis(emb, idx[:, :, None], axis=1)  # [B, K, D]
    # query: mean over sequence
    query = jnp.mean(emb, axis=1)  # [B, D]
    eq = jnp.broadcast_to(query[:, None, :], (B, K, D))
    qkv = jnp.concatenate([eq, selected, selected], axis=-1)  # [B, K, 3D]
    # bottleneck MLP approximator
    m = jax.nn.relu(qkv @ Wm1.T + bm1)
    m = jax.nn.relu(m @ Wm2.T + bm2)
    m = m @ Wm3.T + bm3  # [B, K, D]
    approx = jnp.mean(m, axis=1)  # [B, D]
    # classifier (dropout is identity in eval mode)
    c = jax.nn.relu(approx @ Wc1.T + bc1)
    out = jax.nn.sigmoid(c @ Wc2.T + bc2)[..., 0]  # [B]
    return (out, idx, scores)

if __name__ == "__main__":
    import jax
    _d = setup_inputs()
    print(jax.jit(kernel)(*tuple(_d.values())))

</pallas_src>

<mosaic_0001>
#map = affine_map<(d0, d1) -> (0, 0)>
module attributes {stable_mosaic.version = 14 : i64} {
  func.func @sc_kernel(%arg0: i32, %arg1: i32, %arg2: memref<64x4096xi32, #tpu.memory_space<hbm>>, %arg3: memref<1x16xf32, #tpu.memory_space<hbm>>, %arg4: memref<1x16xi32, #tpu.memory_space<hbm>>, %arg5: memref<64x4096xf32, #tpu.memory_space<hbm>>, %arg6: memref<64x416xi32, #tpu.memory_space<hbm>>, %arg7: memref<64x16xi32, #tpu.memory_space<hbm>>, %arg8: memref<8192xi32, #tpu.memory_space<vmem>>, %arg9: memref<8192xf32, #tpu.memory_space<vmem>>, %arg10: memref<4096xi32, #tpu.memory_space<vmem>>, %arg11: memref<416xi32, #tpu.memory_space<vmem>>, %arg12: memref<416xi32, #tpu.memory_space<vmem>>, %arg13: memref<4096xi32, #tpu.memory_space<vmem>>, %arg14: memref<16xf32, #tpu.memory_space<vmem>>, %arg15: memref<16xi32, #tpu.memory_space<vmem>>, %arg16: memref<16xi32, #tpu.memory_space<vmem>>, %arg17: memref<16xi32, #tpu.memory_space<vmem>>, %arg18: memref<!tpu.dma_semaphore, #tpu.memory_space<semaphore_mem>>, %arg19: memref<!tpu.dma_semaphore, #tpu.memory_space<semaphore_mem>>) attributes {dimension_semantics = [#tpu.dimension_semantics<core_parallel>, #tpu.dimension_semantics<subcore_parallel>], iteration_bounds = array<i64: 2, 16>, scalar_prefetch = 0 : i64, scratch_operands = 12 : i64, tpu.core_type = #tpu.core_type<sc_vector_subcore>, window_params = [{transform_indices = #map}, {transform_indices = #map}, {transform_indices = #map}, {transform_indices = #map}, {transform_indices = #map}, {transform_indices = #map}]} {
    %mul3A = arith.constant 2 : i32
    %mul3A_0 = arith.muli %arg1, %mul3A : i32
    %add3A = arith.addi %mul3A_0, %arg0 : i32
    %mul3A_1 = arith.constant 2 : i32
    %mul3A_2 = arith.muli %add3A, %mul3A_1 : i32
    %add3A_3 = arith.constant 0 : i32
    %add3A_4 = arith.addi %mul3A_2, %add3A_3 : i32
    %dma_start3A = arith.constant 0 : i32
    %dma_start3A_5 = tpu.memref_slice %arg8[%dma_start3A] : memref<8192xi32, #tpu.memory_space<vmem>> -> memref<4096xi32, #tpu.memory_space<vmem>>
    %dma_start3A_6 = arith.constant 0 : i32
    %dma_start3A_7 = tpu.memref_slice %arg2[%add3A_4, %dma_start3A_6] : memref<64x4096xi32, #tpu.memory_space<hbm>> -> memref<1x4096xi32, #tpu.memory_space<hbm>>
    %dma_start3A_8 = tpu.memref_squeeze %dma_start3A_7 : memref<1x4096xi32, #tpu.memory_space<hbm>> -> memref<4096xi32, #tpu.memory_space<hbm>>
    %dma_start3A_9 = arith.constant 0 : i32
    %dma_start3A_10 = tpu.memref_slice %arg8[%dma_start3A_9] : memref<8192xi32, #tpu.memory_space<vmem>> -> memref<4096xi32, #tpu.memory_space<vmem>>
    %dma_start3A_11 = arith.constant 0 : i32
    %dma_start3A_12 = tpu.memref_slice %arg2[%add3A_4, %dma_start3A_11] : memref<64x4096xi32, #tpu.memory_space<hbm>> -> memref<1x4096xi32, #tpu.memory_space<hbm>>
    %dma_start3A_13 = tpu.memref_squeeze %dma_start3A_12 : memref<1x4096xi32, #tpu.memory_space<hbm>> -> memref<4096xi32, #tpu.memory_space<hbm>>
    tpu.enqueue_dma source(%dma_start3A_13 : memref<4096xi32, #tpu.memory_space<hbm>>) target(%dma_start3A_10 : memref<4096xi32, #tpu.memory_space<vmem>>) target_semaphore(%arg18 : memref<!tpu.dma_semaphore, #tpu.memory_space<semaphore_mem>>)
    %mul3A_14 = arith.constant 2 : i32
    %mul3A_15 = arith.muli %add3A, %mul3A_14 : i32
    %add3A_16 = arith.constant 1 : i32
    %add3A_17 = arith.addi %mul3A_15, %add3A_16 : i32
    %dma_start3A_18 = arith.constant 4096 : i32
    %dma_start3A_19 = tpu.memref_slice %arg8[%dma_start3A_18] : memref<8192xi32, #tpu.memory_space<vmem>> -> memref<4096xi32, #tpu.memory_space<vmem>>
    %dma_start3A_20 = arith.constant 0 : i32
    %dma_start3A_21 = tpu.memref_slice %arg2[%add3A_17, %dma_start3A_20] : memref<64x4096xi32, #tpu.memory_space<hbm>> -> memref<1x4096xi32, #tpu.memory_space<hbm>>
    %dma_start3A_22 = tpu.memref_squeeze %dma_start3A_21 : memref<1x4096xi32, #tpu.memory_space<hbm>> -> memref<4096xi32, #tpu.memory_space<hbm>>
    %dma_start3A_23 = arith.constant 4096 : i32
    %dma_start3A_24 = tpu.memref_slice %arg8[%dma_start3A_23] : memref<8192xi32, #tpu.memory_space<vmem>> -> memref<4096xi32, #tpu.memory_space<vmem>>
    %dma_start3A_25 = arith.constant 0 : i32
    %dma_start3A_26 = tpu.memref_slice %arg2[%add3A_17, %dma_start3A_25] : memref<64x4096xi32, #tpu.memory_space<hbm>> -> memref<1x4096xi32, #tpu.memory_space<hbm>>
    %dma_start3A_27 = tpu.memref_squeeze %dma_start3A_26 : memref<1x4096xi32, #tpu.memory_space<hbm>> -> memref<4096xi32, #tpu.memory_space<hbm>>
    tpu.enqueue_dma source(%dma_start3A_27 : memref<4096xi32, #tpu.memory_space<hbm>>) target(%dma_start3A_24 : memref<4096xi32, #tpu.memory_space<vmem>>) target_semaphore(%arg18 : memref<!tpu.dma_semaphore, #tpu.memory_space<semaphore_mem>>)
    %run_scoped3A = arith.constant 0 : i32
    "tpu.region"() ({
      %run_scoped3A_201 = tpu.sem_alloc : memref<!tpu.dma_semaphore, #tpu.memory_space<semaphore_mem>>
      %dma_start3A_202 = arith.constant 0 : i32
      %dma_start3A_203 = tpu.memref_slice %arg3[%run_scoped3A, %dma_start3A_202] : memref<1x16xf32, #tpu.memory_space<hbm>> -> memref<1x16xf32, #tpu.memory_space<hbm>>
      %dma_start3A_204 = tpu.memref_squeeze %dma_start3A_203 : memref<1x16xf32, #tpu.memory_space<hbm>> -> memref<16xf32, #tpu.memory_space<hbm>>
      %dma_start3A_205 = arith.constant 0 : i32
      %dma_start3A_206 = tpu.memref_slice %arg3[%run_scoped3A, %dma_start3A_205] : memref<1x16xf32, #tpu.memory_space<hbm>> -> memref<1x16xf32, #tpu.memory_space<hbm>>
      %dma_start3A_207 = tpu.memref_squeeze %dma_start3A_206 : memref<1x16xf32, #tpu.memory_space<hbm>> -> memref<16xf32, #tpu.memory_space<hbm>>
      tpu.enqueue_dma source(%dma_start3A_207 : memref<16xf32, #tpu.memory_space<hbm>>) target(%arg14 : memref<16xf32, #tpu.memory_space<vmem>>) target_semaphore(%run_scoped3A_201 : memref<!tpu.dma_semaphore, #tpu.memory_space<semaphore_mem>>)
      %dma_wait3A_208 = arith.constant 0 : i32
      %dma_wait3A_209 = tpu.memref_slice %arg3[%run_scoped3A, %dma_wait3A_208] : memref<1x16xf32, #tpu.memory_space<hbm>> -> memref<1x16xf32, #tpu.memory_space<hbm>>
      %dma_wait3A_210 = tpu.memref_squeeze %dma_wait3A_209 : memref<1x16xf32, #tpu.memory_space<hbm>> -> memref<16xf32, #tpu.memory_space<hbm>>
      %dma_wait3A_211 = arith.constant 0 : i32
      %dma_wait3A_212 = tpu.memref_slice %arg3[%run_scoped3A, %dma_wait3A_211] : memref<1x16xf32, #tpu.memory_space<hbm>> -> memref<1x16xf32, #tpu.memory_space<hbm>>
      %dma_wait3A_213 = tpu.memref_squeeze %dma_wait3A_212 : memref<1x16xf32, #tpu.memory_space<hbm>> -> memref<16xf32, #tpu.memory_space<hbm>>
      tpu.wait_dma2 semaphore(%run_scoped3A_201 : memref<!tpu.dma_semaphore, #tpu.memory_space<semaphore_mem>>) src(%dma_wait3A_213 : memref<16xf32, #tpu.memory_space<hbm>>) dst(%arg14 : memref<16xf32, #tpu.memory_space<vmem>>)
      tpu.yield
    }) : () -> ()
    %run_scoped3A_28 = arith.constant 0 : i32
    "tpu.region"() ({
      %run_scoped3A_201 = tpu.sem_alloc : memref<!tpu.dma_semaphore, #tpu.memory_space<semaphore_mem>>
      %dma_start3A_202 = arith.constant 0 : i32
      %dma_start3A_203 = tpu.memref_slice %arg4[%run_scoped3A_28, %dma_start3A_202] : memref<1x16xi32, #tpu.memory_space<hbm>> -> memref<1x16xi32, #tpu.memory_space<hbm>>
      %dma_start3A_204 = tpu.memref_squeeze %dma_start3A_203 : memref<1x16xi32, #tpu.memory_space<hbm>> -> memref<16xi32, #tpu.memory_space<hbm>>
      %dma_start3A_205 = arith.constant 0 : i32
      %dma_start3A_206 = tpu.memref_slice %arg4[%run_scoped3A_28, %dma_start3A_205] : memref<1x16xi32, #tpu.memory_space<hbm>> -> memref<1x16xi32, #tpu.memory_space<hbm>>
      %dma_start3A_207 = tpu.memref_squeeze %dma_start3A_206 : memref<1x16xi32, #tpu.memory_space<hbm>> -> memref<16xi32, #tpu.memory_space<hbm>>
      tpu.enqueue_dma source(%dma_start3A_207 : memref<16xi32, #tpu.memory_space<hbm>>) target(%arg15 : memref<16xi32, #tpu.memory_space<vmem>>) target_semaphore(%run_scoped3A_201 : memref<!tpu.dma_semaphore, #tpu.memory_space<semaphore_mem>>)
      %dma_wait3A_208 = arith.constant 0 : i32
      %dma_wait3A_209 = tpu.memref_slice %arg4[%run_scoped3A_28, %dma_wait3A_208] : memref<1x16xi32, #tpu.memory_space<hbm>> -> memref<1x16xi32, #tpu.memory_space<hbm>>
      %dma_wait3A_210 = tpu.memref_squeeze %dma_wait3A_209 : memref<1x16xi32, #tpu.memory_space<hbm>> -> memref<16xi32, #tpu.memory_space<hbm>>
      %dma_wait3A_211 = arith.constant 0 : i32
      %dma_wait3A_212 = tpu.memref_slice %arg4[%run_scoped3A_28, %dma_wait3A_211] : memref<1x16xi32, #tpu.memory_space<hbm>> -> memref<1x16xi32, #tpu.memory_space<hbm>>
      %dma_wait3A_213 = tpu.memref_squeeze %dma_wait3A_212 : memref<1x16xi32, #tpu.memory_space<hbm>> -> memref<16xi32, #tpu.memory_space<hbm>>
      tpu.wait_dma2 semaphore(%run_scoped3A_201 : memref<!tpu.dma_semaphore, #tpu.memory_space<semaphore_mem>>) src(%dma_wait3A_213 : memref<16xi32, #tpu.memory_space<hbm>>) dst(%arg15 : memref<16xi32, #tpu.memory_space<vmem>>)
      tpu.yield
    }) : () -> ()
    %iota3A = tpu.iota {dimensions = array<i32: 0>} : vector<16xi32>
    %broadcast_in_dim3A = arith.constant 0 : i32
    %broadcast_in_dim3A_29 = vector.broadcast %broadcast_in_dim3A : i32 to vector<16xi32>
    %mul3A_30 = arith.constant 2 : i32
    %mul3A_31 = arith.muli %add3A, %mul3A_30 : i32
    %add3A_32 = arith.constant 0 : i32
    %add3A_33 = arith.addi %mul3A_31, %add3A_32 : i32
    %dma_wait3A = arith.constant 0 : i32
    %dma_wait3A_34 = tpu.memref_slice %arg8[%dma_wait3A] : memref<8192xi32, #tpu.memory_space<vmem>> -> memref<4096xi32, #tpu.memory_space<vmem>>
    %dma_wait3A_35 = arith.constant 0 : i32
    %dma_wait3A_36 = tpu.memref_slice %arg2[%add3A_4, %dma_wait3A_35] : memref<64x4096xi32, #tpu.memory_space<hbm>> -> memref<1x4096xi32, #tpu.memory_space<hbm>>
    %dma_wait3A_37 = tpu.memref_squeeze %dma_wait3A_36 : memref<1x4096xi32, #tpu.memory_space<hbm>> -> memref<4096xi32, #tpu.memory_space<hbm>>
    %dma_wait3A_38 = arith.constant 0 : i32
    %dma_wait3A_39 = tpu.memref_slice %arg8[%dma_wait3A_38] : memref<8192xi32, #tpu.memory_space<vmem>> -> memref<4096xi32, #tpu.memory_space<vmem>>
    %dma_wait3A_40 = arith.constant 0 : i32
    %dma_wait3A_41 = tpu.memref_slice %arg2[%add3A_4, %dma_wait3A_40] : memref<64x4096xi32, #tpu.memory_space<hbm>> -> memref<1x4096xi32, #tpu.memory_space<hbm>>
    %dma_wait3A_42 = tpu.memref_squeeze %dma_wait3A_41 : memref<1x4096xi32, #tpu.memory_space<hbm>> -> memref<4096xi32, #tpu.memory_space<hbm>>
    tpu.wait_dma2 semaphore(%arg18 : memref<!tpu.dma_semaphore, #tpu.memory_space<semaphore_mem>>) src(%dma_wait3A_42 : memref<4096xi32, #tpu.memory_space<hbm>>) dst(%dma_wait3A_39 : memref<4096xi32, #tpu.memory_space<vmem>>)
    %scan3A = arith.constant 0 : i32
    %scan3A_43 = arith.constant 0 : i32
    %scan3A_44 = arith.constant 32 : i32
    %scan3A_45 = arith.addi %scan3A_43, %scan3A_44 : i32
    %scan3A_46 = arith.constant 1 : i32
    scf.for %scan3A_201 = %scan3A_43 to %scan3A_45 step %scan3A_46  : i32 {
      %mul3A_202 = arith.constant 8 : i32
      %mul3A_203 = arith.muli %scan3A_201, %mul3A_202 : i32
      %add3A_204 = arith.constant 0 : i32
      %add3A_205 = arith.addi %mul3A_203, %add3A_204 : i32
      %mul3A_206 = arith.constant 16 : i32
      %mul3A_207 = arith.muli %add3A_205, %mul3A_206 : i32
      %mul3A_208 = arith.constant 8 : i32
      %mul3A_209 = arith.muli %scan3A_201, %mul3A_208 : i32
      %add3A_210 = arith.constant 1 : i32
      %add3A_211 = arith.addi %mul3A_209, %add3A_210 : i32
      %mul3A_212 = arith.constant 16 : i32
      %mul3A_213 = arith.muli %add3A_211, %mul3A_212 : i32
      %mul3A_214 = arith.constant 8 : i32
      %mul3A_215 = arith.muli %scan3A_201, %mul3A_214 : i32
      %add3A_216 = arith.constant 2 : i32
      %add3A_217 = arith.addi %mul3A_215, %add3A_216 : i32
      %mul3A_218 = arith.constant 16 : i32
      %mul3A_219 = arith.muli %add3A_217, %mul3A_218 : i32
      %mul3A_220 = arith.constant 8 : i32
      %mul3A_221 = arith.muli %scan3A_201, %mul3A_220 : i32
      %add3A_222 = arith.constant 3 : i32
      %add3A_223 = arith.addi %mul3A_221, %add3A_222 : i32
      %mul3A_224 = arith.constant 16 : i32
      %mul3A_225 = arith.muli %add3A_223, %mul3A_224 : i32
      %mul3A_226 = arith.constant 8 : i32
      %mul3A_227 = arith.muli %scan3A_201, %mul3A_226 : i32
      %add3A_228 = arith.constant 4 : i32
      %add3A_229 = arith.addi %mul3A_227, %add3A_228 : i32
      %mul3A_230 = arith.constant 16 : i32
      %mul3A_231 = arith.muli %add3A_229, %mul3A_230 : i32
      %mul3A_232 = arith.constant 8 : i32
      %mul3A_233 = arith.muli %scan3A_201, %mul3A_232 : i32
      %add3A_234 = arith.constant 5 : i32
      %add3A_235 = arith.addi %mul3A_233, %add3A_234 : i32
      %mul3A_236 = arith.constant 16 : i32
      %mul3A_237 = arith.muli %add3A_235, %mul3A_236 : i32
      %mul3A_238 = arith.constant 8 : i32
      %mul3A_239 = arith.muli %scan3A_201, %mul3A_238 : i32
      %add3A_240 = arith.constant 6 : i32
      %add3A_241 = arith.addi %mul3A_239, %add3A_240 : i32
      %mul3A_242 = arith.constant 16 : i32
      %mul3A_243 = arith.muli %add3A_241, %mul3A_242 : i32
      %mul3A_244 = arith.constant 8 : i32
      %mul3A_245 = arith.muli %scan3A_201, %mul3A_244 : i32
      %add3A_246 = arith.constant 7 : i32
      %add3A_247 = arith.addi %mul3A_245, %add3A_246 : i32
      %mul3A_248 = arith.constant 16 : i32
      %mul3A_249 = arith.muli %add3A_247, %mul3A_248 : i32
      %swap3A_250 = arith.index_cast %mul3A_207 : i32 to index
      %swap3A_251 = tpu.vector_load %arg13[%swap3A_250] {strides = array<i32>} : memref<4096xi32, #tpu.memory_space<vmem>>, vector<16xi32>,
      tpu.vector_store %arg13[%swap3A_250], %broadcast_in_dim3A_29 {strides = array<i32>} : memref<4096xi32, #tpu.memory_space<vmem>>, vector<16xi32>,
      %swap3A_252 = arith.index_cast %mul3A_213 : i32 to index
      %swap3A_253 = tpu.vector_load %arg13[%swap3A_252] {strides = array<i32>} : memref<4096xi32, #tpu.memory_space<vmem>>, vector<16xi32>,
      tpu.vector_store %arg13[%swap3A_252], %broadcast_in_dim3A_29 {strides = array<i32>} : memref<4096xi32, #tpu.memory_space<vmem>>, vector<16xi32>,
      %swap3A_254 = arith.index_cast %mul3A_219 : i32 to index
      %swap3A_255 = tpu.vector_load %arg13[%swap3A_254] {strides = array<i32>} : memref<4096xi32, #tpu.memory_space<vmem>>, vector<16xi32>,
      tpu.vector_store %arg13[%swap3A_254], %broadcast_in_dim3A_29 {strides = array<i32>} : memref<4096xi32, #tpu.memory_space<vmem>>, vector<16xi32>,
      %swap3A_256 = arith.index_cast %mul3A_225 : i32 to index
      %swap3A_257 = tpu.vector_load %arg13[%swap3A_256] {strides = array<i32>} : memref<4096xi32, #tpu.memory_space<vmem>>, vector<16xi32>,
      tpu.vector_store %arg13[%swap3A_256], %broadcast_in_dim3A_29 {strides = array<i32>} : memref<4096xi32, #tpu.memory_space<vmem>>, vector<16xi32>,
      %swap3A_258 = arith.index_cast %mul3A_231 : i32 to index
      %swap3A_259 = tpu.vector_load %arg13[%swap3A_258] {strides = array<i32>} : memref<4096xi32, #tpu.memory_space<vmem>>, vector<16xi32>,
      tpu.vector_store %arg13[%swap3A_258], %broadcast_in_dim3A_29 {strides = array<i32>} : memref<4096xi32, #tpu.memory_space<vmem>>, vector<16xi32>,
      %swap3A_260 = arith.index_cast %mul3A_237 : i32 to index
      %swap3A_261 = tpu.vector_load %arg13[%swap3A_260] {strides = array<i32>} : memref<4096xi32, #tpu.memory_space<vmem>>, vector<16xi32>,
      tpu.vector_store %arg13[%swap3A_260], %broadcast_in_dim3A_29 {strides = array<i32>} : memref<4096xi32, #tpu.memory_space<vmem>>, vector<16xi32>,
      %swap3A_262 = arith.index_cast %mul3A_243 : i32 to index
      %swap3A_263 = tpu.vector_load %arg13[%swap3A_262] {strides = array<i32>} : memref<4096xi32, #tpu.memory_space<vmem>>, vector<16xi32>,
      tpu.vector_store %arg13[%swap3A_262], %broadcast_in_dim3A_29 {strides = array<i32>} : memref<4096xi32, #tpu.memory_space<vmem>>, vector<16xi32>,
      %swap3A_264 = arith.index_cast %mul3A_249 : i32 to index
      %swap3A_265 = tpu.vector_load %arg13[%swap3A_264] {strides = array<i32>} : memref<4096xi32, #tpu.memory_space<vmem>>, vector<16xi32>,
      tpu.vector_store %arg13[%swap3A_264], %broadcast_in_dim3A_29 {strides = array<i32>} : memref<4096xi32, #tpu.memory_space<vmem>>, vector<16xi32>,
      %add3A_266 = arith.constant 0 : i32
      %add3A_267 = arith.addi %add3A_266, %mul3A_207 : i32
      %get3A = arith.index_cast %add3A_267 : i32 to index
      %get3A_268 = tpu.vector_load %arg8[%get3A] {strides = array<i32>} : memref<8192xi32, #tpu.memory_space<vmem>>, vector<16xi32>,
      %add3A_269 = arith.constant 0 : i32
      %add3A_270 = arith.addi %add3A_269, %mul3A_213 : i32
      %get3A_271 = arith.index_cast %add3A_270 : i32 to index
      %get3A_272 = tpu.vector_load %arg8[%get3A_271] {strides = array<i32>} : memref<8192xi32, #tpu.memory_space<vmem>>, vector<16xi32>,
      %add3A_273 = arith.constant 0 : i32
      %add3A_274 = arith.addi %add3A_273, %mul3A_219 : i32
      %get3A_275 = arith.index_cast %add3A_274 : i32 to index
      %get3A_276 = tpu.vector_load %arg8[%get3A_275] {strides = array<i32>} : memref<8192xi32, #tpu.memory_space<vmem>>, vector<16xi32>,
      %add3A_277 = arith.constant 0 : i32
      %add3A_278 = arith.addi %add3A_277, %mul3A_225 : i32
      %get3A_279 = arith.index_cast %add3A_278 : i32 to index
      %get3A_280 = tpu.vector_load %arg8[%get3A_279] {strides = array<i32>} : memref<8192xi32, #tpu.memory_space<vmem>>, vector<16xi32>,
      %add3A_281 = arith.constant 0 : i32
      %add3A_282 = arith.addi %add3A_281, %mul3A_231 : i32
      %get3A_283 = arith.index_cast %add3A_282 : i32 to index
      %get3A_284 = tpu.vector_load %arg8[%get3A_283] {strides = array<i32>} : memref<8192xi32, #tpu.memory_space<vmem>>, vector<16xi32>,
      %add3A_285 = arith.constant 0 : i32
      %add3A_286 = arith.addi %add3A_285, %mul3A_237 : i32
      %get3A_287 = arith.index_cast %add3A_286 : i32 to index
      %get3A_288 = tpu.vector_load %arg8[%get3A_287] {strides = array<i32>} : memref<8192xi32, #tpu.memory_space<vmem>>, vector<16xi32>,
      %add3A_289 = arith.constant 0 : i32
      %add3A_290 = arith.addi %add3A_289, %mul3A_243 : i32
      %get3A_291 = arith.index_cast %add3A_290 : i32 to index
      %get3A_292 = tpu.vector_load %arg8[%get3A_291] {strides = array<i32>} : memref<8192xi32, #tpu.memory_space<vmem>>, vector<16xi32>,
      %add3A_293 = arith.constant 0 : i32
      %add3A_294 = arith.addi %add3A_293, %mul3A_249 : i32
      %get3A_295 = arith.index_cast %add3A_294 : i32 to index
      %get3A_296 = tpu.vector_load %arg8[%get3A_295] {strides = array<i32>} : memref<8192xi32, #tpu.memory_space<vmem>>, vector<16xi32>,
      %gather3A = tpu.vector_load_idx %arg14[%get3A_268] : memref<16xf32, #tpu.memory_space<vmem>>[vector<16xi32>], vector<16xf32>,
      %gather3A_297 = tpu.vector_load_idx %arg14[%get3A_272] : memref<16xf32, #tpu.memory_space<vmem>>[vector<16xi32>], vector<16xf32>,
      %gather3A_298 = tpu.vector_load_idx %arg14[%get3A_276] : memref<16xf32, #tpu.memory_space<vmem>>[vector<16xi32>], vector<16xf32>,
      %gather3A_299 = tpu.vector_load_idx %arg14[%get3A_280] : memref<16xf32, #tpu.memory_space<vmem>>[vector<16xi32>], vector<16xf32>,
      %gather3A_300 = tpu.vector_load_idx %arg14[%get3A_284] : memref<16xf32, #tpu.memory_space<vmem>>[vector<16xi32>], vector<16xf32>,
      %gather3A_301 = tpu.vector_load_idx %arg14[%get3A_288] : memref<16xf32, #tpu.memory_space<vmem>>[vector<16xi32>], vector<16xf32>,
      %gather3A_302 = tpu.vector_load_idx %arg14[%get3A_292] : memref<16xf32, #tpu.memory_space<vmem>>[vector<16xi32>], vector<16xf32>,
      %gather3A_303 = tpu.vector_load_idx %arg14[%get3A_296] : memref<16xf32, #tpu.memory_space<vmem>>[vector<16xi32>], vector<16xf32>,
      %gather3A_304 = tpu.vector_load_idx %arg15[%get3A_268] : memref<16xi32, #tpu.memory_space<vmem>>[vector<16xi32>], vector<16xi32>,
      %gather3A_305 = tpu.vector_load_idx %arg15[%get3A_272] : memref<16xi32, #tpu.memory_space<vmem>>[vector<16xi32>], vector<16xi32>,
      %gather3A_306 = tpu.vector_load_idx %arg15[%get3A_276] : memref<16xi32, #tpu.memory_space<vmem>>[vector<16xi32>], vector<16xi32>,
      %gather3A_307 = tpu.vector_load_idx %arg15[%get3A_280] : memref<16xi32, #tpu.memory_space<vmem>>[vector<16xi32>], vector<16xi32>,
      %gather3A_308 = tpu.vector_load_idx %arg15[%get3A_284] : memref<16xi32, #tpu.memory_space<vmem>>[vector<16xi32>], vector<16xi32>,
      %gather3A_309 = tpu.vector_load_idx %arg15[%get3A_288] : memref<16xi32, #tpu.memory_space<vmem>>[vector<16xi32>], vector<16xi32>,
      %gather3A_310 = tpu.vector_load_idx %arg15[%get3A_292] : memref<16xi32, #tpu.memory_space<vmem>>[vector<16xi32>], vector<16xi32>,
      %gather3A_311 = tpu.vector_load_idx %arg15[%get3A_296] : memref<16xi32, #tpu.memory_space<vmem>>[vector<16xi32>], vector<16xi32>,
      %add3A_312 = arith.constant 0 : i32
      %add3A_313 = arith.addi %add3A_312, %mul3A_207 : i32
      %swap3A_314 = arith.index_cast %add3A_313 : i32 to index
      %swap3A_315 = tpu.vector_load %arg9[%swap3A_314] {strides = array<i32>} : memref<8192xf32, #tpu.memory_space<vmem>>, vector<16xf32>,
      tpu.vector_store %arg9[%swap3A_314], %gather3A {strides = array<i32>} : memref<8192xf32, #tpu.memory_space<vmem>>, vector<16xf32>,
      %add3A_316 = arith.constant 0 : i32
      %add3A_317 = arith.addi %add3A_316, %mul3A_213 : i32
      %swap3A_318 = arith.index_cast %add3A_317 : i32 to index
      %swap3A_319 = tpu.vector_load %arg9[%swap3A_318] {strides = array<i32>} : memref<8192xf32, #tpu.memory_space<vmem>>, vector<16xf32>,
      tpu.vector_store %arg9[%swap3A_318], %gather3A_297 {strides = array<i32>} : memref<8192xf32, #tpu.memory_space<vmem>>, vector<16xf32>,
      %add3A_320 = arith.constant 0 : i32
      %add3A_321 = arith.addi %add3A_320, %mul3A_219 : i32
      %swap3A_322 = arith.index_cast %add3A_321 : i32 to index
      %swap3A_323 = tpu.vector_load %arg9[%swap3A_322] {strides = array<i32>} : memref<8192xf32, #tpu.memory_space<vmem>>, vector<16xf32>,
      tpu.vector_store %arg9[%swap3A_322], %gather3A_298 {strides = array<i32>} : memref<8192xf32, #tpu.memory_space<vmem>>, vector<16xf32>,
      %add3A_324 = arith.constant 0 : i32
      %add3A_325 = arith.addi %add3A_324, %mul3A_225 : i32
      %swap3A_326 = arith.index_cast %add3A_325 : i32 to index
      %swap3A_327 = tpu.vector_load %arg9[%swap3A_326] {strides = array<i32>} : memref<8192xf32, #tpu.memory_space<vmem>>, vector<16xf32>,
      tpu.vector_store %arg9[%swap3A_326], %gather3A_299 {strides = array<i32>} : memref<8192xf32, #tpu.memory_space<vmem>>, vector<16xf32>,
      %add3A_328 = arith.constant 0 : i32
      %add3A_329 = arith.addi %add3A_328, %mul3A_231 : i32
      %swap3A_330 = arith.index_cast %add3A_329 : i32 to index
      %swap3A_331 = tpu.vector_load %arg9[%swap3A_330] {strides = array<i32>} : memref<8192xf32, #tpu.memory_space<vmem>>, vector<16xf32>,
      tpu.vector_store %arg9[%swap3A_330], %gather3A_300 {strides = array<i32>} : memref<8192xf32, #tpu.memory_space<vmem>>, vector<16xf32>,
      %add3A_332 = arith.constant 0 : i32
      %add3A_333 = arith.addi %add3A_332, %mul3A_237 : i32
      %swap3A_334 = arith.index_cast %add3A_333 : i32 to index
      %swap3A_335 = tpu.vector_load %arg9[%swap3A_334] {strides = array<i32>} : memref<8192xf32, #tpu.memory_space<vmem>>, vector<16xf32>,
      tpu.vector_store %arg9[%swap3A_334], %gather3A_301 {strides = array<i32>} : memref<8192xf32, #tpu.memory_space<vmem>>, vector<16xf32>,
      %add3A_336 = arith.constant 0 : i32
      %add3A_337 = arith.addi %add3A_336, %mul3A_243 : i32
      %swap3A_338 = arith.index_cast %add3A_337 : i32 to index
      %swap3A_339 = tpu.vector_load %arg9[%swap3A_338] {strides = array<i32>} : memref<8192xf32, #tpu.memory_space<vmem>>, vector<16xf32>,
      tpu.vector_store %arg9[%swap3A_338], %gather3A_302 {strides = array<i32>} : memref<8192xf32, #tpu.memory_space<vmem>>, vector<16xf32>,
      %add3A_340 = arith.constant 0 : i32
      %add3A_341 = arith.addi %add3A_340, %mul3A_249 : i32
      %swap3A_342 = arith.index_cast %add3A_341 : i32 to index
      %swap3A_343 = tpu.vector_load %arg9[%swap3A_342] {strides = array<i32>} : memref<8192xf32, #tpu.memory_space<vmem>>, vector<16xf32>,
      tpu.vector_store %arg9[%swap3A_342], %gather3A_303 {strides = array<i32>} : memref<8192xf32, #tpu.memory_space<vmem>>, vector<16xf32>,
      %swap3A_344 = arith.index_cast %mul3A_207 : i32 to index
      %swap3A_345 = tpu.vector_load %arg10[%swap3A_344] {strides = array<i32>} : memref<4096xi32, #tpu.memory_space<vmem>>, vector<16xi32>,
      tpu.vector_store %arg10[%swap3A_344], %gather3A_304 {strides = array<i32>} : memref<4096xi32, #tpu.memory_space<vmem>>, vector<16xi32>,
      %swap3A_346 = arith.index_cast %mul3A_213 : i32 to index
      %swap3A_347 = tpu.vector_load %arg10[%swap3A_346] {strides = array<i32>} : memref<4096xi32, #tpu.memory_space<vmem>>, vector<16xi32>,
      tpu.vector_store %arg10[%swap3A_346], %gather3A_305 {strides = array<i32>} : memref<4096xi32, #tpu.memory_space<vmem>>, vector<16xi32>,
      %swap3A_348 = arith.index_cast %mul3A_219 : i32 to index
      %swap3A_349 = tpu.vector_load %arg10[%swap3A_348] {strides = array<i32>} : memref<4096xi32, #tpu.memory_space<vmem>>, vector<16xi32>,
      tpu.vector_store %arg10[%swap3A_348], %gather3A_306 {strides = array<i32>} : memref<4096xi32, #tpu.memory_space<vmem>>, vector<16xi32>,
      %swap3A_350 = arith.index_cast %mul3A_225 : i32 to index
      %swap3A_351 = tpu.vector_load %arg10[%swap3A_350] {strides = array<i32>} : memref<4096xi32, #tpu.memory_space<vmem>>, vector<16xi32>,
      tpu.vector_store %arg10[%swap3A_350], %gather3A_307 {strides = array<i32>} : memref<4096xi32, #tpu.memory_space<vmem>>, vector<16xi32>,
      %swap3A_352 = arith.index_cast %mul3A_231 : i32 to index
      %swap3A_353 = tpu.vector_load %arg10[%swap3A_352] {strides = array<i32>} : memref<4096xi32, #tpu.memory_space<vmem>>, vector<16xi32>,
      tpu.vector_store %arg10[%swap3A_352], %gather3A_308 {strides = array<i32>} : memref<4096xi32, #tpu.memory_space<vmem>>, vector<16xi32>,
      %swap3A_354 = arith.index_cast %mul3A_237 : i32 to index
      %swap3A_355 = tpu.vector_load %arg10[%swap3A_354] {strides = array<i32>} : memref<4096xi32, #tpu.memory_space<vmem>>, vector<16xi32>,
      tpu.vector_store %arg10[%swap3A_354], %gather3A_309 {strides = array<i32>} : memref<4096xi32, #tpu.memory_space<vmem>>, vector<16xi32>,
      %swap3A_356 = arith.index_cast %mul3A_243 : i32 to index
      %swap3A_357 = tpu.vector_load %arg10[%swap3A_356] {strides = array<i32>} : memref<4096xi32, #tpu.memory_space<vmem>>, vector<16xi32>,
      tpu.vector_store %arg10[%swap3A_356], %gather3A_310 {strides = array<i32>} : memref<4096xi32, #tpu.memory_space<vmem>>, vector<16xi32>,
      %swap3A_358 = arith.index_cast %mul3A_249 : i32 to index
      %swap3A_359 = tpu.vector_load %arg10[%swap3A_358] {strides = array<i32>} : memref<4096xi32, #tpu.memory_space<vmem>>, vector<16xi32>,
      tpu.vector_store %arg10[%swap3A_358], %gather3A_311 {strides = array<i32>} : memref<4096xi32, #tpu.memory_space<vmem>>, vector<16xi32>,
      %broadcast_in_dim3A_360 = arith.constant true
      %broadcast_in_dim3A_361 = vector.broadcast %broadcast_in_dim3A_360 : i1 to vector<16xi1>
      %unique3A, %unique3A_362 = tpu.scan_count mask(%broadcast_in_dim3A_361 : vector<16xi1>) value(%gather3A_304 : vector<16xi32>) : vector<16xi1>, vector<16xi32>
      %broadcast_in_dim3A_363 = arith.constant true
      %broadcast_in_dim3A_364 = vector.broadcast %broadcast_in_dim3A_363 : i1 to vector<16xi1>
      %unique3A_365, %unique3A_366 = tpu.scan_count mask(%broadcast_in_dim3A_364 : vector<16xi1>) value(%gather3A_305 : vector<16xi32>) : vector<16xi1>, vector<16xi32>
      %broadcast_in_dim3A_367 = arith.constant true
      %broadcast_in_dim3A_368 = vector.broadcast %broadcast_in_dim3A_367 : i1 to vector<16xi1>
      %unique3A_369, %unique3A_370 = tpu.scan_count mask(%broadcast_in_dim3A_368 : vector<16xi1>) value(%gather3A_306 : vector<16xi32>) : vector<16xi1>, vector<16xi32>
      %broadcast_in_dim3A_371 = arith.constant true
      %broadcast_in_dim3A_372 = vector.broadcast %broadcast_in_dim3A_371 : i1 to vector<16xi1>
      %unique3A_373, %unique3A_374 = tpu.scan_count mask(%broadcast_in_dim3A_372 : vector<16xi1>) value(%gather3A_307 : vector<16xi32>) : vector<16xi1>, vector<16xi32>
      %broadcast_in_dim3A_375 = arith.constant true
      %broadcast_in_dim3A_376 = vector.broadcast %broadcast_in_dim3A_375 : i1 to vector<16xi1>
      %unique3A_377, %unique3A_378 = tpu.scan_count mask(%broadcast_in_dim3A_376 : vector<16xi1>) value(%gather3A_308 : vector<16xi32>) : vector<16xi1>, vector<16xi32>
      %broadcast_in_dim3A_379 = arith.constant true
      %broadcast_in_dim3A_380 = vector.broadcast %broadcast_in_dim3A_379 : i1 to vector<16xi1>
      %unique3A_381, %unique3A_382 = tpu.scan_count mask(%broadcast_in_dim3A_380 : vector<16xi1>) value(%gather3A_309 : vector<16xi32>) : vector<16xi1>, vector<16xi32>
      %broadcast_in_dim3A_383 = arith.constant true
      %broadcast_in_dim3A_384 = vector.broadcast %broadcast_in_dim3A_383 : i1 to vector<16xi1>
      %unique3A_385, %unique3A_386 = tpu.scan_count mask(%broadcast_in_dim3A_384 : vector<16xi1>) value(%gather3A_310 : vector<16xi32>) : vector<16xi1>, vector<16xi32>
      %broadcast_in_dim3A_387 = arith.constant true
      %broadcast_in_dim3A_388 = vector.broadcast %broadcast_in_dim3A_387 : i1 to vector<16xi1>
      %unique3A_389, %unique3A_390 = tpu.scan_count mask(%broadcast_in_dim3A_388 : vector<16xi1>) value(%gather3A_311 : vector<16xi32>) : vector<16xi1>, vector<16xi32>
      %add3A_391 = vector.broadcast %mul3A_207 : i32 to vector<16xi32>
      %add3A_392 = arith.addi %add3A_391, %gather3A_304 : vector<16xi32>
      tpu.vector_store_idx %arg13[%add3A_392], %unique3A_362 masked %unique3A : memref<4096xi32, #tpu.memory_space<vmem>>[vector<16xi32>], vector<16xi32>, vector<16xi1>
      %add3A_393 = vector.broadcast %mul3A_213 : i32 to vector<16xi32>
      %add3A_394 = arith.addi %add3A_393, %gather3A_305 : vector<16xi32>
      tpu.vector_store_idx %arg13[%add3A_394], %unique3A_366 masked %unique3A_365 : memref<4096xi32, #tpu.memory_space<vmem>>[vector<16xi32>], vector<16xi32>, vector<16xi1>
      %add3A_395 = vector.broadcast %mul3A_219 : i32 to vector<16xi32>
      %add3A_396 = arith.addi %add3A_395, %gather3A_306 : vector<16xi32>
      tpu.vector_store_idx %arg13[%add3A_396], %unique3A_370 masked %unique3A_369 : memref<4096xi32, #tpu.memory_space<vmem>>[vector<16xi32>], vector<16xi32>, vector<16xi1>
      %add3A_397 = vector.broadcast %mul3A_225 : i32 to vector<16xi32>
      %add3A_398 = arith.addi %add3A_397, %gather3A_307 : vector<16xi32>
      tpu.vector_store_idx %arg13[%add3A_398], %unique3A_374 masked %unique3A_373 : memref<4096xi32, #tpu.memory_space<vmem>>[vector<16xi32>], vector<16xi32>, vector<16xi1>
      %add3A_399 = vector.broadcast %mul3A_231 : i32 to vector<16xi32>
      %add3A_400 = arith.addi %add3A_399, %gather3A_308 : vector<16xi32>
      tpu.vector_store_idx %arg13[%add3A_400], %unique3A_378 masked %unique3A_377 : memref<4096xi32, #tpu.memory_space<vmem>>[vector<16xi32>], vector<16xi32>, vector<16xi1>
      %add3A_401 = vector.broadcast %mul3A_237 : i32 to vector<16xi32>
      %add3A_402 = arith.addi %add3A_401, %gather3A_309 : vector<16xi32>
      tpu.vector_store_idx %arg13[%add3A_402], %unique3A_382 masked %unique3A_381 : memref<4096xi32, #tpu.memory_space<vmem>>[vector<16xi32>], vector<16xi32>, vector<16xi1>
      %add3A_403 = vector.broadcast %mul3A_243 : i32 to vector<16xi32>
      %add3A_404 = arith.addi %add3A_403, %gather3A_310 : vector<16xi32>
      tpu.vector_store_idx %arg13[%add3A_404], %unique3A_386 masked %unique3A_385 : memref<4096xi32, #tpu.memory_space<vmem>>[vector<16xi32>], vector<16xi32>, vector<16xi1>
      %add3A_405 = vector.broadcast %mul3A_249 : i32 to vector<16xi32>
      %add3A_406 = arith.addi %add3A_405, %gather3A_311 : vector<16xi32>
      tpu.vector_store_idx %arg13[%add3A_406], %unique3A_390 masked %unique3A_389 : memref<4096xi32, #tpu.memory_space<vmem>>[vector<16xi32>], vector<16xi32>, vector<16xi1>
    }
    %scan3A_47 = arith.constant 32 : i32
    %scan3A_48 = arith.constant 0 : i32
    %scan3A_49 = arith.constant 32 : i32
    %scan3A_50 = arith.addi %scan3A_48, %scan3A_49 : i32
    %scan3A_51 = arith.constant 1 : i32
    %scan3A_52 = scf.for %scan3A_201 = %scan3A_48 to %scan3A_50 step %scan3A_51 iter_args(%scan3A_202 = %broadcast_in_dim3A_29) -> (vector<16xi32>)  : i32 {
      %mul3A_203 = arith.constant 8 : i32
      %mul3A_204 = arith.muli %scan3A_201, %mul3A_203 : i32
      %add3A_205 = arith.constant 0 : i32
      %add3A_206 = arith.addi %mul3A_204, %add3A_205 : i32
      %mul3A_207 = arith.constant 16 : i32
      %mul3A_208 = arith.muli %add3A_206, %mul3A_207 : i32
      %mul3A_209 = arith.constant 8 : i32
      %mul3A_210 = arith.muli %scan3A_201, %mul3A_209 : i32
      %add3A_211 = arith.constant 1 : i32
      %add3A_212 = arith.addi %mul3A_210, %add3A_211 : i32
      %mul3A_213 = arith.constant 16 : i32
      %mul3A_214 = arith.muli %add3A_212, %mul3A_213 : i32
      %mul3A_215 = arith.constant 8 : i32
      %mul3A_216 = arith.muli %scan3A_201, %mul3A_215 : i32
      %add3A_217 = arith.constant 2 : i32
      %add3A_218 = arith.addi %mul3A_216, %add3A_217 : i32
      %mul3A_219 = arith.constant 16 : i32
      %mul3A_220 = arith.muli %add3A_218, %mul3A_219 : i32
      %mul3A_221 = arith.constant 8 : i32
      %mul3A_222 = arith.muli %scan3A_201, %mul3A_221 : i32
      %add3A_223 = arith.constant 3 : i32
      %add3A_224 = arith.addi %mul3A_222, %add3A_223 : i32
      %mul3A_225 = arith.constant 16 : i32
      %mul3A_226 = arith.muli %add3A_224, %mul3A_225 : i32
      %mul3A_227 = arith.constant 8 : i32
      %mul3A_228 = arith.muli %scan3A_201, %mul3A_227 : i32
      %add3A_229 = arith.constant 4 : i32
      %add3A_230 = arith.addi %mul3A_228, %add3A_229 : i32
      %mul3A_231 = arith.constant 16 : i32
      %mul3A_232 = arith.muli %add3A_230, %mul3A_231 : i32
      %mul3A_233 = arith.constant 8 : i32
      %mul3A_234 = arith.muli %scan3A_201, %mul3A_233 : i32
      %add3A_235 = arith.constant 5 : i32
      %add3A_236 = arith.addi %mul3A_234, %add3A_235 : i32
      %mul3A_237 = arith.constant 16 : i32
      %mul3A_238 = arith.muli %add3A_236, %mul3A_237 : i32
      %mul3A_239 = arith.constant 8 : i32
      %mul3A_240 = arith.muli %scan3A_201, %mul3A_239 : i32
      %add3A_241 = arith.constant 6 : i32
      %add3A_242 = arith.addi %mul3A_240, %add3A_241 : i32
      %mul3A_243 = arith.constant 16 : i32
      %mul3A_244 = arith.muli %add3A_242, %mul3A_243 : i32
      %mul3A_245 = arith.constant 8 : i32
      %mul3A_246 = arith.muli %scan3A_201, %mul3A_245 : i32
      %add3A_247 = arith.constant 7 : i32
      %add3A_248 = arith.addi %mul3A_246, %add3A_247 : i32
      %mul3A_249 = arith.constant 16 : i32
      %mul3A_250 = arith.muli %add3A_248, %mul3A_249 : i32
      %get3A = arith.index_cast %mul3A_208 : i32 to index
      %get3A_251 = tpu.vector_load %arg13[%get3A] {strides = array<i32>} : memref<4096xi32, #tpu.memory_space<vmem>>, vector<16xi32>,
      %get3A_252 = arith.index_cast %mul3A_214 : i32 to index
      %get3A_253 = tpu.vector_load %arg13[%get3A_252] {strides = array<i32>} : memref<4096xi32, #tpu.memory_space<vmem>>, vector<16xi32>,
      %get3A_254 = arith.index_cast %mul3A_220 : i32 to index
      %get3A_255 = tpu.vector_load %arg13[%get3A_254] {strides = array<i32>} : memref<4096xi32, #tpu.memory_space<vmem>>, vector<16xi32>,
      %get3A_256 = arith.index_cast %mul3A_226 : i32 to index
      %get3A_257 = tpu.vector_load %arg13[%get3A_256] {strides = array<i32>} : memref<4096xi32, #tpu.memory_space<vmem>>, vector<16xi32>,
      %get3A_258 = arith.index_cast %mul3A_232 : i32 to index
      %get3A_259 = tpu.vector_load %arg13[%get3A_258] {strides = array<i32>} : memref<4096xi32, #tpu.memory_space<vmem>>, vector<16xi32>,
      %get3A_260 = arith.index_cast %mul3A_238 : i32 to index
      %get3A_261 = tpu.vector_load %arg13[%get3A_260] {strides = array<i32>} : memref<4096xi32, #tpu.memory_space<vmem>>, vector<16xi32>,
      %get3A_262 = arith.index_cast %mul3A_244 : i32 to index
      %get3A_263 = tpu.vector_load %arg13[%get3A_262] {strides = array<i32>} : memref<4096xi32, #tpu.memory_space<vmem>>, vector<16xi32>,
      %get3A_264 = arith.index_cast %mul3A_250 : i32 to index
      %get3A_265 = tpu.vector_load %arg13[%get3A_264] {strides = array<i32>} : memref<4096xi32, #tpu.memory_space<vmem>>, vector<16xi32>,
      %swap3A_266 = arith.index_cast %mul3A_208 : i32 to index
      %swap3A_267 = tpu.vector_load %arg13[%swap3A_266] {strides = array<i32>} : memref<4096xi32, #tpu.memory_space<vmem>>, vector<16xi32>,
      tpu.vector_store %arg13[%swap3A_266], %scan3A_202 {strides = array<i32>} : memref<4096xi32, #tpu.memory_space<vmem>>, vector<16xi32>,
      %add3A_268 = arith.addi %scan3A_202, %get3A_251 : vector<16xi32>
      %swap3A_269 = arith.index_cast %mul3A_214 : i32 to index
      %swap3A_270 = tpu.vector_load %arg13[%swap3A_269] {strides = array<i32>} : memref<4096xi32, #tpu.memory_space<vmem>>, vector<16xi32>,
      tpu.vector_store %arg13[%swap3A_269], %add3A_268 {strides = array<i32>} : memref<4096xi32, #tpu.memory_space<vmem>>, vector<16xi32>,
      %add3A_271 = arith.addi %add3A_268, %get3A_253 : vector<16xi32>
      %swap3A_272 = arith.index_cast %mul3A_220 : i32 to index
      %swap3A_273 = tpu.vector_load %arg13[%swap3A_272] {strides = array<i32>} : memref<4096xi32, #tpu.memory_space<vmem>>, vector<16xi32>,
      tpu.vector_store %arg13[%swap3A_272], %add3A_271 {strides = array<i32>} : memref<4096xi32, #tpu.memory_space<vmem>>, vector<16xi32>,
      %add3A_274 = arith.addi %add3A_271, %get3A_255 : vector<16xi32>
      %swap3A_275 = arith.index_cast %mul3A_226 : i32 to index
      %swap3A_276 = tpu.vector_load %arg13[%swap3A_275] {strides = array<i32>} : memref<4096xi32, #tpu.memory_space<vmem>>, vector<16xi32>,
      tpu.vector_store %arg13[%swap3A_275], %add3A_274 {strides = array<i32>} : memref<4096xi32, #tpu.memory_space<vmem>>, vector<16xi32>,
      %add3A_277 = arith.addi %add3A_274, %get3A_257 : vector<16xi32>
      %swap3A_278 = arith.index_cast %mul3A_232 : i32 to index
      %swap3A_279 = tpu.vector_load %arg13[%swap3A_278] {strides = array<i32>} : memref<4096xi32, #tpu.memory_space<vmem>>, vector<16xi32>,
      tpu.vector_store %arg13[%swap3A_278], %add3A_277 {strides = array<i32>} : memref<4096xi32, #tpu.memory_space<vmem>>, vector<16xi32>,
      %add3A_280 = arith.addi %add3A_277, %get3A_259 : vector<16xi32>
      %swap3A_281 = arith.index_cast %mul3A_238 : i32 to index
      %swap3A_282 = tpu.vector_load %arg13[%swap3A_281] {strides = array<i32>} : memref<4096xi32, #tpu.memory_space<vmem>>, vector<16xi32>,
      tpu.vector_store %arg13[%swap3A_281], %add3A_280 {strides = array<i32>} : memref<4096xi32, #tpu.memory_space<vmem>>, vector<16xi32>,
      %add3A_283 = arith.addi %add3A_280, %get3A_261 : vector<16xi32>
      %swap3A_284 = arith.index_cast %mul3A_244 : i32 to index
      %swap3A_285 = tpu.vector_load %arg13[%swap3A_284] {strides = array<i32>} : memref<4096xi32, #tpu.memory_space<vmem>>, vector<16xi32>,
      tpu.vector_store %arg13[%swap3A_284], %add3A_283 {strides = array<i32>} : memref<4096xi32, #tpu.memory_space<vmem>>, vector<16xi32>,
      %add3A_286 = arith.addi %add3A_283, %get3A_263 : vector<16xi32>
      %swap3A_287 = arith.index_cast %mul3A_250 : i32 to index
      %swap3A_288 = tpu.vector_load %arg13[%swap3A_287] {strides = array<i32>} : memref<4096xi32, #tpu.memory_space<vmem>>, vector<16xi32>,
      tpu.vector_store %arg13[%swap3A_287], %add3A_286 {strides = array<i32>} : memref<4096xi32, #tpu.memory_space<vmem>>, vector<16xi32>,
      %add3A_289 = arith.addi %add3A_286, %get3A_265 : vector<16xi32>
      scf.yield %add3A_289 : vector<16xi32>
    }
    %scan3A_53 = arith.constant 32 : i32
    %broadcast_in_dim3A_54 = arith.constant true
    %broadcast_in_dim3A_55 = vector.broadcast %broadcast_in_dim3A_54 : i1 to vector<16xi1>
    %masked_cumsum3A = tpu.scan <sum>, %scan3A_52 masked %broadcast_in_dim3A_55 : vector<16xi32>, vector<16xi1> -> vector<16xi32>
    %sub3A = arith.subi %masked_cumsum3A, %scan3A_52 : vector<16xi32>
    %scan3A_56 = arith.constant 0 : i32
    %scan3A_57 = arith.constant 0 : i32
    %scan3A_58 = arith.constant 32 : i32
    %scan3A_59 = arith.addi %scan3A_57, %scan3A_58 : i32
    %scan3A_60 = arith.constant 1 : i32
    scf.for %scan3A_201 = %scan3A_57 to %scan3A_59 step %scan3A_60  : i32 {
      %mul3A_202 = arith.constant 8 : i32
      %mul3A_203 = arith.muli %scan3A_201, %mul3A_202 : i32
      %add3A_204 = arith.constant 0 : i32
      %add3A_205 = arith.addi %mul3A_203, %add3A_204 : i32
      %mul3A_206 = arith.constant 16 : i32
      %mul3A_207 = arith.muli %add3A_205, %mul3A_206 : i32
      %mul3A_208 = arith.constant 8 : i32
      %mul3A_209 = arith.muli %scan3A_201, %mul3A_208 : i32
      %add3A_210 = arith.constant 1 : i32
      %add3A_211 = arith.addi %mul3A_209, %add3A_210 : i32
      %mul3A_212 = arith.constant 16 : i32
      %mul3A_213 = arith.muli %add3A_211, %mul3A_212 : i32
      %mul3A_214 = arith.constant 8 : i32
      %mul3A_215 = arith.muli %scan3A_201, %mul3A_214 : i32
      %add3A_216 = arith.constant 2 : i32
      %add3A_217 = arith.addi %mul3A_215, %add3A_216 : i32
      %mul3A_218 = arith.constant 16 : i32
      %mul3A_219 = arith.muli %add3A_217, %mul3A_218 : i32
      %mul3A_220 = arith.constant 8 : i32
      %mul3A_221 = arith.muli %scan3A_201, %mul3A_220 : i32
      %add3A_222 = arith.constant 3 : i32
      %add3A_223 = arith.addi %mul3A_221, %add3A_222 : i32
      %mul3A_224 = arith.constant 16 : i32
      %mul3A_225 = arith.muli %add3A_223, %mul3A_224 : i32
      %mul3A_226 = arith.constant 8 : i32
      %mul3A_227 = arith.muli %scan3A_201, %mul3A_226 : i32
      %add3A_228 = arith.constant 4 : i32
      %add3A_229 = arith.addi %mul3A_227, %add3A_228 : i32
      %mul3A_230 = arith.constant 16 : i32
      %mul3A_231 = arith.muli %add3A_229, %mul3A_230 : i32
      %mul3A_232 = arith.constant 8 : i32
      %mul3A_233 = arith.muli %scan3A_201, %mul3A_232 : i32
      %add3A_234 = arith.constant 5 : i32
      %add3A_235 = arith.addi %mul3A_233, %add3A_234 : i32
      %mul3A_236 = arith.constant 16 : i32
      %mul3A_237 = arith.muli %add3A_235, %mul3A_236 : i32
      %mul3A_238 = arith.constant 8 : i32
      %mul3A_239 = arith.muli %scan3A_201, %mul3A_238 : i32
      %add3A_240 = arith.constant 6 : i32
      %add3A_241 = arith.addi %mul3A_239, %add3A_240 : i32
      %mul3A_242 = arith.constant 16 : i32
      %mul3A_243 = arith.muli %add3A_241, %mul3A_242 : i32
      %mul3A_244 = arith.constant 8 : i32
      %mul3A_245 = arith.muli %scan3A_201, %mul3A_244 : i32
      %add3A_246 = arith.constant 7 : i32
      %add3A_247 = arith.addi %mul3A_245, %add3A_246 : i32
      %mul3A_248 = arith.constant 16 : i32
      %mul3A_249 = arith.muli %add3A_247, %mul3A_248 : i32
      %get3A = arith.index_cast %mul3A_207 : i32 to index
      %get3A_250 = tpu.vector_load %arg13[%get3A] {strides = array<i32>} : memref<4096xi32, #tpu.memory_space<vmem>>, vector<16xi32>,
      %get3A_251 = arith.index_cast %mul3A_213 : i32 to index
      %get3A_252 = tpu.vector_load %arg13[%get3A_251] {strides = array<i32>} : memref<4096xi32, #tpu.memory_space<vmem>>, vector<16xi32>,
      %get3A_253 = arith.index_cast %mul3A_219 : i32 to index
      %get3A_254 = tpu.vector_load %arg13[%get3A_253] {strides = array<i32>} : memref<4096xi32, #tpu.memory_space<vmem>>, vector<16xi32>,
      %get3A_255 = arith.index_cast %mul3A_225 : i32 to index
      %get3A_256 = tpu.vector_load %arg13[%get3A_255] {strides = array<i32>} : memref<4096xi32, #tpu.memory_space<vmem>>, vector<16xi32>,
      %get3A_257 = arith.index_cast %mul3A_231 : i32 to index
      %get3A_258 = tpu.vector_load %arg13[%get3A_257] {strides = array<i32>} : memref<4096xi32, #tpu.memory_space<vmem>>, vector<16xi32>,
      %get3A_259 = arith.index_cast %mul3A_237 : i32 to index
      %get3A_260 = tpu.vector_load %arg13[%get3A_259] {strides = array<i32>} : memref<4096xi32, #tpu.memory_space<vmem>>, vector<16xi32>,
      %get3A_261 = arith.index_cast %mul3A_243 : i32 to index
      %get3A_262 = tpu.vector_load %arg13[%get3A_261] {strides = array<i32>} : memref<4096xi32, #tpu.memory_space<vmem>>, vector<16xi32>,
      %get3A_263 = arith.index_cast %mul3A_249 : i32 to index
      %get3A_264 = tpu.vector_load %arg13[%get3A_263] {strides = array<i32>} : memref<4096xi32, #tpu.memory_space<vmem>>, vector<16xi32>,
      %add3A_265 = arith.addi %get3A_250, %sub3A : vector<16xi32>
      %swap3A_266 = arith.index_cast %mul3A_207 : i32 to index
      %swap3A_267 = tpu.vector_load %arg13[%swap3A_266] {strides = array<i32>} : memref<4096xi32, #tpu.memory_space<vmem>>, vector<16xi32>,
      tpu.vector_store %arg13[%swap3A_266], %add3A_265 {strides = array<i32>} : memref<4096xi32, #tpu.memory_space<vmem>>, vector<16xi32>,
      %add3A_268 = arith.addi %get3A_252, %sub3A : vector<16xi32>
      %swap3A_269 = arith.index_cast %mul3A_213 : i32 to index
      %swap3A_270 = tpu.vector_load %arg13[%swap3A_269] {strides = array<i32>} : memref<4096xi32, #tpu.memory_space<vmem>>, vector<16xi32>,
      tpu.vector_store %arg13[%swap3A_269], %add3A_268 {strides = array<i32>} : memref<4096xi32, #tpu.memory_space<vmem>>, vector<16xi32>,
      %add3A_271 = arith.addi %get3A_254, %sub3A : vector<16xi32>
      %swap3A_272 = arith.index_cast %mul3A_219 : i32 to index
      %swap3A_273 = tpu.vector_load %arg13[%swap3A_272] {strides = array<i32>} : memref<4096xi32, #tpu.memory_space<vmem>>, vector<16xi32>,
      tpu.vector_store %arg13[%swap3A_272], %add3A_271 {strides = array<i32>} : memref<4096xi32, #tpu.memory_space<vmem>>, vector<16xi32>,
      %add3A_274 = arith.addi %get3A_256, %sub3A : vector<16xi32>
      %swap3A_275 = arith.index_cast %mul3A_225 : i32 to index
      %swap3A_276 = tpu.vector_load %arg13[%swap3A_275] {strides = array<i32>} : memref<4096xi32, #tpu.memory_space<vmem>>, vector<16xi32>,
      tpu.vector_store %arg13[%swap3A_275], %add3A_274 {strides = array<i32>} : memref<4096xi32, #tpu.memory_space<vmem>>, vector<16xi32>,
      %add3A_277 = arith.addi %get3A_258, %sub3A : vector<16xi32>
      %swap3A_278 = arith.index_cast %mul3A_231 : i32 to index
      %swap3A_279 = tpu.vector_load %arg13[%swap3A_278] {strides = array<i32>} : memref<4096xi32, #tpu.memory_space<vmem>>, vector<16xi32>,
      tpu.vector_store %arg13[%swap3A_278], %add3A_277 {strides = array<i32>} : memref<4096xi32, #tpu.memory_space<vmem>>, vector<16xi32>,
      %add3A_280 = arith.addi %get3A_260, %sub3A : vector<16xi32>
      %swap3A_281 = arith.index_cast %mul3A_237 : i32 to index
      %swap3A_282 = tpu.vector_load %arg13[%swap3A_281] {strides = array<i32>} : memref<4096xi32, #tpu.memory_space<vmem>>, vector<16xi32>,
      tpu.vector_store %arg13[%swap3A_281], %add3A_280 {strides = array<i32>} : memref<4096xi32, #tpu.memory_space<vmem>>, vector<16xi32>,
      %add3A_283 = arith.addi %get3A_262, %sub3A : vector<16xi32>
      %swap3A_284 = arith.index_cast %mul3A_243 : i32 to index
      %swap3A_285 = tpu.vector_load %arg13[%swap3A_284] {strides = array<i32>} : memref<4096xi32, #tpu.memory_space<vmem>>, vector<16xi32>,
      tpu.vector_store %arg13[%swap3A_284], %add3A_283 {strides = array<i32>} : memref<4096xi32, #tpu.memory_space<vmem>>, vector<16xi32>,
      %add3A_286 = arith.addi %get3A_264, %sub3A : vector<16xi32>
      %swap3A_287 = arith.index_cast %mul3A_249 : i32 to index
      %swap3A_288 = tpu.vector_load %arg13[%swap3A_287] {strides = array<i32>} : memref<4096xi32, #tpu.memory_space<vmem>>, vector<16xi32>,
      tpu.vector_store %arg13[%swap3A_287], %add3A_286 {strides = array<i32>} : memref<4096xi32, #tpu.memory_space<vmem>>, vector<16xi32>,
    }
    %scan3A_61 = arith.constant 32 : i32
    %scan3A_62 = arith.constant 0 : i32
    %scan3A_63 = arith.constant 0 : i32
    %scan3A_64 = arith.constant 32 : i32
    %scan3A_65 = arith.addi %scan3A_63, %scan3A_64 : i32
    %scan3A_66 = arith.constant 1 : i32
    scf.for %scan3A_201 = %scan3A_63 to %scan3A_65 step %scan3A_66  : i32 {
      %mul3A_202 = arith.constant 8 : i32
      %mul3A_203 = arith.muli %scan3A_201, %mul3A_202 : i32
      %add3A_204 = arith.constant 0 : i32
      %add3A_205 = arith.addi %mul3A_203, %add3A_204 : i32
      %mul3A_206 = arith.constant 16 : i32
      %mul3A_207 = arith.muli %add3A_205, %mul3A_206 : i32
      %mul3A_208 = arith.constant 8 : i32
      %mul3A_209 = arith.muli %scan3A_201, %mul3A_208 : i32
      %add3A_210 = arith.constant 1 : i32
      %add3A_211 = arith.addi %mul3A_209, %add3A_210 : i32
      %mul3A_212 = arith.constant 16 : i32
      %mul3A_213 = arith.muli %add3A_211, %mul3A_212 : i32
      %mul3A_214 = arith.constant 8 : i32
      %mul3A_215 = arith.muli %scan3A_201, %mul3A_214 : i32
      %add3A_216 = arith.constant 2 : i32
      %add3A_217 = arith.addi %mul3A_215, %add3A_216 : i32
      %mul3A_218 = arith.constant 16 : i32
      %mul3A_219 = arith.muli %add3A_217, %mul3A_218 : i32
      %mul3A_220 = arith.constant 8 : i32
      %mul3A_221 = arith.muli %scan3A_201, %mul3A_220 : i32
      %add3A_222 = arith.constant 3 : i32
      %add3A_223 = arith.addi %mul3A_221, %add3A_222 : i32
      %mul3A_224 = arith.constant 16 : i32
      %mul3A_225 = arith.muli %add3A_223, %mul3A_224 : i32
      %mul3A_226 = arith.constant 8 : i32
      %mul3A_227 = arith.muli %scan3A_201, %mul3A_226 : i32
      %add3A_228 = arith.constant 4 : i32
      %add3A_229 = arith.addi %mul3A_227, %add3A_228 : i32
      %mul3A_230 = arith.constant 16 : i32
      %mul3A_231 = arith.muli %add3A_229, %mul3A_230 : i32
      %mul3A_232 = arith.constant 8 : i32
      %mul3A_233 = arith.muli %scan3A_201, %mul3A_232 : i32
      %add3A_234 = arith.constant 5 : i32
      %add3A_235 = arith.addi %mul3A_233, %add3A_234 : i32
      %mul3A_236 = arith.constant 16 : i32
      %mul3A_237 = arith.muli %add3A_235, %mul3A_236 : i32
      %mul3A_238 = arith.constant 8 : i32
      %mul3A_239 = arith.muli %scan3A_201, %mul3A_238 : i32
      %add3A_240 = arith.constant 6 : i32
      %add3A_241 = arith.addi %mul3A_239, %add3A_240 : i32
      %mul3A_242 = arith.constant 16 : i32
      %mul3A_243 = arith.muli %add3A_241, %mul3A_242 : i32
      %mul3A_244 = arith.constant 8 : i32
      %mul3A_245 = arith.muli %scan3A_201, %mul3A_244 : i32
      %add3A_246 = arith.constant 7 : i32
      %add3A_247 = arith.addi %mul3A_245, %add3A_246 : i32
      %mul3A_248 = arith.constant 16 : i32
      %mul3A_249 = arith.muli %add3A_247, %mul3A_248 : i32
      %get3A = arith.index_cast %mul3A_207 : i32 to index
      %get3A_250 = tpu.vector_load %arg10[%get3A] {strides = array<i32>} : memref<4096xi32, #tpu.memory_space<vmem>>, vector<16xi32>,
      %get3A_251 = arith.index_cast %mul3A_213 : i32 to index
      %get3A_252 = tpu.vector_load %arg10[%get3A_251] {strides = array<i32>} : memref<4096xi32, #tpu.memory_space<vmem>>, vector<16xi32>,
      %get3A_253 = arith.index_cast %mul3A_219 : i32 to index
      %get3A_254 = tpu.vector_load %arg10[%get3A_253] {strides = array<i32>} : memref<4096xi32, #tpu.memory_space<vmem>>, vector<16xi32>,
      %get3A_255 = arith.index_cast %mul3A_225 : i32 to index
      %get3A_256 = tpu.vector_load %arg10[%get3A_255] {strides = array<i32>} : memref<4096xi32, #tpu.memory_space<vmem>>, vector<16xi32>,
      %get3A_257 = arith.index_cast %mul3A_231 : i32 to index
      %get3A_258 = tpu.vector_load %arg10[%get3A_257] {strides = array<i32>} : memref<4096xi32, #tpu.memory_space<vmem>>, vector<16xi32>,
      %get3A_259 = arith.index_cast %mul3A_237 : i32 to index
      %get3A_260 = tpu.vector_load %arg10[%get3A_259] {strides = array<i32>} : memref<4096xi32, #tpu.memory_space<vmem>>, vector<16xi32>,
      %get3A_261 = arith.index_cast %mul3A_243 : i32 to index
      %get3A_262 = tpu.vector_load %arg10[%get3A_261] {strides = array<i32>} : memref<4096xi32, #tpu.memory_space<vmem>>, vector<16xi32>,
      %get3A_263 = arith.index_cast %mul3A_249 : i32 to index
      %get3A_264 = tpu.vector_load %arg10[%get3A_263] {strides = array<i32>} : memref<4096xi32, #tpu.memory_space<vmem>>, vector<16xi32>,
      %broadcast_in_dim3A_265 = arith.constant true
      %broadcast_in_dim3A_266 = vector.broadcast %broadcast_in_dim3A_265 : i1 to vector<16xi1>
      %unique3A, %unique3A_267 = tpu.scan_count mask(%broadcast_in_dim3A_266 : vector<16xi1>) value(%get3A_250 : vector<16xi32>) : vector<16xi1>, vector<16xi32>
      %broadcast_in_dim3A_268 = arith.constant true
      %broadcast_in_dim3A_269 = vector.broadcast %broadcast_in_dim3A_268 : i1 to vector<16xi1>
      %unique3A_270, %unique3A_271 = tpu.scan_count mask(%broadcast_in_dim3A_269 : vector<16xi1>) value(%get3A_252 : vector<16xi32>) : vector<16xi1>, vector<16xi32>
      %broadcast_in_dim3A_272 = arith.constant true
      %broadcast_in_dim3A_273 = vector.broadcast %broadcast_in_dim3A_272 : i1 to vector<16xi1>
      %unique3A_274, %unique3A_275 = tpu.scan_count mask(%broadcast_in_dim3A_273 : vector<16xi1>) value(%get3A_254 : vector<16xi32>) : vector<16xi1>, vector<16xi32>
      %broadcast_in_dim3A_276 = arith.constant true
      %broadcast_in_dim3A_277 = vector.broadcast %broadcast_in_dim3A_276 : i1 to vector<16xi1>
      %unique3A_278, %unique3A_279 = tpu.scan_count mask(%broadcast_in_dim3A_277 : vector<16xi1>) value(%get3A_256 : vector<16xi32>) : vector<16xi1>, vector<16xi32>
      %broadcast_in_dim3A_280 = arith.constant true
      %broadcast_in_dim3A_281 = vector.broadcast %broadcast_in_dim3A_280 : i1 to vector<16xi1>
      %unique3A_282, %unique3A_283 = tpu.scan_count mask(%broadcast_in_dim3A_281 : vector<16xi1>) value(%get3A_258 : vector<16xi32>) : vector<16xi1>, vector<16xi32>
      %broadcast_in_dim3A_284 = arith.constant true
      %broadcast_in_dim3A_285 = vector.broadcast %broadcast_in_dim3A_284 : i1 to vector<16xi1>
      %unique3A_286, %unique3A_287 = tpu.scan_count mask(%broadcast_in_dim3A_285 : vector<16xi1>) value(%get3A_260 : vector<16xi32>) : vector<16xi1>, vector<16xi32>
      %broadcast_in_dim3A_288 = arith.constant true
      %broadcast_in_dim3A_289 = vector.broadcast %broadcast_in_dim3A_288 : i1 to vector<16xi1>
      %unique3A_290, %unique3A_291 = tpu.scan_count mask(%broadcast_in_dim3A_289 : vector<16xi1>) value(%get3A_262 : vector<16xi32>) : vector<16xi1>, vector<16xi32>
      %broadcast_in_dim3A_292 = arith.constant true
      %broadcast_in_dim3A_293 = vector.broadcast %broadcast_in_dim3A_292 : i1 to vector<16xi1>
      %unique3A_294, %unique3A_295 = tpu.scan_count mask(%broadcast_in_dim3A_293 : vector<16xi1>) value(%get3A_264 : vector<16xi32>) : vector<16xi1>, vector<16xi32>
      %add3A_296 = vector.broadcast %mul3A_207 : i32 to vector<16xi32>
      %add3A_297 = arith.addi %add3A_296, %get3A_250 : vector<16xi32>
      %gather3A = tpu.vector_load_idx %arg13[%add3A_297] : memref<4096xi32, #tpu.memory_space<vmem>>[vector<16xi32>], vector<16xi32>,
      %add3A_298 = vector.broadcast %mul3A_213 : i32 to vector<16xi32>
      %add3A_299 = arith.addi %add3A_298, %get3A_252 : vector<16xi32>
      %gather3A_300 = tpu.vector_load_idx %arg13[%add3A_299] : memref<4096xi32, #tpu.memory_space<vmem>>[vector<16xi32>], vector<16xi32>,
      %add3A_301 = vector.broadcast %mul3A_219 : i32 to vector<16xi32>
      %add3A_302 = arith.addi %add3A_301, %get3A_254 : vector<16xi32>
      %gather3A_303 = tpu.vector_load_idx %arg13[%add3A_302] : memref<4096xi32, #tpu.memory_space<vmem>>[vector<16xi32>], vector<16xi32>,
      %add3A_304 = vector.broadcast %mul3A_225 : i32 to vector<16xi32>
      %add3A_305 = arith.addi %add3A_304, %get3A_256 : vector<16xi32>
      %gather3A_306 = tpu.vector_load_idx %arg13[%add3A_305] : memref<4096xi32, #tpu.memory_space<vmem>>[vector<16xi32>], vector<16xi32>,
      %add3A_307 = vector.broadcast %mul3A_231 : i32 to vector<16xi32>
      %add3A_308 = arith.addi %add3A_307, %get3A_258 : vector<16xi32>
      %gather3A_309 = tpu.vector_load_idx %arg13[%add3A_308] : memref<4096xi32, #tpu.memory_space<vmem>>[vector<16xi32>], vector<16xi32>,
      %add3A_310 = vector.broadcast %mul3A_237 : i32 to vector<16xi32>
      %add3A_311 = arith.addi %add3A_310, %get3A_260 : vector<16xi32>
      %gather3A_312 = tpu.vector_load_idx %arg13[%add3A_311] : memref<4096xi32, #tpu.memory_space<vmem>>[vector<16xi32>], vector<16xi32>,
      %add3A_313 = vector.broadcast %mul3A_243 : i32 to vector<16xi32>
      %add3A_314 = arith.addi %add3A_313, %get3A_262 : vector<16xi32>
      %gather3A_315 = tpu.vector_load_idx %arg13[%add3A_314] : memref<4096xi32, #tpu.memory_space<vmem>>[vector<16xi32>], vector<16xi32>,
      %add3A_316 = vector.broadcast %mul3A_249 : i32 to vector<16xi32>
      %add3A_317 = arith.addi %add3A_316, %get3A_264 : vector<16xi32>
      %gather3A_318 = tpu.vector_load_idx %arg13[%add3A_317] : memref<4096xi32, #tpu.memory_space<vmem>>[vector<16xi32>], vector<16xi32>,
      %add3A_319 = arith.addi %gather3A, %unique3A_267 : vector<16xi32>
      %sub3A_320 = arith.constant 1 : i32
      %sub3A_321 = vector.broadcast %sub3A_320 : i32 to vector<16xi32>
      %sub3A_322 = arith.subi %add3A_319, %sub3A_321 : vector<16xi32>
      %add3A_323 = vector.broadcast %mul3A_207 : i32 to vector<16xi32>
      %add3A_324 = arith.addi %add3A_323, %iota3A : vector<16xi32>
      %lt3A = arith.constant 409 : i32
      %lt3A_325 = vector.broadcast %lt3A : i32 to vector<16xi32>
      %lt3A_326 = arith.cmpi slt, %sub3A_322, %lt3A_325 : vector<16xi32>
      tpu.vector_store_idx %arg11[%sub3A_322], %add3A_324 masked %lt3A_326 : memref<416xi32, #tpu.memory_space<vmem>>[vector<16xi32>], vector<16xi32>, vector<16xi1>
      %add3A_327 = arith.addi %gather3A_300, %unique3A_271 : vector<16xi32>
      %sub3A_328 = arith.constant 1 : i32
      %sub3A_329 = vector.broadcast %sub3A_328 : i32 to vector<16xi32>
      %sub3A_330 = arith.subi %add3A_327, %sub3A_329 : vector<16xi32>
      %add3A_331 = vector.broadcast %mul3A_213 : i32 to vector<16xi32>
      %add3A_332 = arith.addi %add3A_331, %iota3A : vector<16xi32>
      %lt3A_333 = arith.constant 409 : i32
      %lt3A_334 = vector.broadcast %lt3A_333 : i32 to vector<16xi32>
      %lt3A_335 = arith.cmpi slt, %sub3A_330, %lt3A_334 : vector<16xi32>
      tpu.vector_store_idx %arg11[%sub3A_330], %add3A_332 masked %lt3A_335 : memref<416xi32, #tpu.memory_space<vmem>>[vector<16xi32>], vector<16xi32>, vector<16xi1>
      %add3A_336 = arith.addi %gather3A_303, %unique3A_275 : vector<16xi32>
      %sub3A_337 = arith.constant 1 : i32
      %sub3A_338 = vector.broadcast %sub3A_337 : i32 to vector<16xi32>
      %sub3A_339 = arith.subi %add3A_336, %sub3A_338 : vector<16xi32>
      %add3A_340 = vector.broadcast %mul3A_219 : i32 to vector<16xi32>
      %add3A_341 = arith.addi %add3A_340, %iota3A : vector<16xi32>
      %lt3A_342 = arith.constant 409 : i32
      %lt3A_343 = vector.broadcast %lt3A_342 : i32 to vector<16xi32>
      %lt3A_344 = arith.cmpi slt, %sub3A_339, %lt3A_343 : vector<16xi32>
      tpu.vector_store_idx %arg11[%sub3A_339], %add3A_341 masked %lt3A_344 : memref<416xi32, #tpu.memory_space<vmem>>[vector<16xi32>], vector<16xi32>, vector<16xi1>
      %add3A_345 = arith.addi %gather3A_306, %unique3A_279 : vector<16xi32>
      %sub3A_346 = arith.constant 1 : i32
      %sub3A_347 = vector.broadcast %sub3A_346 : i32 to vector<16xi32>
      %sub3A_348 = arith.subi %add3A_345, %sub3A_347 : vector<16xi32>
      %add3A_349 = vector.broadcast %mul3A_225 : i32 to vector<16xi32>
      %add3A_350 = arith.addi %add3A_349, %iota3A : vector<16xi32>
      %lt3A_351 = arith.constant 409 : i32
      %lt3A_352 = vector.broadcast %lt3A_351 : i32 to vector<16xi32>
      %lt3A_353 = arith.cmpi slt, %sub3A_348, %lt3A_352 : vector<16xi32>
      tpu.vector_store_idx %arg11[%sub3A_348], %add3A_350 masked %lt3A_353 : memref<416xi32, #tpu.memory_space<vmem>>[vector<16xi32>], vector<16xi32>, vector<16xi1>
      %add3A_354 = arith.addi %gather3A_309, %unique3A_283 : vector<16xi32>
      %sub3A_355 = arith.constant 1 : i32
      %sub3A_356 = vector.broadcast %sub3A_355 : i32 to vector<16xi32>
      %sub3A_357 = arith.subi %add3A_354, %sub3A_356 : vector<16xi32>
      %add3A_358 = vector.broadcast %mul3A_231 : i32 to vector<16xi32>
      %add3A_359 = arith.addi %add3A_358, %iota3A : vector<16xi32>
      %lt3A_360 = arith.constant 409 : i32
      %lt3A_361 = vector.broadcast %lt3A_360 : i32 to vector<16xi32>
      %lt3A_362 = arith.cmpi slt, %sub3A_357, %lt3A_361 : vector<16xi32>
      tpu.vector_store_idx %arg11[%sub3A_357], %add3A_359 masked %lt3A_362 : memref<416xi32, #tpu.memory_space<vmem>>[vector<16xi32>], vector<16xi32>, vector<16xi1>
      %add3A_363 = arith.addi %gather3A_312, %unique3A_287 : vector<16xi32>
      %sub3A_364 = arith.constant 1 : i32
      %sub3A_365 = vector.broadcast %sub3A_364 : i32 to vector<16xi32>
      %sub3A_366 = arith.subi %add3A_363, %sub3A_365 : vector<16xi32>
      %add3A_367 = vector.broadcast %mul3A_237 : i32 to vector<16xi32>
      %add3A_368 = arith.addi %add3A_367, %iota3A : vector<16xi32>
      %lt3A_369 = arith.constant 409 : i32
      %lt3A_370 = vector.broadcast %lt3A_369 : i32 to vector<16xi32>
      %lt3A_371 = arith.cmpi slt, %sub3A_366, %lt3A_370 : vector<16xi32>
      tpu.vector_store_idx %arg11[%sub3A_366], %add3A_368 masked %lt3A_371 : memref<416xi32, #tpu.memory_space<vmem>>[vector<16xi32>], vector<16xi32>, vector<16xi1>
      %add3A_372 = arith.addi %gather3A_315, %unique3A_291 : vector<16xi32>
      %sub3A_373 = arith.constant 1 : i32
      %sub3A_374 = vector.broadcast %sub3A_373 : i32 to vector<16xi32>
      %sub3A_375 = arith.subi %add3A_372, %sub3A_374 : vector<16xi32>
      %add3A_376 = vector.broadcast %mul3A_243 : i32 to vector<16xi32>
      %add3A_377 = arith.addi %add3A_376, %iota3A : vector<16xi32>
      %lt3A_378 = arith.constant 409 : i32
      %lt3A_379 = vector.broadcast %lt3A_378 : i32 to vector<16xi32>
      %lt3A_380 = arith.cmpi slt, %sub3A_375, %lt3A_379 : vector<16xi32>
      tpu.vector_store_idx %arg11[%sub3A_375], %add3A_377 masked %lt3A_380 : memref<416xi32, #tpu.memory_space<vmem>>[vector<16xi32>], vector<16xi32>, vector<16xi1>
      %add3A_381 = arith.addi %gather3A_318, %unique3A_295 : vector<16xi32>
      %sub3A_382 = arith.constant 1 : i32
      %sub3A_383 = vector.broadcast %sub3A_382 : i32 to vector<16xi32>
      %sub3A_384 = arith.subi %add3A_381, %sub3A_383 : vector<16xi32>
      %add3A_385 = vector.broadcast %mul3A_249 : i32 to vector<16xi32>
      %add3A_386 = arith.addi %add3A_385, %iota3A : vector<16xi32>
      %lt3A_387 = arith.constant 409 : i32
      %lt3A_388 = vector.broadcast %lt3A_387 : i32 to vector<16xi32>
      %lt3A_389 = arith.cmpi slt, %sub3A_384, %lt3A_388 : vector<16xi32>
      tpu.vector_store_idx %arg11[%sub3A_384], %add3A_386 masked %lt3A_389 : memref<416xi32, #tpu.memory_space<vmem>>[vector<16xi32>], vector<16xi32>, vector<16xi1>
    }
    %scan3A_67 = arith.constant 32 : i32
    %swap3A = arith.constant 0 : index
    %swap3A_68 = tpu.vector_load %arg16[%swap3A] {strides = array<i32>} : memref<16xi32, #tpu.memory_space<vmem>>, vector<16xi32>,
    tpu.vector_store %arg16[%swap3A], %scan3A_52 {strides = array<i32>} : memref<16xi32, #tpu.memory_space<vmem>>, vector<16xi32>,
    %dma_start3A_69 = arith.constant 0 : i32
    %dma_start3A_70 = tpu.memref_slice %arg9[%dma_start3A_69] : memref<8192xf32, #tpu.memory_space<vmem>> -> memref<4096xf32, #tpu.memory_space<vmem>>
    %dma_start3A_71 = arith.constant 0 : i32
    %dma_start3A_72 = tpu.memref_slice %arg5[%add3A_33, %dma_start3A_71] : memref<64x4096xf32, #tpu.memory_space<hbm>> -> memref<1x4096xf32, #tpu.memory_space<hbm>>
    %dma_start3A_73 = tpu.memref_squeeze %dma_start3A_72 : memref<1x4096xf32, #tpu.memory_space<hbm>> -> memref<4096xf32, #tpu.memory_space<hbm>>
    %dma_start3A_74 = arith.constant 0 : i32
    %dma_start3A_75 = tpu.memref_slice %arg5[%add3A_33, %dma_start3A_74] : memref<64x4096xf32, #tpu.memory_space<hbm>> -> memref<1x4096xf32, #tpu.memory_space<hbm>>
    %dma_start3A_76 = tpu.memref_squeeze %dma_start3A_75 : memref<1x4096xf32, #tpu.memory_space<hbm>> -> memref<4096xf32, #tpu.memory_space<hbm>>
    %dma_start3A_77 = arith.constant 0 : i32
    %dma_start3A_78 = tpu.memref_slice %arg9[%dma_start3A_77] : memref<8192xf32, #tpu.memory_space<vmem>> -> memref<4096xf32, #tpu.memory_space<vmem>>
    tpu.enqueue_dma source(%dma_start3A_78 : memref<4096xf32, #tpu.memory_space<vmem>>) target(%dma_start3A_76 : memref<4096xf32, #tpu.memory_space<hbm>>) target_semaphore(%arg19 : memref<!tpu.dma_semaphore, #tpu.memory_space<semaphore_mem>>)
    %dma_start3A_79 = arith.constant 0 : i32
    %dma_start3A_80 = tpu.memref_slice %arg6[%add3A_33, %dma_start3A_79] : memref<64x416xi32, #tpu.memory_space<hbm>> -> memref<1x416xi32, #tpu.memory_space<hbm>>
    %dma_start3A_81 = tpu.memref_squeeze %dma_start3A_80 : memref<1x416xi32, #tpu.memory_space<hbm>> -> memref<416xi32, #tpu.memory_space<hbm>>
    %dma_start3A_82 = arith.constant 0 : i32
    %dma_start3A_83 = tpu.memref_slice %arg6[%add3A_33, %dma_start3A_82] : memref<64x416xi32, #tpu.memory_space<hbm>> -> memref<1x416xi32, #tpu.memory_space<hbm>>
    %dma_start3A_84 = tpu.memref_squeeze %dma_start3A_83 : memref<1x416xi32, #tpu.memory_space<hbm>> -> memref<416xi32, #tpu.memory_space<hbm>>
    tpu.enqueue_dma source(%arg11 : memref<416xi32, #tpu.memory_space<vmem>>) target(%dma_start3A_84 : memref<416xi32, #tpu.memory_space<hbm>>) target_semaphore(%arg19 : memref<!tpu.dma_semaphore, #tpu.memory_space<semaphore_mem>>)
    %dma_start3A_85 = arith.constant 0 : i32
    %dma_start3A_86 = tpu.memref_slice %arg7[%add3A_33, %dma_start3A_85] : memref<64x16xi32, #tpu.memory_space<hbm>> -> memref<1x16xi32, #tpu.memory_space<hbm>>
    %dma_start3A_87 = tpu.memref_squeeze %dma_start3A_86 : memref<1x16xi32, #tpu.memory_space<hbm>> -> memref<16xi32, #tpu.memory_space<hbm>>
    %dma_start3A_88 = arith.constant 0 : i32
    %dma_start3A_89 = tpu.memref_slice %arg7[%add3A_33, %dma_start3A_88] : memref<64x16xi32, #tpu.memory_space<hbm>> -> memref<1x16xi32, #tpu.memory_space<hbm>>
    %dma_start3A_90 = tpu.memref_squeeze %dma_start3A_89 : memref<1x16xi32, #tpu.memory_space<hbm>> -> memref<16xi32, #tpu.memory_space<hbm>>
    tpu.enqueue_dma source(%arg16 : memref<16xi32, #tpu.memory_space<vmem>>) target(%dma_start3A_90 : memref<16xi32, #tpu.memory_space<hbm>>) target_semaphore(%arg19 : memref<!tpu.dma_semaphore, #tpu.memory_space<semaphore_mem>>)
    %mul3A_91 = arith.constant 2 : i32
    %mul3A_92 = arith.muli %add3A, %mul3A_91 : i32
    %add3A_93 = arith.constant 1 : i32
    %add3A_94 = arith.addi %mul3A_92, %add3A_93 : i32
    %dma_wait3A_95 = arith.constant 4096 : i32
    %dma_wait3A_96 = tpu.memref_slice %arg8[%dma_wait3A_95] : memref<8192xi32, #tpu.memory_space<vmem>> -> memref<4096xi32, #tpu.memory_space<vmem>>
    %dma_wait3A_97 = arith.constant 0 : i32
    %dma_wait3A_98 = tpu.memref_slice %arg2[%add3A_17, %dma_wait3A_97] : memref<64x4096xi32, #tpu.memory_space<hbm>> -> memref<1x4096xi32, #tpu.memory_space<hbm>>
    %dma_wait3A_99 = tpu.memref_squeeze %dma_wait3A_98 : memref<1x4096xi32, #tpu.memory_space<hbm>> -> memref<4096xi32, #tpu.memory_space<hbm>>
    %dma_wait3A_100 = arith.constant 4096 : i32
    %dma_wait3A_101 = tpu.memref_slice %arg8[%dma_wait3A_100] : memref<8192xi32, #tpu.memory_space<vmem>> -> memref<4096xi32, #tpu.memory_space<vmem>>
    %dma_wait3A_102 = arith.constant 0 : i32
    %dma_wait3A_103 = tpu.memref_slice %arg2[%add3A_17, %dma_wait3A_102] : memref<64x4096xi32, #tpu.memory_space<hbm>> -> memref<1x4096xi32, #tpu.memory_space<hbm>>
    %dma_wait3A_104 = tpu.memref_squeeze %dma_wait3A_103 : memref<1x4096xi32, #tpu.memory_space<hbm>> -> memref<4096xi32, #tpu.memory_space<hbm>>
    tpu.wait_dma2 semaphore(%arg18 : memref<!tpu.dma_semaphore, #tpu.memory_space<semaphore_mem>>) src(%dma_wait3A_104 : memref<4096xi32, #tpu.memory_space<hbm>>) dst(%dma_wait3A_101 : memref<4096xi32, #tpu.memory_space<vmem>>)
    %scan3A_105 = arith.constant 0 : i32
    %scan3A_106 = arith.constant 0 : i32
    %scan3A_107 = arith.constant 32 : i32
    %scan3A_108 = arith.addi %scan3A_106, %scan3A_107 : i32
    %scan3A_109 = arith.constant 1 : i32
    scf.for %scan3A_201 = %scan3A_106 to %scan3A_108 step %scan3A_109  : i32 {
      %mul3A_202 = arith.constant 8 : i32
      %mul3A_203 = arith.muli %scan3A_201, %mul3A_202 : i32
      %add3A_204 = arith.constant 0 : i32
      %add3A_205 = arith.addi %mul3A_203, %add3A_204 : i32
      %mul3A_206 = arith.constant 16 : i32
      %mul3A_207 = arith.muli %add3A_205, %mul3A_206 : i32
      %mul3A_208 = arith.constant 8 : i32
      %mul3A_209 = arith.muli %scan3A_201, %mul3A_208 : i32
      %add3A_210 = arith.constant 1 : i32
      %add3A_211 = arith.addi %mul3A_209, %add3A_210 : i32
      %mul3A_212 = arith.constant 16 : i32
      %mul3A_213 = arith.muli %add3A_211, %mul3A_212 : i32
      %mul3A_214 = arith.constant 8 : i32
      %mul3A_215 = arith.muli %scan3A_201, %mul3A_214 : i32
      %add3A_216 = arith.constant 2 : i32
      %add3A_217 = arith.addi %mul3A_215, %add3A_216 : i32
      %mul3A_218 = arith.constant 16 : i32
      %mul3A_219 = arith.muli %add3A_217, %mul3A_218 : i32
      %mul3A_220 = arith.constant 8 : i32
      %mul3A_221 = arith.muli %scan3A_201, %mul3A_220 : i32
      %add3A_222 = arith.constant 3 : i32
      %add3A_223 = arith.addi %mul3A_221, %add3A_222 : i32
      %mul3A_224 = arith.constant 16 : i32
      %mul3A_225 = arith.muli %add3A_223, %mul3A_224 : i32
      %mul3A_226 = arith.constant 8 : i32
      %mul3A_227 = arith.muli %scan3A_201, %mul3A_226 : i32
      %add3A_228 = arith.constant 4 : i32
      %add3A_229 = arith.addi %mul3A_227, %add3A_228 : i32
      %mul3A_230 = arith.constant 16 : i32
      %mul3A_231 = arith.muli %add3A_229, %mul3A_230 : i32
      %mul3A_232 = arith.constant 8 : i32
      %mul3A_233 = arith.muli %scan3A_201, %mul3A_232 : i32
      %add3A_234 = arith.constant 5 : i32
      %add3A_235 = arith.addi %mul3A_233, %add3A_234 : i32
      %mul3A_236 = arith.constant 16 : i32
      %mul3A_237 = arith.muli %add3A_235, %mul3A_236 : i32
      %mul3A_238 = arith.constant 8 : i32
      %mul3A_239 = arith.muli %scan3A_201, %mul3A_238 : i32
      %add3A_240 = arith.constant 6 : i32
      %add3A_241 = arith.addi %mul3A_239, %add3A_240 : i32
      %mul3A_242 = arith.constant 16 : i32
      %mul3A_243 = arith.muli %add3A_241, %mul3A_242 : i32
      %mul3A_244 = arith.constant 8 : i32
      %mul3A_245 = arith.muli %scan3A_201, %mul3A_244 : i32
      %add3A_246 = arith.constant 7 : i32
      %add3A_247 = arith.addi %mul3A_245, %add3A_246 : i32
      %mul3A_248 = arith.constant 16 : i32
      %mul3A_249 = arith.muli %add3A_247, %mul3A_248 : i32
      %swap3A_250 = arith.index_cast %mul3A_207 : i32 to index
      %swap3A_251 = tpu.vector_load %arg13[%swap3A_250] {strides = array<i32>} : memref<4096xi32, #tpu.memory_space<vmem>>, vector<16xi32>,
      tpu.vector_store %arg13[%swap3A_250], %broadcast_in_dim3A_29 {strides = array<i32>} : memref<4096xi32, #tpu.memory_space<vmem>>, vector<16xi32>,
      %swap3A_252 = arith.index_cast %mul3A_213 : i32 to index
      %swap3A_253 = tpu.vector_load %arg13[%swap3A_252] {strides = array<i32>} : memref<4096xi32, #tpu.memory_space<vmem>>, vector<16xi32>,
      tpu.vector_store %arg13[%swap3A_252], %broadcast_in_dim3A_29 {strides = array<i32>} : memref<4096xi32, #tpu.memory_space<vmem>>, vector<16xi32>,
      %swap3A_254 = arith.index_cast %mul3A_219 : i32 to index
      %swap3A_255 = tpu.vector_load %arg13[%swap3A_254] {strides = array<i32>} : memref<4096xi32, #tpu.memory_space<vmem>>, vector<16xi32>,
      tpu.vector_store %arg13[%swap3A_254], %broadcast_in_dim3A_29 {strides = array<i32>} : memref<4096xi32, #tpu.memory_space<vmem>>, vector<16xi32>,
      %swap3A_256 = arith.index_cast %mul3A_225 : i32 to index
      %swap3A_257 = tpu.vector_load %arg13[%swap3A_256] {strides = array<i32>} : memref<4096xi32, #tpu.memory_space<vmem>>, vector<16xi32>,
      tpu.vector_store %arg13[%swap3A_256], %broadcast_in_dim3A_29 {strides = array<i32>} : memref<4096xi32, #tpu.memory_space<vmem>>, vector<16xi32>,
      %swap3A_258 = arith.index_cast %mul3A_231 : i32 to index
      %swap3A_259 = tpu.vector_load %arg13[%swap3A_258] {strides = array<i32>} : memref<4096xi32, #tpu.memory_space<vmem>>, vector<16xi32>,
      tpu.vector_store %arg13[%swap3A_258], %broadcast_in_dim3A_29 {strides = array<i32>} : memref<4096xi32, #tpu.memory_space<vmem>>, vector<16xi32>,
      %swap3A_260 = arith.index_cast %mul3A_237 : i32 to index
      %swap3A_261 = tpu.vector_load %arg13[%swap3A_260] {strides = array<i32>} : memref<4096xi32, #tpu.memory_space<vmem>>, vector<16xi32>,
      tpu.vector_store %arg13[%swap3A_260], %broadcast_in_dim3A_29 {strides = array<i32>} : memref<4096xi32, #tpu.memory_space<vmem>>, vector<16xi32>,
      %swap3A_262 = arith.index_cast %mul3A_243 : i32 to index
      %swap3A_263 = tpu.vector_load %arg13[%swap3A_262] {strides = array<i32>} : memref<4096xi32, #tpu.memory_space<vmem>>, vector<16xi32>,
      tpu.vector_store %arg13[%swap3A_262], %broadcast_in_dim3A_29 {strides = array<i32>} : memref<4096xi32, #tpu.memory_space<vmem>>, vector<16xi32>,
      %swap3A_264 = arith.index_cast %mul3A_249 : i32 to index
      %swap3A_265 = tpu.vector_load %arg13[%swap3A_264] {strides = array<i32>} : memref<4096xi32, #tpu.memory_space<vmem>>, vector<16xi32>,
      tpu.vector_store %arg13[%swap3A_264], %broadcast_in_dim3A_29 {strides = array<i32>} : memref<4096xi32, #tpu.memory_space<vmem>>, vector<16xi32>,
      %add3A_266 = arith.constant 4096 : i32
      %add3A_267 = arith.addi %add3A_266, %mul3A_207 : i32
      %get3A = arith.index_cast %add3A_267 : i32 to index
      %get3A_268 = tpu.vector_load %arg8[%get3A] {strides = array<i32>} : memref<8192xi32, #tpu.memory_space<vmem>>, vector<16xi32>,
      %add3A_269 = arith.constant 4096 : i32
      %add3A_270 = arith.addi %add3A_269, %mul3A_213 : i32
      %get3A_271 = arith.index_cast %add3A_270 : i32 to index
      %get3A_272 = tpu.vector_load %arg8[%get3A_271] {strides = array<i32>} : memref<8192xi32, #tpu.memory_space<vmem>>, vector<16xi32>,
      %add3A_273 = arith.constant 4096 : i32
      %add3A_274 = arith.addi %add3A_273, %mul3A_219 : i32
      %get3A_275 = arith.index_cast %add3A_274 : i32 to index
      %get3A_276 = tpu.vector_load %arg8[%get3A_275] {strides = array<i32>} : memref<8192xi32, #tpu.memory_space<vmem>>, vector<16xi32>,
      %add3A_277 = arith.constant 4096 : i32
      %add3A_278 = arith.addi %add3A_277, %mul3A_225 : i32
      %get3A_279 = arith.index_cast %add3A_278 : i32 to index
      %get3A_280 = tpu.vector_load %arg8[%get3A_279] {strides = array<i32>} : memref<8192xi32, #tpu.memory_space<vmem>>, vector<16xi32>,
      %add3A_281 = arith.constant 4096 : i32
      %add3A_282 = arith.addi %add3A_281, %mul3A_231 : i32
      %get3A_283 = arith.index_cast %add3A_282 : i32 to index
      %get3A_284 = tpu.vector_load %arg8[%get3A_283] {strides = array<i32>} : memref<8192xi32, #tpu.memory_space<vmem>>, vector<16xi32>,
      %add3A_285 = arith.constant 4096 : i32
      %add3A_286 = arith.addi %add3A_285, %mul3A_237 : i32
      %get3A_287 = arith.index_cast %add3A_286 : i32 to index
      %get3A_288 = tpu.vector_load %arg8[%get3A_287] {strides = array<i32>} : memref<8192xi32, #tpu.memory_space<vmem>>, vector<16xi32>,
      %add3A_289 = arith.constant 4096 : i32
      %add3A_290 = arith.addi %add3A_289, %mul3A_243 : i32
      %get3A_291 = arith.index_cast %add3A_290 : i32 to index
      %get3A_292 = tpu.vector_load %arg8[%get3A_291] {strides = array<i32>} : memref<8192xi32, #tpu.memory_space<vmem>>, vector<16xi32>,
      %add3A_293 = arith.constant 4096 : i32
      %add3A_294 = arith.addi %add3A_293, %mul3A_249 : i32
      %get3A_295 = arith.index_cast %add3A_294 : i32 to index
      %get3A_296 = tpu.vector_load %arg8[%get3A_295] {strides = array<i32>} : memref<8192xi32, #tpu.memory_space<vmem>>, vector<16xi32>,
      %gather3A = tpu.vector_load_idx %arg14[%get3A_268] : memref<16xf32, #tpu.memory_space<vmem>>[vector<16xi32>], vector<16xf32>,
      %gather3A_297 = tpu.vector_load_idx %arg14[%get3A_272] : memref<16xf32, #tpu.memory_space<vmem>>[vector<16xi32>], vector<16xf32>,
      %gather3A_298 = tpu.vector_load_idx %arg14[%get3A_276] : memref<16xf32, #tpu.memory_space<vmem>>[vector<16xi32>], vector<16xf32>,
      %gather3A_299 = tpu.vector_load_idx %arg14[%get3A_280] : memref<16xf32, #tpu.memory_space<vmem>>[vector<16xi32>], vector<16xf32>,
      %gather3A_300 = tpu.vector_load_idx %arg14[%get3A_284] : memref<16xf32, #tpu.memory_space<vmem>>[vector<16xi32>], vector<16xf32>,
      %gather3A_301 = tpu.vector_load_idx %arg14[%get3A_288] : memref<16xf32, #tpu.memory_space<vmem>>[vector<16xi32>], vector<16xf32>,
      %gather3A_302 = tpu.vector_load_idx %arg14[%get3A_292] : memref<16xf32, #tpu.memory_space<vmem>>[vector<16xi32>], vector<16xf32>,
      %gather3A_303 = tpu.vector_load_idx %arg14[%get3A_296] : memref<16xf32, #tpu.memory_space<vmem>>[vector<16xi32>], vector<16xf32>,
      %gather3A_304 = tpu.vector_load_idx %arg15[%get3A_268] : memref<16xi32, #tpu.memory_space<vmem>>[vector<16xi32>], vector<16xi32>,
      %gather3A_305 = tpu.vector_load_idx %arg15[%get3A_272] : memref<16xi32, #tpu.memory_space<vmem>>[vector<16xi32>], vector<16xi32>,
      %gather3A_306 = tpu.vector_load_idx %arg15[%get3A_276] : memref<16xi32, #tpu.memory_space<vmem>>[vector<16xi32>], vector<16xi32>,
      %gather3A_307 = tpu.vector_load_idx %arg15[%get3A_280] : memref<16xi32, #tpu.memory_space<vmem>>[vector<16xi32>], vector<16xi32>,
      %gather3A_308 = tpu.vector_load_idx %arg15[%get3A_284] : memref<16xi32, #tpu.memory_space<vmem>>[vector<16xi32>], vector<16xi32>,
      %gather3A_309 = tpu.vector_load_idx %arg15[%get3A_288] : memref<16xi32, #tpu.memory_space<vmem>>[vector<16xi32>], vector<16xi32>,
      %gather3A_310 = tpu.vector_load_idx %arg15[%get3A_292] : memref<16xi32, #tpu.memory_space<vmem>>[vector<16xi32>], vector<16xi32>,
      %gather3A_311 = tpu.vector_load_idx %arg15[%get3A_296] : memref<16xi32, #tpu.memory_space<vmem>>[vector<16xi32>], vector<16xi32>,
      %add3A_312 = arith.constant 4096 : i32
      %add3A_313 = arith.addi %add3A_312, %mul3A_207 : i32
      %swap3A_314 = arith.index_cast %add3A_313 : i32 to index
      %swap3A_315 = tpu.vector_load %arg9[%swap3A_314] {strides = array<i32>} : memref<8192xf32, #tpu.memory_space<vmem>>, vector<16xf32>,
      tpu.vector_store %arg9[%swap3A_314], %gather3A {strides = array<i32>} : memref<8192xf32, #tpu.memory_space<vmem>>, vector<16xf32>,
      %add3A_316 = arith.constant 4096 : i32
      %add3A_317 = arith.addi %add3A_316, %mul3A_213 : i32
      %swap3A_318 = arith.index_cast %add3A_317 : i32 to index
      %swap3A_319 = tpu.vector_load %arg9[%swap3A_318] {strides = array<i32>} : memref<8192xf32, #tpu.memory_space<vmem>>, vector<16xf32>,
      tpu.vector_store %arg9[%swap3A_318], %gather3A_297 {strides = array<i32>} : memref<8192xf32, #tpu.memory_space<vmem>>, vector<16xf32>,
      %add3A_320 = arith.constant 4096 : i32
      %add3A_321 = arith.addi %add3A_320, %mul3A_219 : i32
      %swap3A_322 = arith.index_cast %add3A_321 : i32 to index
      %swap3A_323 = tpu.vector_load %arg9[%swap3A_322] {strides = array<i32>} : memref<8192xf32, #tpu.memory_space<vmem>>, vector<16xf32>,
      tpu.vector_store %arg9[%swap3A_322], %gather3A_298 {strides = array<i32>} : memref<8192xf32, #tpu.memory_space<vmem>>, vector<16xf32>,
      %add3A_324 = arith.constant 4096 : i32
      %add3A_325 = arith.addi %add3A_324, %mul3A_225 : i32
      %swap3A_326 = arith.index_cast %add3A_325 : i32 to index
      %swap3A_327 = tpu.vector_load %arg9[%swap3A_326] {strides = array<i32>} : memref<8192xf32, #tpu.memory_space<vmem>>, vector<16xf32>,
      tpu.vector_store %arg9[%swap3A_326], %gather3A_299 {strides = array<i32>} : memref<8192xf32, #tpu.memory_space<vmem>>, vector<16xf32>,
      %add3A_328 = arith.constant 4096 : i32
      %add3A_329 = arith.addi %add3A_328, %mul3A_231 : i32
      %swap3A_330 = arith.index_cast %add3A_329 : i32 to index
      %swap3A_331 = tpu.vector_load %arg9[%swap3A_330] {strides = array<i32>} : memref<8192xf32, #tpu.memory_space<vmem>>, vector<16xf32>,
      tpu.vector_store %arg9[%swap3A_330], %gather3A_300 {strides = array<i32>} : memref<8192xf32, #tpu.memory_space<vmem>>, vector<16xf32>,
      %add3A_332 = arith.constant 4096 : i32
      %add3A_333 = arith.addi %add3A_332, %mul3A_237 : i32
      %swap3A_334 = arith.index_cast %add3A_333 : i32 to index
      %swap3A_335 = tpu.vector_load %arg9[%swap3A_334] {strides = array<i32>} : memref<8192xf32, #tpu.memory_space<vmem>>, vector<16xf32>,
      tpu.vector_store %arg9[%swap3A_334], %gather3A_301 {strides = array<i32>} : memref<8192xf32, #tpu.memory_space<vmem>>, vector<16xf32>,
      %add3A_336 = arith.constant 4096 : i32
      %add3A_337 = arith.addi %add3A_336, %mul3A_243 : i32
      %swap3A_338 = arith.index_cast %add3A_337 : i32 to index
      %swap3A_339 = tpu.vector_load %arg9[%swap3A_338] {strides = array<i32>} : memref<8192xf32, #tpu.memory_space<vmem>>, vector<16xf32>,
      tpu.vector_store %arg9[%swap3A_338], %gather3A_302 {strides = array<i32>} : memref<8192xf32, #tpu.memory_space<vmem>>, vector<16xf32>,
      %add3A_340 = arith.constant 4096 : i32
      %add3A_341 = arith.addi %add3A_340, %mul3A_249 : i32
      %swap3A_342 = arith.index_cast %add3A_341 : i32 to index
      %swap3A_343 = tpu.vector_load %arg9[%swap3A_342] {strides = array<i32>} : memref<8192xf32, #tpu.memory_space<vmem>>, vector<16xf32>,
      tpu.vector_store %arg9[%swap3A_342], %gather3A_303 {strides = array<i32>} : memref<8192xf32, #tpu.memory_space<vmem>>, vector<16xf32>,
      %swap3A_344 = arith.index_cast %mul3A_207 : i32 to index
      %swap3A_345 = tpu.vector_load %arg10[%swap3A_344] {strides = array<i32>} : memref<4096xi32, #tpu.memory_space<vmem>>, vector<16xi32>,
      tpu.vector_store %arg10[%swap3A_344], %gather3A_304 {strides = array<i32>} : memref<4096xi32, #tpu.memory_space<vmem>>, vector<16xi32>,
      %swap3A_346 = arith.index_cast %mul3A_213 : i32 to index
      %swap3A_347 = tpu.vector_load %arg10[%swap3A_346] {strides = array<i32>} : memref<4096xi32, #tpu.memory_space<vmem>>, vector<16xi32>,
      tpu.vector_store %arg10[%swap3A_346], %gather3A_305 {strides = array<i32>} : memref<4096xi32, #tpu.memory_space<vmem>>, vector<16xi32>,
      %swap3A_348 = arith.index_cast %mul3A_219 : i32 to index
      %swap3A_349 = tpu.vector_load %arg10[%swap3A_348] {strides = array<i32>} : memref<4096xi32, #tpu.memory_space<vmem>>, vector<16xi32>,
      tpu.vector_store %arg10[%swap3A_348], %gather3A_306 {strides = array<i32>} : memref<4096xi32, #tpu.memory_space<vmem>>, vector<16xi32>,
      %swap3A_350 = arith.index_cast %mul3A_225 : i32 to index
      %swap3A_351 = tpu.vector_load %arg10[%swap3A_350] {strides = array<i32>} : memref<4096xi32, #tpu.memory_space<vmem>>, vector<16xi32>,
      tpu.vector_store %arg10[%swap3A_350], %gather3A_307 {strides = array<i32>} : memref<4096xi32, #tpu.memory_space<vmem>>, vector<16xi32>,
      %swap3A_352 = arith.index_cast %mul3A_231 : i32 to index
      %swap3A_353 = tpu.vector_load %arg10[%swap3A_352] {strides = array<i32>} : memref<4096xi32, #tpu.memory_space<vmem>>, vector<16xi32>,
      tpu.vector_store %arg10[%swap3A_352], %gather3A_308 {strides = array<i32>} : memref<4096xi32, #tpu.memory_space<vmem>>, vector<16xi32>,
      %swap3A_354 = arith.index_cast %mul3A_237 : i32 to index
      %swap3A_355 = tpu.vector_load %arg10[%swap3A_354] {strides = array<i32>} : memref<4096xi32, #tpu.memory_space<vmem>>, vector<16xi32>,
      tpu.vector_store %arg10[%swap3A_354], %gather3A_309 {strides = array<i32>} : memref<4096xi32, #tpu.memory_space<vmem>>, vector<16xi32>,
      %swap3A_356 = arith.index_cast %mul3A_243 : i32 to index
      %swap3A_357 = tpu.vector_load %arg10[%swap3A_356] {strides = array<i32>} : memref<4096xi32, #tpu.memory_space<vmem>>, vector<16xi32>,
      tpu.vector_store %arg10[%swap3A_356], %gather3A_310 {strides = array<i32>} : memref<4096xi32, #tpu.memory_space<vmem>>, vector<16xi32>,
      %swap3A_358 = arith.index_cast %mul3A_249 : i32 to index
      %swap3A_359 = tpu.vector_load %arg10[%swap3A_358] {strides = array<i32>} : memref<4096xi32, #tpu.memory_space<vmem>>, vector<16xi32>,
      tpu.vector_store %arg10[%swap3A_358], %gather3A_311 {strides = array<i32>} : memref<4096xi32, #tpu.memory_space<vmem>>, vector<16xi32>,
      %broadcast_in_dim3A_360 = arith.constant true
      %broadcast_in_dim3A_361 = vector.broadcast %broadcast_in_dim3A_360 : i1 to vector<16xi1>
      %unique3A, %unique3A_362 = tpu.scan_count mask(%broadcast_in_dim3A_361 : vector<16xi1>) value(%gather3A_304 : vector<16xi32>) : vector<16xi1>, vector<16xi32>
      %broadcast_in_dim3A_363 = arith.constant true
      %broadcast_in_dim3A_364 = vector.broadcast %broadcast_in_dim3A_363 : i1 to vector<16xi1>
      %unique3A_365, %unique3A_366 = tpu.scan_count mask(%broadcast_in_dim3A_364 : vector<16xi1>) value(%gather3A_305 : vector<16xi32>) : vector<16xi1>, vector<16xi32>
      %broadcast_in_dim3A_367 = arith.constant true
      %broadcast_in_dim3A_368 = vector.broadcast %broadcast_in_dim3A_367 : i1 to vector<16xi1>
      %unique3A_369, %unique3A_370 = tpu.scan_count mask(%broadcast_in_dim3A_368 : vector<16xi1>) value(%gather3A_306 : vector<16xi32>) : vector<16xi1>, vector<16xi32>
      %broadcast_in_dim3A_371 = arith.constant true
      %broadcast_in_dim3A_372 = vector.broadcast %broadcast_in_dim3A_371 : i1 to vector<16xi1>
      %unique3A_373, %unique3A_374 = tpu.scan_count mask(%broadcast_in_dim3A_372 : vector<16xi1>) value(%gather3A_307 : vector<16xi32>) : vector<16xi1>, vector<16xi32>
      %broadcast_in_dim3A_375 = arith.constant true
      %broadcast_in_dim3A_376 = vector.broadcast %broadcast_in_dim3A_375 : i1 to vector<16xi1>
      %unique3A_377, %unique3A_378 = tpu.scan_count mask(%broadcast_in_dim3A_376 : vector<16xi1>) value(%gather3A_308 : vector<16xi32>) : vector<16xi1>, vector<16xi32>
      %broadcast_in_dim3A_379 = arith.constant true
      %broadcast_in_dim3A_380 = vector.broadcast %broadcast_in_dim3A_379 : i1 to vector<16xi1>
      %unique3A_381, %unique3A_382 = tpu.scan_count mask(%broadcast_in_dim3A_380 : vector<16xi1>) value(%gather3A_309 : vector<16xi32>) : vector<16xi1>, vector<16xi32>
      %broadcast_in_dim3A_383 = arith.constant true
      %broadcast_in_dim3A_384 = vector.broadcast %broadcast_in_dim3A_383 : i1 to vector<16xi1>
      %unique3A_385, %unique3A_386 = tpu.scan_count mask(%broadcast_in_dim3A_384 : vector<16xi1>) value(%gather3A_310 : vector<16xi32>) : vector<16xi1>, vector<16xi32>
      %broadcast_in_dim3A_387 = arith.constant true
      %broadcast_in_dim3A_388 = vector.broadcast %broadcast_in_dim3A_387 : i1 to vector<16xi1>
      %unique3A_389, %unique3A_390 = tpu.scan_count mask(%broadcast_in_dim3A_388 : vector<16xi1>) value(%gather3A_311 : vector<16xi32>) : vector<16xi1>, vector<16xi32>
      %add3A_391 = vector.broadcast %mul3A_207 : i32 to vector<16xi32>
      %add3A_392 = arith.addi %add3A_391, %gather3A_304 : vector<16xi32>
      tpu.vector_store_idx %arg13[%add3A_392], %unique3A_362 masked %unique3A : memref<4096xi32, #tpu.memory_space<vmem>>[vector<16xi32>], vector<16xi32>, vector<16xi1>
      %add3A_393 = vector.broadcast %mul3A_213 : i32 to vector<16xi32>
      %add3A_394 = arith.addi %add3A_393, %gather3A_305 : vector<16xi32>
      tpu.vector_store_idx %arg13[%add3A_394], %unique3A_366 masked %unique3A_365 : memref<4096xi32, #tpu.memory_space<vmem>>[vector<16xi32>], vector<16xi32>, vector<16xi1>
      %add3A_395 = vector.broadcast %mul3A_219 : i32 to vector<16xi32>
      %add3A_396 = arith.addi %add3A_395, %gather3A_306 : vector<16xi32>
      tpu.vector_store_idx %arg13[%add3A_396], %unique3A_370 masked %unique3A_369 : memref<4096xi32, #tpu.memory_space<vmem>>[vector<16xi32>], vector<16xi32>, vector<16xi1>
      %add3A_397 = vector.broadcast %mul3A_225 : i32 to vector<16xi32>
      %add3A_398 = arith.addi %add3A_397, %gather3A_307 : vector<16xi32>
      tpu.vector_store_idx %arg13[%add3A_398], %unique3A_374 masked %unique3A_373 : memref<4096xi32, #tpu.memory_space<vmem>>[vector<16xi32>], vector<16xi32>, vector<16xi1>
      %add3A_399 = vector.broadcast %mul3A_231 : i32 to vector<16xi32>
      %add3A_400 = arith.addi %add3A_399, %gather3A_308 : vector<16xi32>
      tpu.vector_store_idx %arg13[%add3A_400], %unique3A_378 masked %unique3A_377 : memref<4096xi32, #tpu.memory_space<vmem>>[vector<16xi32>], vector<16xi32>, vector<16xi1>
      %add3A_401 = vector.broadcast %mul3A_237 : i32 to vector<16xi32>
      %add3A_402 = arith.addi %add3A_401, %gather3A_309 : vector<16xi32>
      tpu.vector_store_idx %arg13[%add3A_402], %unique3A_382 masked %unique3A_381 : memref<4096xi32, #tpu.memory_space<vmem>>[vector<16xi32>], vector<16xi32>, vector<16xi1>
      %add3A_403 = vector.broadcast %mul3A_243 : i32 to vector<16xi32>
      %add3A_404 = arith.addi %add3A_403, %gather3A_310 : vector<16xi32>
      tpu.vector_store_idx %arg13[%add3A_404], %unique3A_386 masked %unique3A_385 : memref<4096xi32, #tpu.memory_space<vmem>>[vector<16xi32>], vector<16xi32>, vector<16xi1>
      %add3A_405 = vector.broadcast %mul3A_249 : i32 to vector<16xi32>
      %add3A_406 = arith.addi %add3A_405, %gather3A_311 : vector<16xi32>
      tpu.vector_store_idx %arg13[%add3A_406], %unique3A_390 masked %unique3A_389 : memref<4096xi32, #tpu.memory_space<vmem>>[vector<16xi32>], vector<16xi32>, vector<16xi1>
    }
    %scan3A_110 = arith.constant 32 : i32
    %scan3A_111 = arith.constant 0 : i32
    %scan3A_112 = arith.constant 32 : i32
    %scan3A_113 = arith.addi %scan3A_111, %scan3A_112 : i32
    %scan3A_114 = arith.constant 1 : i32
    %scan3A_115 = scf.for %scan3A_201 = %scan3A_111 to %scan3A_113 step %scan3A_114 iter_args(%scan3A_202 = %broadcast_in_dim3A_29) -> (vector<16xi32>)  : i32 {
      %mul3A_203 = arith.constant 8 : i32
      %mul3A_204 = arith.muli %scan3A_201, %mul3A_203 : i32
      %add3A_205 = arith.constant 0 : i32
      %add3A_206 = arith.addi %mul3A_204, %add3A_205 : i32
      %mul3A_207 = arith.constant 16 : i32
      %mul3A_208 = arith.muli %add3A_206, %mul3A_207 : i32
      %mul3A_209 = arith.constant 8 : i32
      %mul3A_210 = arith.muli %scan3A_201, %mul3A_209 : i32
      %add3A_211 = arith.constant 1 : i32
      %add3A_212 = arith.addi %mul3A_210, %add3A_211 : i32
      %mul3A_213 = arith.constant 16 : i32
      %mul3A_214 = arith.muli %add3A_212, %mul3A_213 : i32
      %mul3A_215 = arith.constant 8 : i32
      %mul3A_216 = arith.muli %scan3A_201, %mul3A_215 : i32
      %add3A_217 = arith.constant 2 : i32
      %add3A_218 = arith.addi %mul3A_216, %add3A_217 : i32
      %mul3A_219 = arith.constant 16 : i32
      %mul3A_220 = arith.muli %add3A_218, %mul3A_219 : i32
      %mul3A_221 = arith.constant 8 : i32
      %mul3A_222 = arith.muli %scan3A_201, %mul3A_221 : i32
      %add3A_223 = arith.constant 3 : i32
      %add3A_224 = arith.addi %mul3A_222, %add3A_223 : i32
      %mul3A_225 = arith.constant 16 : i32
      %mul3A_226 = arith.muli %add3A_224, %mul3A_225 : i32
      %mul3A_227 = arith.constant 8 : i32
      %mul3A_228 = arith.muli %scan3A_201, %mul3A_227 : i32
      %add3A_229 = arith.constant 4 : i32
      %add3A_230 = arith.addi %mul3A_228, %add3A_229 : i32
      %mul3A_231 = arith.constant 16 : i32
      %mul3A_232 = arith.muli %add3A_230, %mul3A_231 : i32
      %mul3A_233 = arith.constant 8 : i32
      %mul3A_234 = arith.muli %scan3A_201, %mul3A_233 : i32
      %add3A_235 = arith.constant 5 : i32
      %add3A_236 = arith.addi %mul3A_234, %add3A_235 : i32
      %mul3A_237 = arith.constant 16 : i32
      %mul3A_238 = arith.muli %add3A_236, %mul3A_237 : i32
      %mul3A_239 = arith.constant 8 : i32
      %mul3A_240 = arith.muli %scan3A_201, %mul3A_239 : i32
      %add3A_241 = arith.constant 6 : i32
      %add3A_242 = arith.addi %mul3A_240, %add3A_241 : i32
      %mul3A_243 = arith.constant 16 : i32
      %mul3A_244 = arith.muli %add3A_242, %mul3A_243 : i32
      %mul3A_245 = arith.constant 8 : i32
      %mul3A_246 = arith.muli %scan3A_201, %mul3A_245 : i32
      %add3A_247 = arith.constant 7 : i32
      %add3A_248 = arith.addi %mul3A_246, %add3A_247 : i32
      %mul3A_249 = arith.constant 16 : i32
      %mul3A_250 = arith.muli %add3A_248, %mul3A_249 : i32
      %get3A = arith.index_cast %mul3A_208 : i32 to index
      %get3A_251 = tpu.vector_load %arg13[%get3A] {strides = array<i32>} : memref<4096xi32, #tpu.memory_space<vmem>>, vector<16xi32>,
      %get3A_252 = arith.index_cast %mul3A_214 : i32 to index
      %get3A_253 = tpu.vector_load %arg13[%get3A_252] {strides = array<i32>} : memref<4096xi32, #tpu.memory_space<vmem>>, vector<16xi32>,
      %get3A_254 = arith.index_cast %mul3A_220 : i32 to index
      %get3A_255 = tpu.vector_load %arg13[%get3A_254] {strides = array<i32>} : memref<4096xi32, #tpu.memory_space<vmem>>, vector<16xi32>,
      %get3A_256 = arith.index_cast %mul3A_226 : i32 to index
      %get3A_257 = tpu.vector_load %arg13[%get3A_256] {strides = array<i32>} : memref<4096xi32, #tpu.memory_space<vmem>>, vector<16xi32>,
      %get3A_258 = arith.index_cast %mul3A_232 : i32 to index
      %get3A_259 = tpu.vector_load %arg13[%get3A_258] {strides = array<i32>} : memref<4096xi32, #tpu.memory_space<vmem>>, vector<16xi32>,
      %get3A_260 = arith.index_cast %mul3A_238 : i32 to index
      %get3A_261 = tpu.vector_load %arg13[%get3A_260] {strides = array<i32>} : memref<4096xi32, #tpu.memory_space<vmem>>, vector<16xi32>,
      %get3A_262 = arith.index_cast %mul3A_244 : i32 to index
      %get3A_263 = tpu.vector_load %arg13[%get3A_262] {strides = array<i32>} : memref<4096xi32, #tpu.memory_space<vmem>>, vector<16xi32>,
      %get3A_264 = arith.index_cast %mul3A_250 : i32 to index
      %get3A_265 = tpu.vector_load %arg13[%get3A_264] {strides = array<i32>} : memref<4096xi32, #tpu.memory_space<vmem>>, vector<16xi32>,
      %swap3A_266 = arith.index_cast %mul3A_208 : i32 to index
      %swap3A_267 = tpu.vector_load %arg13[%swap3A_266] {strides = array<i32>} : memref<4096xi32, #tpu.memory_space<vmem>>, vector<16xi32>,
      tpu.vector_store %arg13[%swap3A_266], %scan3A_202 {strides = array<i32>} : memref<4096xi32, #tpu.memory_space<vmem>>, vector<16xi32>,
      %add3A_268 = arith.addi %scan3A_202, %get3A_251 : vector<16xi32>
      %swap3A_269 = arith.index_cast %mul3A_214 : i32 to index
      %swap3A_270 = tpu.vector_load %arg13[%swap3A_269] {strides = array<i32>} : memref<4096xi32, #tpu.memory_space<vmem>>, vector<16xi32>,
      tpu.vector_store %arg13[%swap3A_269], %add3A_268 {strides = array<i32>} : memref<4096xi32, #tpu.memory_space<vmem>>, vector<16xi32>,
      %add3A_271 = arith.addi %add3A_268, %get3A_253 : vector<16xi32>
      %swap3A_272 = arith.index_cast %mul3A_220 : i32 to index
      %swap3A_273 = tpu.vector_load %arg13[%swap3A_272] {strides = array<i32>} : memref<4096xi32, #tpu.memory_space<vmem>>, vector<16xi32>,
      tpu.vector_store %arg13[%swap3A_272], %add3A_271 {strides = array<i32>} : memref<4096xi32, #tpu.memory_space<vmem>>, vector<16xi32>,
      %add3A_274 = arith.addi %add3A_271, %get3A_255 : vector<16xi32>
      %swap3A_275 = arith.index_cast %mul3A_226 : i32 to index
      %swap3A_276 = tpu.vector_load %arg13[%swap3A_275] {strides = array<i32>} : memref<4096xi32, #tpu.memory_space<vmem>>, vector<16xi32>,
      tpu.vector_store %arg13[%swap3A_275], %add3A_274 {strides = array<i32>} : memref<4096xi32, #tpu.memory_space<vmem>>, vector<16xi32>,
      %add3A_277 = arith.addi %add3A_274, %get3A_257 : vector<16xi32>
      %swap3A_278 = arith.index_cast %mul3A_232 : i32 to index
      %swap3A_279 = tpu.vector_load %arg13[%swap3A_278] {strides = array<i32>} : memref<4096xi32, #tpu.memory_space<vmem>>, vector<16xi32>,
      tpu.vector_store %arg13[%swap3A_278], %add3A_277 {strides = array<i32>} : memref<4096xi32, #tpu.memory_space<vmem>>, vector<16xi32>,
      %add3A_280 = arith.addi %add3A_277, %get3A_259 : vector<16xi32>
      %swap3A_281 = arith.index_cast %mul3A_238 : i32 to index
      %swap3A_282 = tpu.vector_load %arg13[%swap3A_281] {strides = array<i32>} : memref<4096xi32, #tpu.memory_space<vmem>>, vector<16xi32>,
      tpu.vector_store %arg13[%swap3A_281], %add3A_280 {strides = array<i32>} : memref<4096xi32, #tpu.memory_space<vmem>>, vector<16xi32>,
      %add3A_283 = arith.addi %add3A_280, %get3A_261 : vector<16xi32>
      %swap3A_284 = arith.index_cast %mul3A_244 : i32 to index
      %swap3A_285 = tpu.vector_load %arg13[%swap3A_284] {strides = array<i32>} : memref<4096xi32, #tpu.memory_space<vmem>>, vector<16xi32>,
      tpu.vector_store %arg13[%swap3A_284], %add3A_283 {strides = array<i32>} : memref<4096xi32, #tpu.memory_space<vmem>>, vector<16xi32>,
      %add3A_286 = arith.addi %add3A_283, %get3A_263 : vector<16xi32>
      %swap3A_287 = arith.index_cast %mul3A_250 : i32 to index
      %swap3A_288 = tpu.vector_load %arg13[%swap3A_287] {strides = array<i32>} : memref<4096xi32, #tpu.memory_space<vmem>>, vector<16xi32>,
      tpu.vector_store %arg13[%swap3A_287], %add3A_286 {strides = array<i32>} : memref<4096xi32, #tpu.memory_space<vmem>>, vector<16xi32>,
      %add3A_289 = arith.addi %add3A_286, %get3A_265 : vector<16xi32>
      scf.yield %add3A_289 : vector<16xi32>
    }
    %scan3A_116 = arith.constant 32 : i32
    %broadcast_in_dim3A_117 = arith.constant true
    %broadcast_in_dim3A_118 = vector.broadcast %broadcast_in_dim3A_117 : i1 to vector<16xi1>
    %masked_cumsum3A_119 = tpu.scan <sum>, %scan3A_115 masked %broadcast_in_dim3A_118 : vector<16xi32>, vector<16xi1> -> vector<16xi32>
    %sub3A_120 = arith.subi %masked_cumsum3A_119, %scan3A_115 : vector<16xi32>
    %scan3A_121 = arith.constant 0 : i32
    %scan3A_122 = arith.constant 0 : i32
    %scan3A_123 = arith.constant 32 : i32
    %scan3A_124 = arith.addi %scan3A_122, %scan3A_123 : i32
    %scan3A_125 = arith.constant 1 : i32
    scf.for %scan3A_201 = %scan3A_122 to %scan3A_124 step %scan3A_125  : i32 {
      %mul3A_202 = arith.constant 8 : i32
      %mul3A_203 = arith.muli %scan3A_201, %mul3A_202 : i32
      %add3A_204 = arith.constant 0 : i32
      %add3A_205 = arith.addi %mul3A_203, %add3A_204 : i32
      %mul3A_206 = arith.constant 16 : i32
      %mul3A_207 = arith.muli %add3A_205, %mul3A_206 : i32
      %mul3A_208 = arith.constant 8 : i32
      %mul3A_209 = arith.muli %scan3A_201, %mul3A_208 : i32
      %add3A_210 = arith.constant 1 : i32
      %add3A_211 = arith.addi %mul3A_209, %add3A_210 : i32
      %mul3A_212 = arith.constant 16 : i32
      %mul3A_213 = arith.muli %add3A_211, %mul3A_212 : i32
      %mul3A_214 = arith.constant 8 : i32
      %mul3A_215 = arith.muli %scan3A_201, %mul3A_214 : i32
      %add3A_216 = arith.constant 2 : i32
      %add3A_217 = arith.addi %mul3A_215, %add3A_216 : i32
      %mul3A_218 = arith.constant 16 : i32
      %mul3A_219 = arith.muli %add3A_217, %mul3A_218 : i32
      %mul3A_220 = arith.constant 8 : i32
      %mul3A_221 = arith.muli %scan3A_201, %mul3A_220 : i32
      %add3A_222 = arith.constant 3 : i32
      %add3A_223 = arith.addi %mul3A_221, %add3A_222 : i32
      %mul3A_224 = arith.constant 16 : i32
      %mul3A_225 = arith.muli %add3A_223, %mul3A_224 : i32
      %mul3A_226 = arith.constant 8 : i32
      %mul3A_227 = arith.muli %scan3A_201, %mul3A_226 : i32
      %add3A_228 = arith.constant 4 : i32
      %add3A_229 = arith.addi %mul3A_227, %add3A_228 : i32
      %mul3A_230 = arith.constant 16 : i32
      %mul3A_231 = arith.muli %add3A_229, %mul3A_230 : i32
      %mul3A_232 = arith.constant 8 : i32
      %mul3A_233 = arith.muli %scan3A_201, %mul3A_232 : i32
      %add3A_234 = arith.constant 5 : i32
      %add3A_235 = arith.addi %mul3A_233, %add3A_234 : i32
      %mul3A_236 = arith.constant 16 : i32
      %mul3A_237 = arith.muli %add3A_235, %mul3A_236 : i32
      %mul3A_238 = arith.constant 8 : i32
      %mul3A_239 = arith.muli %scan3A_201, %mul3A_238 : i32
      %add3A_240 = arith.constant 6 : i32
      %add3A_241 = arith.addi %mul3A_239, %add3A_240 : i32
      %mul3A_242 = arith.constant 16 : i32
      %mul3A_243 = arith.muli %add3A_241, %mul3A_242 : i32
      %mul3A_244 = arith.constant 8 : i32
      %mul3A_245 = arith.muli %scan3A_201, %mul3A_244 : i32
      %add3A_246 = arith.constant 7 : i32
      %add3A_247 = arith.addi %mul3A_245, %add3A_246 : i32
      %mul3A_248 = arith.constant 16 : i32
      %mul3A_249 = arith.muli %add3A_247, %mul3A_248 : i32
      %get3A = arith.index_cast %mul3A_207 : i32 to index
      %get3A_250 = tpu.vector_load %arg13[%get3A] {strides = array<i32>} : memref<4096xi32, #tpu.memory_space<vmem>>, vector<16xi32>,
      %get3A_251 = arith.index_cast %mul3A_213 : i32 to index
      %get3A_252 = tpu.vector_load %arg13[%get3A_251] {strides = array<i32>} : memref<4096xi32, #tpu.memory_space<vmem>>, vector<16xi32>,
      %get3A_253 = arith.index_cast %mul3A_219 : i32 to index
      %get3A_254 = tpu.vector_load %arg13[%get3A_253] {strides = array<i32>} : memref<4096xi32, #tpu.memory_space<vmem>>, vector<16xi32>,
      %get3A_255 = arith.index_cast %mul3A_225 : i32 to index
      %get3A_256 = tpu.vector_load %arg13[%get3A_255] {strides = array<i32>} : memref<4096xi32, #tpu.memory_space<vmem>>, vector<16xi32>,
      %get3A_257 = arith.index_cast %mul3A_231 : i32 to index
      %get3A_258 = tpu.vector_load %arg13[%get3A_257] {strides = array<i32>} : memref<4096xi32, #tpu.memory_space<vmem>>, vector<16xi32>,
      %get3A_259 = arith.index_cast %mul3A_237 : i32 to index
      %get3A_260 = tpu.vector_load %arg13[%get3A_259] {strides = array<i32>} : memref<4096xi32, #tpu.memory_space<vmem>>, vector<16xi32>,
      %get3A_261 = arith.index_cast %mul3A_243 : i32 to index
      %get3A_262 = tpu.vector_load %arg13[%get3A_261] {strides = array<i32>} : memref<4096xi32, #tpu.memory_space<vmem>>, vector<16xi32>,
      %get3A_263 = arith.index_cast %mul3A_249 : i32 to index
      %get3A_264 = tpu.vector_load %arg13[%get3A_263] {strides = array<i32>} : memref<4096xi32, #tpu.memory_space<vmem>>, vector<16xi32>,
      %add3A_265 = arith.addi %get3A_250, %sub3A_120 : vector<16xi32>
      %swap3A_266 = arith.index_cast %mul3A_207 : i32 to index
      %swap3A_267 = tpu.vector_load %arg13[%swap3A_266] {strides = array<i32>} : memref<4096xi32, #tpu.memory_space<vmem>>, vector<16xi32>,
      tpu.vector_store %arg13[%swap3A_266], %add3A_265 {strides = array<i32>} : memref<4096xi32, #tpu.memory_space<vmem>>, vector<16xi32>,
      %add3A_268 = arith.addi %get3A_252, %sub3A_120 : vector<16xi32>
      %swap3A_269 = arith.index_cast %mul3A_213 : i32 to index
      %swap3A_270 = tpu.vector_load %arg13[%swap3A_269] {strides = array<i32>} : memref<4096xi32, #tpu.memory_space<vmem>>, vector<16xi32>,
      tpu.vector_store %arg13[%swap3A_269], %add3A_268 {strides = array<i32>} : memref<4096xi32, #tpu.memory_space<vmem>>, vector<16xi32>,
      %add3A_271 = arith.addi %get3A_254, %sub3A_120 : vector<16xi32>
      %swap3A_272 = arith.index_cast %mul3A_219 : i32 to index
      %swap3A_273 = tpu.vector_load %arg13[%swap3A_272] {strides = array<i32>} : memref<4096xi32, #tpu.memory_space<vmem>>, vector<16xi32>,
      tpu.vector_store %arg13[%swap3A_272], %add3A_271 {strides = array<i32>} : memref<4096xi32, #tpu.memory_space<vmem>>, vector<16xi32>,
      %add3A_274 = arith.addi %get3A_256, %sub3A_120 : vector<16xi32>
      %swap3A_275 = arith.index_cast %mul3A_225 : i32 to index
      %swap3A_276 = tpu.vector_load %arg13[%swap3A_275] {strides = array<i32>} : memref<4096xi32, #tpu.memory_space<vmem>>, vector<16xi32>,
      tpu.vector_store %arg13[%swap3A_275], %add3A_274 {strides = array<i32>} : memref<4096xi32, #tpu.memory_space<vmem>>, vector<16xi32>,
      %add3A_277 = arith.addi %get3A_258, %sub3A_120 : vector<16xi32>
      %swap3A_278 = arith.index_cast %mul3A_231 : i32 to index
      %swap3A_279 = tpu.vector_load %arg13[%swap3A_278] {strides = array<i32>} : memref<4096xi32, #tpu.memory_space<vmem>>, vector<16xi32>,
      tpu.vector_store %arg13[%swap3A_278], %add3A_277 {strides = array<i32>} : memref<4096xi32, #tpu.memory_space<vmem>>, vector<16xi32>,
      %add3A_280 = arith.addi %get3A_260, %sub3A_120 : vector<16xi32>
      %swap3A_281 = arith.index_cast %mul3A_237 : i32 to index
      %swap3A_282 = tpu.vector_load %arg13[%swap3A_281] {strides = array<i32>} : memref<4096xi32, #tpu.memory_space<vmem>>, vector<16xi32>,
      tpu.vector_store %arg13[%swap3A_281], %add3A_280 {strides = array<i32>} : memref<4096xi32, #tpu.memory_space<vmem>>, vector<16xi32>,
      %add3A_283 = arith.addi %get3A_262, %sub3A_120 : vector<16xi32>
      %swap3A_284 = arith.index_cast %mul3A_243 : i32 to index
      %swap3A_285 = tpu.vector_load %arg13[%swap3A_284] {strides = array<i32>} : memref<4096xi32, #tpu.memory_space<vmem>>, vector<16xi32>,
      tpu.vector_store %arg13[%swap3A_284], %add3A_283 {strides = array<i32>} : memref<4096xi32, #tpu.memory_space<vmem>>, vector<16xi32>,
      %add3A_286 = arith.addi %get3A_264, %sub3A_120 : vector<16xi32>
      %swap3A_287 = arith.index_cast %mul3A_249 : i32 to index
      %swap3A_288 = tpu.vector_load %arg13[%swap3A_287] {strides = array<i32>} : memref<4096xi32, #tpu.memory_space<vmem>>, vector<16xi32>,
      tpu.vector_store %arg13[%swap3A_287], %add3A_286 {strides = array<i32>} : memref<4096xi32, #tpu.memory_space<vmem>>, vector<16xi32>,
    }
    %scan3A_126 = arith.constant 32 : i32
    %scan3A_127 = arith.constant 0 : i32
    %scan3A_128 = arith.constant 0 : i32
    %scan3A_129 = arith.constant 32 : i32
    %scan3A_130 = arith.addi %scan3A_128, %scan3A_129 : i32
    %scan3A_131 = arith.constant 1 : i32
    scf.for %scan3A_201 = %scan3A_128 to %scan3A_130 step %scan3A_131  : i32 {
      %mul3A_202 = arith.constant 8 : i32
      %mul3A_203 = arith.muli %scan3A_201, %mul3A_202 : i32
      %add3A_204 = arith.constant 0 : i32
      %add3A_205 = arith.addi %mul3A_203, %add3A_204 : i32
      %mul3A_206 = arith.constant 16 : i32
      %mul3A_207 = arith.muli %add3A_205, %mul3A_206 : i32
      %mul3A_208 = arith.constant 8 : i32
      %mul3A_209 = arith.muli %scan3A_201, %mul3A_208 : i32
      %add3A_210 = arith.constant 1 : i32
      %add3A_211 = arith.addi %mul3A_209, %add3A_210 : i32
      %mul3A_212 = arith.constant 16 : i32
      %mul3A_213 = arith.muli %add3A_211, %mul3A_212 : i32
      %mul3A_214 = arith.constant 8 : i32
      %mul3A_215 = arith.muli %scan3A_201, %mul3A_214 : i32
      %add3A_216 = arith.constant 2 : i32
      %add3A_217 = arith.addi %mul3A_215, %add3A_216 : i32
      %mul3A_218 = arith.constant 16 : i32
      %mul3A_219 = arith.muli %add3A_217, %mul3A_218 : i32
      %mul3A_220 = arith.constant 8 : i32
      %mul3A_221 = arith.muli %scan3A_201, %mul3A_220 : i32
      %add3A_222 = arith.constant 3 : i32
      %add3A_223 = arith.addi %mul3A_221, %add3A_222 : i32
      %mul3A_224 = arith.constant 16 : i32
      %mul3A_225 = arith.muli %add3A_223, %mul3A_224 : i32
      %mul3A_226 = arith.constant 8 : i32
      %mul3A_227 = arith.muli %scan3A_201, %mul3A_226 : i32
      %add3A_228 = arith.constant 4 : i32
      %add3A_229 = arith.addi %mul3A_227, %add3A_228 : i32
      %mul3A_230 = arith.constant 16 : i32
      %mul3A_231 = arith.muli %add3A_229, %mul3A_230 : i32
      %mul3A_232 = arith.constant 8 : i32
      %mul3A_233 = arith.muli %scan3A_201, %mul3A_232 : i32
      %add3A_234 = arith.constant 5 : i32
      %add3A_235 = arith.addi %mul3A_233, %add3A_234 : i32
      %mul3A_236 = arith.constant 16 : i32
      %mul3A_237 = arith.muli %add3A_235, %mul3A_236 : i32
      %mul3A_238 = arith.constant 8 : i32
      %mul3A_239 = arith.muli %scan3A_201, %mul3A_238 : i32
      %add3A_240 = arith.constant 6 : i32
      %add3A_241 = arith.addi %mul3A_239, %add3A_240 : i32
      %mul3A_242 = arith.constant 16 : i32
      %mul3A_243 = arith.muli %add3A_241, %mul3A_242 : i32
      %mul3A_244 = arith.constant 8 : i32
      %mul3A_245 = arith.muli %scan3A_201, %mul3A_244 : i32
      %add3A_246 = arith.constant 7 : i32
      %add3A_247 = arith.addi %mul3A_245, %add3A_246 : i32
      %mul3A_248 = arith.constant 16 : i32
      %mul3A_249 = arith.muli %add3A_247, %mul3A_248 : i32
      %get3A = arith.index_cast %mul3A_207 : i32 to index
      %get3A_250 = tpu.vector_load %arg10[%get3A] {strides = array<i32>} : memref<4096xi32, #tpu.memory_space<vmem>>, vector<16xi32>,
      %get3A_251 = arith.index_cast %mul3A_213 : i32 to index
      %get3A_252 = tpu.vector_load %arg10[%get3A_251] {strides = array<i32>} : memref<4096xi32, #tpu.memory_space<vmem>>, vector<16xi32>,
      %get3A_253 = arith.index_cast %mul3A_219 : i32 to index
      %get3A_254 = tpu.vector_load %arg10[%get3A_253] {strides = array<i32>} : memref<4096xi32, #tpu.memory_space<vmem>>, vector<16xi32>,
      %get3A_255 = arith.index_cast %mul3A_225 : i32 to index
      %get3A_256 = tpu.vector_load %arg10[%get3A_255] {strides = array<i32>} : memref<4096xi32, #tpu.memory_space<vmem>>, vector<16xi32>,
      %get3A_257 = arith.index_cast %mul3A_231 : i32 to index
      %get3A_258 = tpu.vector_load %arg10[%get3A_257] {strides = array<i32>} : memref<4096xi32, #tpu.memory_space<vmem>>, vector<16xi32>,
      %get3A_259 = arith.index_cast %mul3A_237 : i32 to index
      %get3A_260 = tpu.vector_load %arg10[%get3A_259] {strides = array<i32>} : memref<4096xi32, #tpu.memory_space<vmem>>, vector<16xi32>,
      %get3A_261 = arith.index_cast %mul3A_243 : i32 to index
      %get3A_262 = tpu.vector_load %arg10[%get3A_261] {strides = array<i32>} : memref<4096xi32, #tpu.memory_space<vmem>>, vector<16xi32>,
      %get3A_263 = arith.index_cast %mul3A_249 : i32 to index
      %get3A_264 = tpu.vector_load %arg10[%get3A_263] {strides = array<i32>} : memref<4096xi32, #tpu.memory_space<vmem>>, vector<16xi32>,
      %broadcast_in_dim3A_265 = arith.constant true
      %broadcast_in_dim3A_266 = vector.broadcast %broadcast_in_dim3A_265 : i1 to vector<16xi1>
      %unique3A, %unique3A_267 = tpu.scan_count mask(%broadcast_in_dim3A_266 : vector<16xi1>) value(%get3A_250 : vector<16xi32>) : vector<16xi1>, vector<16xi32>
      %broadcast_in_dim3A_268 = arith.constant true
      %broadcast_in_dim3A_269 = vector.broadcast %broadcast_in_dim3A_268 : i1 to vector<16xi1>
      %unique3A_270, %unique3A_271 = tpu.scan_count mask(%broadcast_in_dim3A_269 : vector<16xi1>) value(%get3A_252 : vector<16xi32>) : vector<16xi1>, vector<16xi32>
      %broadcast_in_dim3A_272 = arith.constant true
      %broadcast_in_dim3A_273 = vector.broadcast %broadcast_in_dim3A_272 : i1 to vector<16xi1>
      %unique3A_274, %unique3A_275 = tpu.scan_count mask(%broadcast_in_dim3A_273 : vector<16xi1>) value(%get3A_254 : vector<16xi32>) : vector<16xi1>, vector<16xi32>
      %broadcast_in_dim3A_276 = arith.constant true
      %broadcast_in_dim3A_277 = vector.broadcast %broadcast_in_dim3A_276 : i1 to vector<16xi1>
      %unique3A_278, %unique3A_279 = tpu.scan_count mask(%broadcast_in_dim3A_277 : vector<16xi1>) value(%get3A_256 : vector<16xi32>) : vector<16xi1>, vector<16xi32>
      %broadcast_in_dim3A_280 = arith.constant true
      %broadcast_in_dim3A_281 = vector.broadcast %broadcast_in_dim3A_280 : i1 to vector<16xi1>
      %unique3A_282, %unique3A_283 = tpu.scan_count mask(%broadcast_in_dim3A_281 : vector<16xi1>) value(%get3A_258 : vector<16xi32>) : vector<16xi1>, vector<16xi32>
      %broadcast_in_dim3A_284 = arith.constant true
      %broadcast_in_dim3A_285 = vector.broadcast %broadcast_in_dim3A_284 : i1 to vector<16xi1>
      %unique3A_286, %unique3A_287 = tpu.scan_count mask(%broadcast_in_dim3A_285 : vector<16xi1>) value(%get3A_260 : vector<16xi32>) : vector<16xi1>, vector<16xi32>
      %broadcast_in_dim3A_288 = arith.constant true
      %broadcast_in_dim3A_289 = vector.broadcast %broadcast_in_dim3A_288 : i1 to vector<16xi1>
      %unique3A_290, %unique3A_291 = tpu.scan_count mask(%broadcast_in_dim3A_289 : vector<16xi1>) value(%get3A_262 : vector<16xi32>) : vector<16xi1>, vector<16xi32>
      %broadcast_in_dim3A_292 = arith.constant true
      %broadcast_in_dim3A_293 = vector.broadcast %broadcast_in_dim3A_292 : i1 to vector<16xi1>
      %unique3A_294, %unique3A_295 = tpu.scan_count mask(%broadcast_in_dim3A_293 : vector<16xi1>) value(%get3A_264 : vector<16xi32>) : vector<16xi1>, vector<16xi32>
      %add3A_296 = vector.broadcast %mul3A_207 : i32 to vector<16xi32>
      %add3A_297 = arith.addi %add3A_296, %get3A_250 : vector<16xi32>
      %gather3A = tpu.vector_load_idx %arg13[%add3A_297] : memref<4096xi32, #tpu.memory_space<vmem>>[vector<16xi32>], vector<16xi32>,
      %add3A_298 = vector.broadcast %mul3A_213 : i32 to vector<16xi32>
      %add3A_299 = arith.addi %add3A_298, %get3A_252 : vector<16xi32>
      %gather3A_300 = tpu.vector_load_idx %arg13[%add3A_299] : memref<4096xi32, #tpu.memory_space<vmem>>[vector<16xi32>], vector<16xi32>,
      %add3A_301 = vector.broadcast %mul3A_219 : i32 to vector<16xi32>
      %add3A_302 = arith.addi %add3A_301, %get3A_254 : vector<16xi32>
      %gather3A_303 = tpu.vector_load_idx %arg13[%add3A_302] : memref<4096xi32, #tpu.memory_space<vmem>>[vector<16xi32>], vector<16xi32>,
      %add3A_304 = vector.broadcast %mul3A_225 : i32 to vector<16xi32>
      %add3A_305 = arith.addi %add3A_304, %get3A_256 : vector<16xi32>
      %gather3A_306 = tpu.vector_load_idx %arg13[%add3A_305] : memref<4096xi32, #tpu.memory_space<vmem>>[vector<16xi32>], vector<16xi32>,
      %add3A_307 = vector.broadcast %mul3A_231 : i32 to vector<16xi32>
      %add3A_308 = arith.addi %add3A_307, %get3A_258 : vector<16xi32>
      %gather3A_309 = tpu.vector_load_idx %arg13[%add3A_308] : memref<4096xi32, #tpu.memory_space<vmem>>[vector<16xi32>], vector<16xi32>,
      %add3A_310 = vector.broadcast %mul3A_237 : i32 to vector<16xi32>
      %add3A_311 = arith.addi %add3A_310, %get3A_260 : vector<16xi32>
      %gather3A_312 = tpu.vector_load_idx %arg13[%add3A_311] : memref<4096xi32, #tpu.memory_space<vmem>>[vector<16xi32>], vector<16xi32>,
      %add3A_313 = vector.broadcast %mul3A_243 : i32 to vector<16xi32>
      %add3A_314 = arith.addi %add3A_313, %get3A_262 : vector<16xi32>
      %gather3A_315 = tpu.vector_load_idx %arg13[%add3A_314] : memref<4096xi32, #tpu.memory_space<vmem>>[vector<16xi32>], vector<16xi32>,
      %add3A_316 = vector.broadcast %mul3A_249 : i32 to vector<16xi32>
      %add3A_317 = arith.addi %add3A_316, %get3A_264 : vector<16xi32>
      %gather3A_318 = tpu.vector_load_idx %arg13[%add3A_317] : memref<4096xi32, #tpu.memory_space<vmem>>[vector<16xi32>], vector<16xi32>,
      %add3A_319 = arith.addi %gather3A, %unique3A_267 : vector<16xi32>
      %sub3A_320 = arith.constant 1 : i32
      %sub3A_321 = vector.broadcast %sub3A_320 : i32 to vector<16xi32>
      %sub3A_322 = arith.subi %add3A_319, %sub3A_321 : vector<16xi32>
      %add3A_323 = vector.broadcast %mul3A_207 : i32 to vector<16xi32>
      %add3A_324 = arith.addi %add3A_323, %iota3A : vector<16xi32>
      %lt3A = arith.constant 409 : i32
      %lt3A_325 = vector.broadcast %lt3A : i32 to vector<16xi32>
      %lt3A_326 = arith.cmpi slt, %sub3A_322, %lt3A_325 : vector<16xi32>
      tpu.vector_store_idx %arg12[%sub3A_322], %add3A_324 masked %lt3A_326 : memref<416xi32, #tpu.memory_space<vmem>>[vector<16xi32>], vector<16xi32>, vector<16xi1>
      %add3A_327 = arith.addi %gather3A_300, %unique3A_271 : vector<16xi32>
      %sub3A_328 = arith.constant 1 : i32
      %sub3A_329 = vector.broadcast %sub3A_328 : i32 to vector<16xi32>
      %sub3A_330 = arith.subi %add3A_327, %sub3A_329 : vector<16xi32>
      %add3A_331 = vector.broadcast %mul3A_213 : i32 to vector<16xi32>
      %add3A_332 = arith.addi %add3A_331, %iota3A : vector<16xi32>
      %lt3A_333 = arith.constant 409 : i32
      %lt3A_334 = vector.broadcast %lt3A_333 : i32 to vector<16xi32>
      %lt3A_335 = arith.cmpi slt, %sub3A_330, %lt3A_334 : vector<16xi32>
      tpu.vector_store_idx %arg12[%sub3A_330], %add3A_332 masked %lt3A_335 : memref<416xi32, #tpu.memory_space<vmem>>[vector<16xi32>], vector<16xi32>, vector<16xi1>
      %add3A_336 = arith.addi %gather3A_303, %unique3A_275 : vector<16xi32>
      %sub3A_337 = arith.constant 1 : i32
      %sub3A_338 = vector.broadcast %sub3A_337 : i32 to vector<16xi32>
      %sub3A_339 = arith.subi %add3A_336, %sub3A_338 : vector<16xi32>
      %add3A_340 = vector.broadcast %mul3A_219 : i32 to vector<16xi32>
      %add3A_341 = arith.addi %add3A_340, %iota3A : vector<16xi32>
      %lt3A_342 = arith.constant 409 : i32
      %lt3A_343 = vector.broadcast %lt3A_342 : i32 to vector<16xi32>
      %lt3A_344 = arith.cmpi slt, %sub3A_339, %lt3A_343 : vector<16xi32>
      tpu.vector_store_idx %arg12[%sub3A_339], %add3A_341 masked %lt3A_344 : memref<416xi32, #tpu.memory_space<vmem>>[vector<16xi32>], vector<16xi32>, vector<16xi1>
      %add3A_345 = arith.addi %gather3A_306, %unique3A_279 : vector<16xi32>
      %sub3A_346 = arith.constant 1 : i32
      %sub3A_347 = vector.broadcast %sub3A_346 : i32 to vector<16xi32>
      %sub3A_348 = arith.subi %add3A_345, %sub3A_347 : vector<16xi32>
      %add3A_349 = vector.broadcast %mul3A_225 : i32 to vector<16xi32>
      %add3A_350 = arith.addi %add3A_349, %iota3A : vector<16xi32>
      %lt3A_351 = arith.constant 409 : i32
      %lt3A_352 = vector.broadcast %lt3A_351 : i32 to vector<16xi32>
      %lt3A_353 = arith.cmpi slt, %sub3A_348, %lt3A_352 : vector<16xi32>
      tpu.vector_store_idx %arg12[%sub3A_348], %add3A_350 masked %lt3A_353 : memref<416xi32, #tpu.memory_space<vmem>>[vector<16xi32>], vector<16xi32>, vector<16xi1>
      %add3A_354 = arith.addi %gather3A_309, %unique3A_283 : vector<16xi32>
      %sub3A_355 = arith.constant 1 : i32
      %sub3A_356 = vector.broadcast %sub3A_355 : i32 to vector<16xi32>
      %sub3A_357 = arith.subi %add3A_354, %sub3A_356 : vector<16xi32>
      %add3A_358 = vector.broadcast %mul3A_231 : i32 to vector<16xi32>
      %add3A_359 = arith.addi %add3A_358, %iota3A : vector<16xi32>
      %lt3A_360 = arith.constant 409 : i32
      %lt3A_361 = vector.broadcast %lt3A_360 : i32 to vector<16xi32>
      %lt3A_362 = arith.cmpi slt, %sub3A_357, %lt3A_361 : vector<16xi32>
      tpu.vector_store_idx %arg12[%sub3A_357], %add3A_359 masked %lt3A_362 : memref<416xi32, #tpu.memory_space<vmem>>[vector<16xi32>], vector<16xi32>, vector<16xi1>
      %add3A_363 = arith.addi %gather3A_312, %unique3A_287 : vector<16xi32>
      %sub3A_364 = arith.constant 1 : i32
      %sub3A_365 = vector.broadcast %sub3A_364 : i32 to vector<16xi32>
      %sub3A_366 = arith.subi %add3A_363, %sub3A_365 : vector<16xi32>
      %add3A_367 = vector.broadcast %mul3A_237 : i32 to vector<16xi32>
      %add3A_368 = arith.addi %add3A_367, %iota3A : vector<16xi32>
      %lt3A_369 = arith.constant 409 : i32
      %lt3A_370 = vector.broadcast %lt3A_369 : i32 to vector<16xi32>
      %lt3A_371 = arith.cmpi slt, %sub3A_366, %lt3A_370 : vector<16xi32>
      tpu.vector_store_idx %arg12[%sub3A_366], %add3A_368 masked %lt3A_371 : memref<416xi32, #tpu.memory_space<vmem>>[vector<16xi32>], vector<16xi32>, vector<16xi1>
      %add3A_372 = arith.addi %gather3A_315, %unique3A_291 : vector<16xi32>
      %sub3A_373 = arith.constant 1 : i32
      %sub3A_374 = vector.broadcast %sub3A_373 : i32 to vector<16xi32>
      %sub3A_375 = arith.subi %add3A_372, %sub3A_374 : vector<16xi32>
      %add3A_376 = vector.broadcast %mul3A_243 : i32 to vector<16xi32>
      %add3A_377 = arith.addi %add3A_376, %iota3A : vector<16xi32>
      %lt3A_378 = arith.constant 409 : i32
      %lt3A_379 = vector.broadcast %lt3A_378 : i32 to vector<16xi32>
      %lt3A_380 = arith.cmpi slt, %sub3A_375, %lt3A_379 : vector<16xi32>
      tpu.vector_store_idx %arg12[%sub3A_375], %add3A_377 masked %lt3A_380 : memref<416xi32, #tpu.memory_space<vmem>>[vector<16xi32>], vector<16xi32>, vector<16xi1>
      %add3A_381 = arith.addi %gather3A_318, %unique3A_295 : vector<16xi32>
      %sub3A_382 = arith.constant 1 : i32
      %sub3A_383 = vector.broadcast %sub3A_382 : i32 to vector<16xi32>
      %sub3A_384 = arith.subi %add3A_381, %sub3A_383 : vector<16xi32>
      %add3A_385 = vector.broadcast %mul3A_249 : i32 to vector<16xi32>
      %add3A_386 = arith.addi %add3A_385, %iota3A : vector<16xi32>
      %lt3A_387 = arith.constant 409 : i32
      %lt3A_388 = vector.broadcast %lt3A_387 : i32 to vector<16xi32>
      %lt3A_389 = arith.cmpi slt, %sub3A_384, %lt3A_388 : vector<16xi32>
      tpu.vector_store_idx %arg12[%sub3A_384], %add3A_386 masked %lt3A_389 : memref<416xi32, #tpu.memory_space<vmem>>[vector<16xi32>], vector<16xi32>, vector<16xi1>
    }
    %scan3A_132 = arith.constant 32 : i32
    %swap3A_133 = arith.constant 0 : index
    %swap3A_134 = tpu.vector_load %arg17[%swap3A_133] {strides = array<i32>} : memref<16xi32, #tpu.memory_space<vmem>>, vector<16xi32>,
    tpu.vector_store %arg17[%swap3A_133], %scan3A_115 {strides = array<i32>} : memref<16xi32, #tpu.memory_space<vmem>>, vector<16xi32>,
    %dma_start3A_135 = arith.constant 4096 : i32
    %dma_start3A_136 = tpu.memref_slice %arg9[%dma_start3A_135] : memref<8192xf32, #tpu.memory_space<vmem>> -> memref<4096xf32, #tpu.memory_space<vmem>>
    %dma_start3A_137 = arith.constant 0 : i32
    %dma_start3A_138 = tpu.memref_slice %arg5[%add3A_94, %dma_start3A_137] : memref<64x4096xf32, #tpu.memory_space<hbm>> -> memref<1x4096xf32, #tpu.memory_space<hbm>>
    %dma_start3A_139 = tpu.memref_squeeze %dma_start3A_138 : memref<1x4096xf32, #tpu.memory_space<hbm>> -> memref<4096xf32, #tpu.memory_space<hbm>>
    %dma_start3A_140 = arith.constant 0 : i32
    %dma_start3A_141 = tpu.memref_slice %arg5[%add3A_94, %dma_start3A_140] : memref<64x4096xf32, #tpu.memory_space<hbm>> -> memref<1x4096xf32, #tpu.memory_space<hbm>>
    %dma_start3A_142 = tpu.memref_squeeze %dma_start3A_141 : memref<1x4096xf32, #tpu.memory_space<hbm>> -> memref<4096xf32, #tpu.memory_space<hbm>>
    %dma_start3A_143 = arith.constant 4096 : i32
    %dma_start3A_144 = tpu.memref_slice %arg9[%dma_start3A_143] : memref<8192xf32, #tpu.memory_space<vmem>> -> memref<4096xf32, #tpu.memory_space<vmem>>
    tpu.enqueue_dma source(%dma_start3A_144 : memref<4096xf32, #tpu.memory_space<vmem>>) target(%dma_start3A_142 : memref<4096xf32, #tpu.memory_space<hbm>>) target_semaphore(%arg19 : memref<!tpu.dma_semaphore, #tpu.memory_space<semaphore_mem>>)
    %dma_start3A_145 = arith.constant 0 : i32
    %dma_start3A_146 = tpu.memref_slice %arg6[%add3A_94, %dma_start3A_145] : memref<64x416xi32, #tpu.memory_space<hbm>> -> memref<1x416xi32, #tpu.memory_space<hbm>>
    %dma_start3A_147 = tpu.memref_squeeze %dma_start3A_146 : memref<1x416xi32, #tpu.memory_space<hbm>> -> memref<416xi32, #tpu.memory_space<hbm>>
    %dma_start3A_148 = arith.constant 0 : i32
    %dma_start3A_149 = tpu.memref_slice %arg6[%add3A_94, %dma_start3A_148] : memref<64x416xi32, #tpu.memory_space<hbm>> -> memref<1x416xi32, #tpu.memory_space<hbm>>
    %dma_start3A_150 = tpu.memref_squeeze %dma_start3A_149 : memref<1x416xi32, #tpu.memory_space<hbm>> -> memref<416xi32, #tpu.memory_space<hbm>>
    tpu.enqueue_dma source(%arg12 : memref<416xi32, #tpu.memory_space<vmem>>) target(%dma_start3A_150 : memref<416xi32, #tpu.memory_space<hbm>>) target_semaphore(%arg19 : memref<!tpu.dma_semaphore, #tpu.memory_space<semaphore_mem>>)
    %dma_start3A_151 = arith.constant 0 : i32
    %dma_start3A_152 = tpu.memref_slice %arg7[%add3A_94, %dma_start3A_151] : memref<64x16xi32, #tpu.memory_space<hbm>> -> memref<1x16xi32, #tpu.memory_space<hbm>>
    %dma_start3A_153 = tpu.memref_squeeze %dma_start3A_152 : memref<1x16xi32, #tpu.memory_space<hbm>> -> memref<16xi32, #tpu.memory_space<hbm>>
    %dma_start3A_154 = arith.constant 0 : i32
    %dma_start3A_155 = tpu.memref_slice %arg7[%add3A_94, %dma_start3A_154] : memref<64x16xi32, #tpu.memory_space<hbm>> -> memref<1x16xi32, #tpu.memory_space<hbm>>
    %dma_start3A_156 = tpu.memref_squeeze %dma_start3A_155 : memref<1x16xi32, #tpu.memory_space<hbm>> -> memref<16xi32, #tpu.memory_space<hbm>>
    tpu.enqueue_dma source(%arg17 : memref<16xi32, #tpu.memory_space<vmem>>) target(%dma_start3A_156 : memref<16xi32, #tpu.memory_space<hbm>>) target_semaphore(%arg19 : memref<!tpu.dma_semaphore, #tpu.memory_space<semaphore_mem>>)
    %dma_wait3A_157 = arith.constant 0 : i32
    %dma_wait3A_158 = tpu.memref_slice %arg9[%dma_wait3A_157] : memref<8192xf32, #tpu.memory_space<vmem>> -> memref<4096xf32, #tpu.memory_space<vmem>>
    %dma_wait3A_159 = arith.constant 0 : i32
    %dma_wait3A_160 = tpu.memref_slice %arg5[%add3A_33, %dma_wait3A_159] : memref<64x4096xf32, #tpu.memory_space<hbm>> -> memref<1x4096xf32, #tpu.memory_space<hbm>>
    %dma_wait3A_161 = tpu.memref_squeeze %dma_wait3A_160 : memref<1x4096xf32, #tpu.memory_space<hbm>> -> memref<4096xf32, #tpu.memory_space<hbm>>
    %dma_wait3A_162 = arith.constant 0 : i32
    %dma_wait3A_163 = tpu.memref_slice %arg5[%add3A_33, %dma_wait3A_162] : memref<64x4096xf32, #tpu.memory_space<hbm>> -> memref<1x4096xf32, #tpu.memory_space<hbm>>
    %dma_wait3A_164 = tpu.memref_squeeze %dma_wait3A_163 : memref<1x4096xf32, #tpu.memory_space<hbm>> -> memref<4096xf32, #tpu.memory_space<hbm>>
    %dma_wait3A_165 = arith.constant 0 : i32
    %dma_wait3A_166 = tpu.memref_slice %arg9[%dma_wait3A_165] : memref<8192xf32, #tpu.memory_space<vmem>> -> memref<4096xf32, #tpu.memory_space<vmem>>
    tpu.wait_dma2 semaphore(%arg19 : memref<!tpu.dma_semaphore, #tpu.memory_space<semaphore_mem>>) src(%dma_wait3A_166 : memref<4096xf32, #tpu.memory_space<vmem>>) dst(%dma_wait3A_164 : memref<4096xf32, #tpu.memory_space<hbm>>)
    %dma_wait3A_167 = arith.constant 0 : i32
    %dma_wait3A_168 = tpu.memref_slice %arg6[%add3A_33, %dma_wait3A_167] : memref<64x416xi32, #tpu.memory_space<hbm>> -> memref<1x416xi32, #tpu.memory_space<hbm>>
    %dma_wait3A_169 = tpu.memref_squeeze %dma_wait3A_168 : memref<1x416xi32, #tpu.memory_space<hbm>> -> memref<416xi32, #tpu.memory_space<hbm>>
    %dma_wait3A_170 = arith.constant 0 : i32
    %dma_wait3A_171 = tpu.memref_slice %arg6[%add3A_33, %dma_wait3A_170] : memref<64x416xi32, #tpu.memory_space<hbm>> -> memref<1x416xi32, #tpu.memory_space<hbm>>
    %dma_wait3A_172 = tpu.memref_squeeze %dma_wait3A_171 : memref<1x416xi32, #tpu.memory_space<hbm>> -> memref<416xi32, #tpu.memory_space<hbm>>
    tpu.wait_dma2 semaphore(%arg19 : memref<!tpu.dma_semaphore, #tpu.memory_space<semaphore_mem>>) src(%arg11 : memref<416xi32, #tpu.memory_space<vmem>>) dst(%dma_wait3A_172 : memref<416xi32, #tpu.memory_space<hbm>>)
    %dma_wait3A_173 = arith.constant 0 : i32
    %dma_wait3A_174 = tpu.memref_slice %arg7[%add3A_33, %dma_wait3A_173] : memref<64x16xi32, #tpu.memory_space<hbm>> -> memref<1x16xi32, #tpu.memory_space<hbm>>
    %dma_wait3A_175 = tpu.memref_squeeze %dma_wait3A_174 : memref<1x16xi32, #tpu.memory_space<hbm>> -> memref<16xi32, #tpu.memory_space<hbm>>
    %dma_wait3A_176 = arith.constant 0 : i32
    %dma_wait3A_177 = tpu.memref_slice %arg7[%add3A_33, %dma_wait3A_176] : memref<64x16xi32, #tpu.memory_space<hbm>> -> memref<1x16xi32, #tpu.memory_space<hbm>>
    %dma_wait3A_178 = tpu.memref_squeeze %dma_wait3A_177 : memref<1x16xi32, #tpu.memory_space<hbm>> -> memref<16xi32, #tpu.memory_space<hbm>>
    tpu.wait_dma2 semaphore(%arg19 : memref<!tpu.dma_semaphore, #tpu.memory_space<semaphore_mem>>) src(%arg16 : memref<16xi32, #tpu.memory_space<vmem>>) dst(%dma_wait3A_178 : memref<16xi32, #tpu.memory_space<hbm>>)
    %dma_wait3A_179 = arith.constant 4096 : i32
    %dma_wait3A_180 = tpu.memref_slice %arg9[%dma_wait3A_179] : memref<8192xf32, #tpu.memory_space<vmem>> -> memref<4096xf32, #tpu.memory_space<vmem>>
    %dma_wait3A_181 = arith.constant 0 : i32
    %dma_wait3A_182 = tpu.memref_slice %arg5[%add3A_94, %dma_wait3A_181] : memref<64x4096xf32, #tpu.memory_space<hbm>> -> memref<1x4096xf32, #tpu.memory_space<hbm>>
    %dma_wait3A_183 = tpu.memref_squeeze %dma_wait3A_182 : memref<1x4096xf32, #tpu.memory_space<hbm>> -> memref<4096xf32, #tpu.memory_space<hbm>>
    %dma_wait3A_184 = arith.constant 0 : i32
    %dma_wait3A_185 = tpu.memref_slice %arg5[%add3A_94, %dma_wait3A_184] : memref<64x4096xf32, #tpu.memory_space<hbm>> -> memref<1x4096xf32, #tpu.memory_space<hbm>>
    %dma_wait3A_186 = tpu.memref_squeeze %dma_wait3A_185 : memref<1x4096xf32, #tpu.memory_space<hbm>> -> memref<4096xf32, #tpu.memory_space<hbm>>
    %dma_wait3A_187 = arith.constant 4096 : i32
    %dma_wait3A_188 = tpu.memref_slice %arg9[%dma_wait3A_187] : memref<8192xf32, #tpu.memory_space<vmem>> -> memref<4096xf32, #tpu.memory_space<vmem>>
    tpu.wait_dma2 semaphore(%arg19 : memref<!tpu.dma_semaphore, #tpu.memory_space<semaphore_mem>>) src(%dma_wait3A_188 : memref<4096xf32, #tpu.memory_space<vmem>>) dst(%dma_wait3A_186 : memref<4096xf32, #tpu.memory_space<hbm>>)
    %dma_wait3A_189 = arith.constant 0 : i32
    %dma_wait3A_190 = tpu.memref_slice %arg6[%add3A_94, %dma_wait3A_189] : memref<64x416xi32, #tpu.memory_space<hbm>> -> memref<1x416xi32, #tpu.memory_space<hbm>>
    %dma_wait3A_191 = tpu.memref_squeeze %dma_wait3A_190 : memref<1x416xi32, #tpu.memory_space<hbm>> -> memref<416xi32, #tpu.memory_space<hbm>>
    %dma_wait3A_192 = arith.constant 0 : i32
    %dma_wait3A_193 = tpu.memref_slice %arg6[%add3A_94, %dma_wait3A_192] : memref<64x416xi32, #tpu.memory_space<hbm>> -> memref<1x416xi32, #tpu.memory_space<hbm>>
    %dma_wait3A_194 = tpu.memref_squeeze %dma_wait3A_193 : memref<1x416xi32, #tpu.memory_space<hbm>> -> memref<416xi32, #tpu.memory_space<hbm>>
    tpu.wait_dma2 semaphore(%arg19 : memref<!tpu.dma_semaphore, #tpu.memory_space<semaphore_mem>>) src(%arg12 : memref<416xi32, #tpu.memory_space<vmem>>) dst(%dma_wait3A_194 : memref<416xi32, #tpu.memory_space<hbm>>)
    %dma_wait3A_195 = arith.constant 0 : i32
    %dma_wait3A_196 = tpu.memref_slice %arg7[%add3A_94, %dma_wait3A_195] : memref<64x16xi32, #tpu.memory_space<hbm>> -> memref<1x16xi32, #tpu.memory_space<hbm>>
    %dma_wait3A_197 = tpu.memref_squeeze %dma_wait3A_196 : memref<1x16xi32, #tpu.memory_space<hbm>> -> memref<16xi32, #tpu.memory_space<hbm>>
    %dma_wait3A_198 = arith.constant 0 : i32
    %dma_wait3A_199 = tpu.memref_slice %arg7[%add3A_94, %dma_wait3A_198] : memref<64x16xi32, #tpu.memory_space<hbm>> -> memref<1x16xi32, #tpu.memory_space<hbm>>
    %dma_wait3A_200 = tpu.memref_squeeze %dma_wait3A_199 : memref<1x16xi32, #tpu.memory_space<hbm>> -> memref<16xi32, #tpu.memory_space<hbm>>
    tpu.wait_dma2 semaphore(%arg19 : memref<!tpu.dma_semaphore, #tpu.memory_space<semaphore_mem>>) src(%arg17 : memref<16xi32, #tpu.memory_space<vmem>>) dst(%dma_wait3A_200 : memref<16xi32, #tpu.memory_space<hbm>>)
    return
  }
}

module attributes {stable_mosaic.version = 14 : i64} {
  func.func @_scorer_body(%arg0: memref<6x256xf32, #tpu.memory_space<vmem>>, %arg1: memref<128x256xf32, #tpu.memory_space<vmem>>, %arg2: memref<128xf32, #tpu.memory_space<vmem>>, %arg3: memref<1x128xf32, #tpu.memory_space<vmem>>, %arg4: memref<1xf32, #tpu.memory_space<vmem>>, %arg5: memref<1x16xf32, #tpu.memory_space<vmem>>, %arg6: memref<1x16xi32, #tpu.memory_space<vmem>>, %arg7: memref<8x8xf32, #tpu.memory_space<vmem>>) attributes {dimension_semantics = [], scalar_prefetch = 0 : i64, scratch_operands = 0 : i64, tpu.core_type = #tpu.core_type<tc>} {
    %get3A = arith.constant 0 : index
    %get3A_0 = arith.constant 0 : index
    %get3A_1 = vector.load %arg0[%get3A, %get3A_0] : memref<6x256xf32, #tpu.memory_space<vmem>>, vector<6x256xf32>
    %get3A_2 = arith.constant 0 : index
    %get3A_3 = arith.constant 0 : index
    %get3A_4 = vector.load %arg1[%get3A_2, %get3A_3] : memref<128x256xf32, #tpu.memory_space<vmem>>, vector<128x256xf32>
    %dot_general3A = arith.constant dense<0.000000e+00> : vector<6x128xf32>
    %dot_general3A_5 = tpu.matmul %get3A_1, %get3A_4, %dot_general3A {dimension_numbers = #tpu.dot_dimension_numbers<[1], [1], [0], [0], [0, 0, 1, 0], [], []>, precision = #tpu.contract_precision<fp32>, transpose_lhs_hint = false} : vector<6x256xf32>, vector<128x256xf32>, vector<6x128xf32> -> vector<6x128xf32>
    %get3A_6 = arith.constant 0 : index
    %get3A_7 = vector.load %arg2[%get3A_6] : memref<128xf32, #tpu.memory_space<vmem>>, vector<128xf32>
    %broadcast_in_dim3A = vector.shape_cast %get3A_7 : vector<128xf32> to vector<1x128xf32>
    %add3A = vector.broadcast %broadcast_in_dim3A : vector<1x128xf32> to vector<6x128xf32>
    %add3A_8 = arith.addf %dot_general3A_5, %add3A : vector<6x128xf32>
    %max3A = arith.constant 0.000000e+00 : f32
    %max3A_9 = vector.broadcast %max3A : f32 to vector<6x128xf32>
    %max3A_10 = arith.maximumf %add3A_8, %max3A_9 : vector<6x128xf32>
    %get3A_11 = arith.constant 0 : index
    %get3A_12 = arith.constant 0 : index
    %get3A_13 = vector.load %arg3[%get3A_11, %get3A_12] : memref<1x128xf32, #tpu.memory_space<vmem>>, vector<1x128xf32>
    %mul3A = vector.broadcast %get3A_13 : vector<1x128xf32> to vector<6x128xf32>
    %mul3A_14 = arith.mulf %max3A_10, %mul3A : vector<6x128xf32>
    %reduce_sum3A = arith.constant dense<0.000000e+00> : vector<6xf32>
    %reduce_sum3A_15 = vector.multi_reduction <add>, %mul3A_14, %reduce_sum3A [1] : vector<6x128xf32> to vector<6xf32>
    %broadcast_in_dim3A_16 = vector.shape_cast %reduce_sum3A_15 : vector<6xf32> to vector<6x1xf32>
    %get3A_17 = arith.constant 0 : index
    %get3A_18 = vector.load %arg4[%get3A_17] : memref<1xf32, #tpu.memory_space<vmem>>, vector<1xf32>
    %broadcast_in_dim3A_19 = vector.shape_cast %get3A_18 : vector<1xf32> to vector<1x1xf32>
    %add3A_20 = vector.broadcast %broadcast_in_dim3A_19 : vector<1x1xf32> to vector<6x1xf32>
    %add3A_21 = arith.addf %broadcast_in_dim3A_16, %add3A_20 : vector<6x1xf32>
    %neg3A = arith.constant 0.000000e+00 : f32
    %neg3A_22 = vector.broadcast %neg3A : f32 to vector<6x1xf32>
    %neg3A_23 = arith.subf %neg3A_22, %add3A_21 : vector<6x1xf32>
    %exp3A = math.exp %neg3A_23 : vector<6x1xf32>
    %add3A_24 = arith.constant 1.000000e+00 : f32
    %add3A_25 = vector.broadcast %add3A_24 : f32 to vector<6x1xf32>
    %add3A_26 = arith.addf %add3A_25, %exp3A : vector<6x1xf32>
    %div3A = arith.constant 1.000000e+00 : f32
    %div3A_27 = vector.broadcast %div3A : f32 to vector<6x1xf32>
    %div3A_28 = arith.divf %div3A_27, %add3A_26 : vector<6x1xf32>
    %broadcast_in_dim3A_29 = arith.constant 0.000000e+00 : f32
    %broadcast_in_dim3A_30 = vector.broadcast %broadcast_in_dim3A_29 : f32 to vector<2x1xf32>
    %concatenate3A = tpu.concatenate %div3A_28, %broadcast_in_dim3A_30 in 0 : vector<6x1xf32>, vector<2x1xf32> -> vector<8x1xf32>
    %iota3A = tpu.iota {dimensions = array<i32: 0>} : vector<8x8xi32>
    %iota3A_31 = tpu.iota {dimensions = array<i32: 1>} : vector<8x8xi32>
    %add3A_32 = arith.constant 0 : i32
    %add3A_33 = vector.broadcast %add3A_32 : i32 to vector<8x8xi32>
    %add3A_34 = arith.addi %iota3A, %add3A_33 : vector<8x8xi32>
    %eq3A = arith.cmpi eq, %add3A_34, %iota3A_31 : vector<8x8xi32>
    %convert_element_type3A = arith.extui %eq3A : vector<8x8xi1> to vector<8x8xi32>
    %convert_element_type3A_35 = arith.sitofp %convert_element_type3A : vector<8x8xi32> to vector<8x8xf32>
    %dot_general3A_36 = arith.constant dense<0.000000e+00> : vector<1x8xf32>
    %dot_general3A_37 = tpu.matmul %concatenate3A, %convert_element_type3A_35, %dot_general3A_36 {dimension_numbers = #tpu.dot_dimension_numbers<[0], [0], [1], [1], [0, 1, 1, 1], [], []>, precision = #tpu.contract_precision<fp32>, transpose_lhs_hint = false} : vector<8x1xf32>, vector<8x8xf32>, vector<1x8xf32> -> vector<1x8xf32>
    %broadcast_in_dim3A_38 = vector.shape_cast %concatenate3A : vector<8x1xf32> to vector<8x1xf32>
    %broadcast_in_dim3A_39 = vector.broadcast %broadcast_in_dim3A_38 : vector<8x1xf32> to vector<8x8xf32>
    %broadcast_in_dim3A_40 = vector.shape_cast %dot_general3A_37 : vector<1x8xf32> to vector<1x8xf32>
    %broadcast_in_dim3A_41 = vector.broadcast %broadcast_in_dim3A_40 : vector<1x8xf32> to vector<8x8xf32>
    %iota3A_42 = tpu.iota {dimensions = array<i32: 1>} : vector<8x8xi32>
    %iota3A_43 = tpu.iota {dimensions = array<i32: 0>} : vector<8x8xi32>
    %lt3A = arith.constant 6 : i32
    %lt3A_44 = vector.broadcast %lt3A : i32 to vector<8x8xi32>
    %lt3A_45 = arith.cmpi slt, %iota3A_42, %lt3A_44 : vector<8x8xi32>
    %eq3A_46 = arith.cmpf oeq, %broadcast_in_dim3A_41, %broadcast_in_dim3A_39 : vector<8x8xf32>
    %lt3A_47 = arith.cmpi slt, %iota3A_42, %iota3A_43 : vector<8x8xi32>
    %and3A = arith.andi %eq3A_46, %lt3A_47 : vector<8x8xi1>
    %and3A_48 = arith.andi %and3A, %lt3A_45 : vector<8x8xi1>
    %jit3A = arith.constant 1.000000e+00 : f32
    %jit3A_49 = arith.constant 0.000000e+00 : f32
    %broadcast_in_dim3A_50 = vector.broadcast %jit3A : f32 to vector<8x8xf32>
    %broadcast_in_dim3A_51 = vector.broadcast %jit3A_49 : f32 to vector<8x8xf32>
    %select_n3A = arith.select %and3A_48, %broadcast_in_dim3A_50, %broadcast_in_dim3A_51 : vector<8x8xi1>, vector<8x8xf32>
    %reduce_sum3A_52 = arith.constant dense<0.000000e+00> : vector<8xf32>
    %reduce_sum3A_53 = vector.multi_reduction <add>, %select_n3A, %reduce_sum3A_52 [1] : vector<8x8xf32> to vector<8xf32>
    %broadcast_in_dim3A_54 = vector.shape_cast %reduce_sum3A_53 : vector<8xf32> to vector<8x1xf32>
    %eq3A_55 = arith.constant 0.000000e+00 : f32
    %eq3A_56 = vector.broadcast %eq3A_55 : f32 to vector<8x1xf32>
    %eq3A_57 = arith.cmpf oeq, %broadcast_in_dim3A_54, %eq3A_56 : vector<8x1xf32>
    %jit3A_58 = arith.constant 1.000000e+00 : f32
    %jit3A_59 = arith.constant 0.000000e+00 : f32
    %broadcast_in_dim3A_60 = vector.broadcast %jit3A_58 : f32 to vector<8x1xf32>
    %broadcast_in_dim3A_61 = vector.broadcast %jit3A_59 : f32 to vector<8x1xf32>
    %select_n3A_62 = arith.select %eq3A_57, %broadcast_in_dim3A_60, %broadcast_in_dim3A_61 : vector<8x1xi1>, vector<8x1xf32>
    %dot_general3A_63 = arith.constant dense<0.000000e+00> : vector<1x8xf32>
    %dot_general3A_64 = tpu.matmul %select_n3A_62, %convert_element_type3A_35, %dot_general3A_63 {dimension_numbers = #tpu.dot_dimension_numbers<[0], [0], [1], [1], [0, 1, 1, 1], [], []>, precision = #tpu.contract_precision<fp32>, transpose_lhs_hint = false} : vector<8x1xf32>, vector<8x8xf32>, vector<1x8xf32> -> vector<1x8xf32>
    %broadcast_in_dim3A_65 = vector.shape_cast %dot_general3A_64 : vector<1x8xf32> to vector<1x8xf32>
    %broadcast_in_dim3A_66 = vector.broadcast %broadcast_in_dim3A_65 : vector<1x8xf32> to vector<8x8xf32>
    %gt3A = arith.cmpf ogt, %broadcast_in_dim3A_41, %broadcast_in_dim3A_39 : vector<8x8xf32>
    %and3A_67 = arith.andi %gt3A, %lt3A_45 : vector<8x8xi1>
    %jit3A_68 = arith.constant 1.000000e+00 : f32
    %jit3A_69 = arith.constant 0.000000e+00 : f32
    %broadcast_in_dim3A_70 = vector.broadcast %jit3A_68 : f32 to vector<8x8xf32>
    %broadcast_in_dim3A_71 = vector.broadcast %jit3A_69 : f32 to vector<8x8xf32>
    %select_n3A_72 = arith.select %and3A_67, %broadcast_in_dim3A_70, %broadcast_in_dim3A_71 : vector<8x8xi1>, vector<8x8xf32>
    %mul3A_73 = arith.mulf %select_n3A_72, %broadcast_in_dim3A_66 : vector<8x8xf32>
    %reduce_sum3A_74 = arith.constant dense<0.000000e+00> : vector<8xf32>
    %reduce_sum3A_75 = vector.multi_reduction <add>, %mul3A_73, %reduce_sum3A_74 [1] : vector<8x8xf32> to vector<8xf32>
    %broadcast_in_dim3A_76 = vector.shape_cast %reduce_sum3A_75 : vector<8xf32> to vector<8x1xf32>
    %dot_general3A_77 = arith.constant dense<0.000000e+00> : vector<1x8xf32>
    %dot_general3A_78 = tpu.matmul %broadcast_in_dim3A_76, %convert_element_type3A_35, %dot_general3A_77 {dimension_numbers = #tpu.dot_dimension_numbers<[0], [0], [1], [1], [0, 1, 1, 1], [], []>, precision = #tpu.contract_precision<fp32>, transpose_lhs_hint = false} : vector<8x1xf32>, vector<8x8xf32>, vector<1x8xf32> -> vector<1x8xf32>
    %broadcast_in_dim3A_79 = vector.shape_cast %dot_general3A_78 : vector<1x8xf32> to vector<1x8xf32>
    %broadcast_in_dim3A_80 = vector.broadcast %broadcast_in_dim3A_79 : vector<1x8xf32> to vector<8x8xf32>
    %convert_element_type3A_81 = arith.sitofp %iota3A_43 : vector<8x8xi32> to vector<8x8xf32>
    %eq3A_82 = arith.cmpf oeq, %broadcast_in_dim3A_80, %convert_element_type3A_81 : vector<8x8xf32>
    %gt3A_83 = arith.constant 0.000000e+00 : f32
    %gt3A_84 = vector.broadcast %gt3A_83 : f32 to vector<8x8xf32>
    %gt3A_85 = arith.cmpf ogt, %broadcast_in_dim3A_66, %gt3A_84 : vector<8x8xf32>
    %and3A_86 = arith.andi %eq3A_82, %gt3A_85 : vector<8x8xi1>
    %and3A_87 = arith.andi %and3A_86, %lt3A_45 : vector<8x8xi1>
    %jit3A_88 = arith.constant 1.000000e+00 : f32
    %jit3A_89 = arith.constant 0.000000e+00 : f32
    %broadcast_in_dim3A_90 = vector.broadcast %jit3A_88 : f32 to vector<8x8xf32>
    %broadcast_in_dim3A_91 = vector.broadcast %jit3A_89 : f32 to vector<8x8xf32>
    %select_n3A_92 = arith.select %and3A_87, %broadcast_in_dim3A_90, %broadcast_in_dim3A_91 : vector<8x8xi1>, vector<8x8xf32>
    %swap3A = arith.constant 0 : index
    %swap3A_93 = arith.constant 0 : index
    %swap3A_94 = vector.load %arg7[%swap3A, %swap3A_93] : memref<8x8xf32, #tpu.memory_space<vmem>>, vector<8x8xf32>
    tpu.vector_store %arg7[%swap3A, %swap3A_93], %select_n3A_92 {strides = array<i32>} : memref<8x8xf32, #tpu.memory_space<vmem>>, vector<8x8xf32>,
    %broadcast_in_dim3A_95 = arith.constant 0.000000e+00 : f32
    %broadcast_in_dim3A_96 = vector.broadcast %broadcast_in_dim3A_95 : f32 to vector<1x8xf32>
    %concatenate3A_97 = tpu.concatenate %dot_general3A_37, %broadcast_in_dim3A_96 in 1 : vector<1x8xf32>, vector<1x8xf32> -> vector<1x16xf32>
    %swap3A_98 = arith.constant 0 : index
    %swap3A_99 = arith.constant 0 : index
    %swap3A_100 = vector.load %arg5[%swap3A_98, %swap3A_99] : memref<1x16xf32, #tpu.memory_space<vmem>>, vector<1x16xf32>
    tpu.vector_store %arg5[%swap3A_98, %swap3A_99], %concatenate3A_97 {strides = array<i32>} : memref<1x16xf32, #tpu.memory_space<vmem>>, vector<1x16xf32>,
    %concatenate3A_101 = tpu.concatenate %dot_general3A_78, %broadcast_in_dim3A_96 in 1 : vector<1x8xf32>, vector<1x8xf32> -> vector<1x16xf32>
    %convert_element_type3A_102 = arith.fptosi %concatenate3A_101 : vector<1x16xf32> to vector<1x16xi32>
    %swap3A_103 = arith.constant 0 : index
    %swap3A_104 = arith.constant 0 : index
    %swap3A_105 = vector.load %arg6[%swap3A_103, %swap3A_104] : memref<1x16xi32, #tpu.memory_space<vmem>>, vector<1x16xi32>
    tpu.vector_store %arg6[%swap3A_103, %swap3A_104], %convert_element_type3A_102 {strides = array<i32>} : memref<1x16xi32, #tpu.memory_space<vmem>>, vector<1x16xi32>,
    return
  }
}

module attributes {stable_mosaic.version = 14 : i64} {
  func.func @_finish_body(%arg0: memref<64x16xi32, #tpu.memory_space<vmem>>, %arg1: memref<8x8xf32, #tpu.memory_space<vmem>>, %arg2: memref<6x256xf32, #tpu.memory_space<vmem>>, %arg3: memref<8x768xf32, #tpu.memory_space<vmem>>, %arg4: memref<8xf32, #tpu.memory_space<vmem>>, %arg5: memref<8x8xf32, #tpu.memory_space<vmem>>, %arg6: memref<8xf32, #tpu.memory_space<vmem>>, %arg7: memref<256x8xf32, #tpu.memory_space<vmem>>, %arg8: memref<256xf32, #tpu.memory_space<vmem>>, %arg9: memref<128x256xf32, #tpu.memory_space<vmem>>, %arg10: memref<128xf32, #tpu.memory_space<vmem>>, %arg11: memref<1x128xf32, #tpu.memory_space<vmem>>, %arg12: memref<1xf32, #tpu.memory_space<vmem>>, %arg13: memref<64x1xf32, #tpu.memory_space<vmem>>) attributes {dimension_semantics = [], scalar_prefetch = 0 : i64, scratch_operands = 0 : i64, tpu.core_type = #tpu.core_type<tc>} {
    %get3A = arith.constant 0 : index
    %get3A_0 = arith.constant 0 : index
    %get3A_1 = vector.load %arg3[%get3A, %get3A_0] : memref<8x768xf32, #tpu.memory_space<vmem>>, vector<8x768xf32>
    %slice3A = vector.extract_strided_slice %get3A_1 {offsets = [0, 0], sizes = [8, 256], strides = [1, 1]} : vector<8x768xf32> to vector<8x256xf32>
    %slice3A_2 = vector.extract_strided_slice %get3A_1 {offsets = [0, 256], sizes = [8, 256], strides = [1, 1]} : vector<8x768xf32> to vector<8x256xf32>
    %slice3A_3 = vector.extract_strided_slice %get3A_1 {offsets = [0, 512], sizes = [8, 256], strides = [1, 1]} : vector<8x768xf32> to vector<8x256xf32>
    %add3A = arith.addf %slice3A_2, %slice3A_3 : vector<8x256xf32>
    %get3A_4 = arith.constant 0 : index
    %get3A_5 = arith.constant 0 : index
    %get3A_6 = vector.load %arg0[%get3A_4, %get3A_5] : memref<64x16xi32, #tpu.memory_space<vmem>>, vector<64x16xi32>
    %slice3A_7 = vector.extract_strided_slice %get3A_6 {offsets = [0, 0], sizes = [64, 8], strides = [1, 1]} : vector<64x16xi32> to vector<64x8xi32>
    %convert_element_type3A = arith.sitofp %slice3A_7 : vector<64x8xi32> to vector<64x8xf32>
    %iota3A = tpu.iota {dimensions = array<i32: 0>} : vector<8x8xi32>
    %iota3A_8 = tpu.iota {dimensions = array<i32: 1>} : vector<8x8xi32>
    %lt3A = arith.cmpi slt, %iota3A, %iota3A_8 : vector<8x8xi32>
    %jit3A = arith.constant 1.000000e+00 : f32
    %jit3A_9 = arith.constant 0.000000e+00 : f32
    %broadcast_in_dim3A = vector.broadcast %jit3A : f32 to vector<8x8xf32>
    %broadcast_in_dim3A_10 = vector.broadcast %jit3A_9 : f32 to vector<8x8xf32>
    %select_n3A = arith.select %lt3A, %broadcast_in_dim3A, %broadcast_in_dim3A_10 : vector<8x8xi1>, vector<8x8xf32>
    %dot_general3A = arith.constant dense<0.000000e+00> : vector<64x8xf32>
    %dot_general3A_11 = tpu.matmul %convert_element_type3A, %select_n3A, %dot_general3A {dimension_numbers = #tpu.dot_dimension_numbers<[1], [0], [0], [1], [0, 0, 1, 1], [], []>, precision = #tpu.contract_precision<fp32>, transpose_lhs_hint = false} : vector<64x8xf32>, vector<8x8xf32>, vector<64x8xf32> -> vector<64x8xf32>
    %sub3A = arith.constant 4.090000e+02 : f32
    %sub3A_12 = vector.broadcast %sub3A : f32 to vector<64x8xf32>
    %sub3A_13 = arith.subf %sub3A_12, %dot_general3A_11 : vector<64x8xf32>
    %max3A = arith.constant 0.000000e+00 : f32
    %max3A_14 = vector.broadcast %max3A : f32 to vector<64x8xf32>
    %max3A_15 = arith.maximumf %sub3A_13, %max3A_14 : vector<64x8xf32>
    %min3A = arith.minimumf %max3A_15, %convert_element_type3A : vector<64x8xf32>
    %get3A_16 = arith.constant 0 : index
    %get3A_17 = arith.constant 0 : index
    %get3A_18 = vector.load %arg1[%get3A_16, %get3A_17] : memref<8x8xf32, #tpu.memory_space<vmem>>, vector<8x8xf32>
    %slice3A_19 = vector.extract_strided_slice %get3A_18 {offsets = [0, 0], sizes = [8, 6], strides = [1, 1]} : vector<8x8xf32> to vector<8x6xf32>
    %get3A_20 = arith.constant 0 : index
    %get3A_21 = arith.constant 0 : index
    %get3A_22 = vector.load %arg2[%get3A_20, %get3A_21] : memref<6x256xf32, #tpu.memory_space<vmem>>, vector<6x256xf32>
    %dot_general3A_23 = arith.constant dense<0.000000e+00> : vector<8x256xf32>
    %dot_general3A_24 = tpu.matmul %slice3A_19, %get3A_22, %dot_general3A_23 {dimension_numbers = #tpu.dot_dimension_numbers<[1], [0], [0], [1], [0, 0, 1, 1], [], []>, precision = #tpu.contract_precision<fp32>, transpose_lhs_hint = false} : vector<8x6xf32>, vector<6x256xf32>, vector<8x256xf32> -> vector<8x256xf32>
    %dot_general3A_25 = arith.constant dense<0.000000e+00> : vector<64x256xf32>
    %dot_general3A_26 = tpu.matmul %convert_element_type3A, %dot_general3A_24, %dot_general3A_25 {dimension_numbers = #tpu.dot_dimension_numbers<[1], [0], [0], [1], [0, 0, 1, 1], [], []>, precision = #tpu.contract_precision<fp32>, transpose_lhs_hint = false} : vector<64x8xf32>, vector<8x256xf32>, vector<64x256xf32> -> vector<64x256xf32>
    %mul3A = arith.constant 2.44140625E-4 : f32
    %mul3A_27 = vector.broadcast %mul3A : f32 to vector<64x256xf32>
    %mul3A_28 = arith.mulf %dot_general3A_26, %mul3A_27 : vector<64x256xf32>
    %dot_general3A_29 = arith.constant dense<0.000000e+00> : vector<64x8xf32>
    %dot_general3A_30 = tpu.matmul %mul3A_28, %slice3A, %dot_general3A_29 {dimension_numbers = #tpu.dot_dimension_numbers<[1], [1], [0], [0], [0, 0, 1, 0], [], []>, precision = #tpu.contract_precision<fp32>, transpose_lhs_hint = false} : vector<64x256xf32>, vector<8x256xf32>, vector<64x8xf32> -> vector<64x8xf32>
    %dot_general3A_31 = arith.constant dense<0.000000e+00> : vector<8x8xf32>
    %dot_general3A_32 = tpu.matmul %dot_general3A_24, %add3A, %dot_general3A_31 {dimension_numbers = #tpu.dot_dimension_numbers<[1], [1], [0], [0], [0, 0, 1, 0], [], []>, precision = #tpu.contract_precision<fp32>, transpose_lhs_hint = false} : vector<8x256xf32>, vector<8x256xf32>, vector<8x8xf32> -> vector<8x8xf32>
    %broadcast_in_dim3A_33 = vector.shape_cast %dot_general3A_30 : vector<64x8xf32> to vector<64x1x8xf32>
    %broadcast_in_dim3A_34 = vector.shape_cast %dot_general3A_32 : vector<8x8xf32> to vector<1x8x8xf32>
    %add3A_35 = vector.broadcast %broadcast_in_dim3A_33 : vector<64x1x8xf32> to vector<64x8x8xf32>
    %add3A_36 = vector.broadcast %broadcast_in_dim3A_34 : vector<1x8x8xf32> to vector<64x8x8xf32>
    %add3A_37 = arith.addf %add3A_35, %add3A_36 : vector<64x8x8xf32>
    %get3A_38 = arith.constant 0 : index
    %get3A_39 = vector.load %arg4[%get3A_38] : memref<8xf32, #tpu.memory_space<vmem>>, vector<8xf32>
    %broadcast_in_dim3A_40 = vector.shape_cast %get3A_39 : vector<8xf32> to vector<1x1x8xf32>
    %add3A_41 = vector.broadcast %broadcast_in_dim3A_40 : vector<1x1x8xf32> to vector<64x8x8xf32>
    %add3A_42 = arith.addf %add3A_37, %add3A_41 : vector<64x8x8xf32>
    %max3A_43 = arith.constant 0.000000e+00 : f32
    %max3A_44 = vector.broadcast %max3A_43 : f32 to vector<64x8x8xf32>
    %max3A_45 = arith.maximumf %add3A_42, %max3A_44 : vector<64x8x8xf32>
    %reshape3A = vector.shape_cast %max3A_45 : vector<64x8x8xf32> to vector<512x8xf32>
    %get3A_46 = arith.constant 0 : index
    %get3A_47 = arith.constant 0 : index
    %get3A_48 = vector.load %arg5[%get3A_46, %get3A_47] : memref<8x8xf32, #tpu.memory_space<vmem>>, vector<8x8xf32>
    %dot_general3A_49 = arith.constant dense<0.000000e+00> : vector<512x8xf32>
    %dot_general3A_50 = tpu.matmul %reshape3A, %get3A_48, %dot_general3A_49 {dimension_numbers = #tpu.dot_dimension_numbers<[1], [1], [0], [0], [0, 0, 1, 0], [], []>, precision = #tpu.contract_precision<fp32>, transpose_lhs_hint = false} : vector<512x8xf32>, vector<8x8xf32>, vector<512x8xf32> -> vector<512x8xf32>
    %get3A_51 = arith.constant 0 : index
    %get3A_52 = vector.load %arg6[%get3A_51] : memref<8xf32, #tpu.memory_space<vmem>>, vector<8xf32>
    %broadcast_in_dim3A_53 = vector.shape_cast %get3A_52 : vector<8xf32> to vector<1x8xf32>
    %add3A_54 = vector.broadcast %broadcast_in_dim3A_53 : vector<1x8xf32> to vector<512x8xf32>
    %add3A_55 = arith.addf %dot_general3A_50, %add3A_54 : vector<512x8xf32>
    %max3A_56 = arith.constant 0.000000e+00 : f32
    %max3A_57 = vector.broadcast %max3A_56 : f32 to vector<512x8xf32>
    %max3A_58 = arith.maximumf %add3A_55, %max3A_57 : vector<512x8xf32>
    %get3A_59 = arith.constant 0 : index
    %get3A_60 = arith.constant 0 : index
    %get3A_61 = vector.load %arg7[%get3A_59, %get3A_60] : memref<256x8xf32, #tpu.memory_space<vmem>>, vector<256x8xf32>
    %dot_general3A_62 = arith.constant dense<0.000000e+00> : vector<512x256xf32>
    %dot_general3A_63 = tpu.matmul %max3A_58, %get3A_61, %dot_general3A_62 {dimension_numbers = #tpu.dot_dimension_numbers<[1], [1], [0], [0], [0, 0, 1, 0], [], []>, precision = #tpu.contract_precision<fp32>, transpose_lhs_hint = false} : vector<512x8xf32>, vector<256x8xf32>, vector<512x256xf32> -> vector<512x256xf32>
    %get3A_64 = arith.constant 0 : index
    %get3A_65 = vector.load %arg8[%get3A_64] : memref<256xf32, #tpu.memory_space<vmem>>, vector<256xf32>
    %broadcast_in_dim3A_66 = vector.shape_cast %get3A_65 : vector<256xf32> to vector<1x256xf32>
    %add3A_67 = vector.broadcast %broadcast_in_dim3A_66 : vector<1x256xf32> to vector<512x256xf32>
    %add3A_68 = arith.addf %dot_general3A_63, %add3A_67 : vector<512x256xf32>
    %reshape3A_69 = vector.shape_cast %add3A_68 : vector<512x256xf32> to vector<64x8x256xf32>
    %broadcast_in_dim3A_70 = vector.shape_cast %min3A : vector<64x8xf32> to vector<64x8x1xf32>
    %mul3A_71 = vector.broadcast %broadcast_in_dim3A_70 : vector<64x8x1xf32> to vector<64x8x256xf32>
    %mul3A_72 = arith.mulf %mul3A_71, %reshape3A_69 : vector<64x8x256xf32>
    %reduce_sum3A = arith.constant dense<0.000000e+00> : vector<64x256xf32>
    %reduce_sum3A_73 = vector.multi_reduction <add>, %mul3A_72, %reduce_sum3A [1] : vector<64x8x256xf32> to vector<64x256xf32>
    %mul3A_74 = arith.constant 0.00244498788 : f32
    %mul3A_75 = vector.broadcast %mul3A_74 : f32 to vector<64x256xf32>
    %mul3A_76 = arith.mulf %reduce_sum3A_73, %mul3A_75 : vector<64x256xf32>
    %get3A_77 = arith.constant 0 : index
    %get3A_78 = arith.constant 0 : index
    %get3A_79 = vector.load %arg9[%get3A_77, %get3A_78] : memref<128x256xf32, #tpu.memory_space<vmem>>, vector<128x256xf32>
    %dot_general3A_80 = arith.constant dense<0.000000e+00> : vector<64x128xf32>
    %dot_general3A_81 = tpu.matmul %mul3A_76, %get3A_79, %dot_general3A_80 {dimension_numbers = #tpu.dot_dimension_numbers<[1], [1], [0], [0], [0, 0, 1, 0], [], []>, precision = #tpu.contract_precision<fp32>, transpose_lhs_hint = false} : vector<64x256xf32>, vector<128x256xf32>, vector<64x128xf32> -> vector<64x128xf32>
    %get3A_82 = arith.constant 0 : index
    %get3A_83 = vector.load %arg10[%get3A_82] : memref<128xf32, #tpu.memory_space<vmem>>, vector<128xf32>
    %broadcast_in_dim3A_84 = vector.shape_cast %get3A_83 : vector<128xf32> to vector<1x128xf32>
    %add3A_85 = vector.broadcast %broadcast_in_dim3A_84 : vector<1x128xf32> to vector<64x128xf32>
    %add3A_86 = arith.addf %dot_general3A_81, %add3A_85 : vector<64x128xf32>
    %max3A_87 = arith.constant 0.000000e+00 : f32
    %max3A_88 = vector.broadcast %max3A_87 : f32 to vector<64x128xf32>
    %max3A_89 = arith.maximumf %add3A_86, %max3A_88 : vector<64x128xf32>
    %get3A_90 = arith.constant 0 : index
    %get3A_91 = arith.constant 0 : index
    %get3A_92 = vector.load %arg11[%get3A_90, %get3A_91] : memref<1x128xf32, #tpu.memory_space<vmem>>, vector<1x128xf32>
    %mul3A_93 = vector.broadcast %get3A_92 : vector<1x128xf32> to vector<64x128xf32>
    %mul3A_94 = arith.mulf %max3A_89, %mul3A_93 : vector<64x128xf32>
    %reduce_sum3A_95 = arith.constant dense<0.000000e+00> : vector<64xf32>
    %reduce_sum3A_96 = vector.multi_reduction <add>, %mul3A_94, %reduce_sum3A_95 [1] : vector<64x128xf32> to vector<64xf32>
    %broadcast_in_dim3A_97 = vector.shape_cast %reduce_sum3A_96 : vector<64xf32> to vector<64x1xf32>
    %get3A_98 = arith.constant 0 : index
    %get3A_99 = vector.load %arg12[%get3A_98] : memref<1xf32, #tpu.memory_space<vmem>>, vector<1xf32>
    %broadcast_in_dim3A_100 = vector.shape_cast %get3A_99 : vector<1xf32> to vector<1x1xf32>
    %add3A_101 = vector.broadcast %broadcast_in_dim3A_100 : vector<1x1xf32> to vector<64x1xf32>
    %add3A_102 = arith.addf %broadcast_in_dim3A_97, %add3A_101 : vector<64x1xf32>
    %neg3A = arith.constant 0.000000e+00 : f32
    %neg3A_103 = vector.broadcast %neg3A : f32 to vector<64x1xf32>
    %neg3A_104 = arith.subf %neg3A_103, %add3A_102 : vector<64x1xf32>
    %exp3A = math.exp %neg3A_104 : vector<64x1xf32>
    %add3A_105 = arith.constant 1.000000e+00 : f32
    %add3A_106 = vector.broadcast %add3A_105 : f32 to vector<64x1xf32>
    %add3A_107 = arith.addf %add3A_106, %exp3A : vector<64x1xf32>
    %div3A = arith.constant 1.000000e+00 : f32
    %div3A_108 = vector.broadcast %div3A : f32 to vector<64x1xf32>
    %div3A_109 = arith.divf %div3A_108, %add3A_107 : vector<64x1xf32>
    %swap3A = arith.constant 0 : index
    %swap3A_110 = arith.constant 0 : index
    %swap3A_111 = vector.load %arg13[%swap3A, %swap3A_110] : memref<64x1xf32, #tpu.memory_space<vmem>>, vector<64x1xf32>
    tpu.vector_store %arg13[%swap3A, %swap3A_110], %div3A_109 {strides = array<i32>} : memref<64x1xf32, #tpu.memory_space<vmem>>, vector<64x1xf32>,
    return
  }
}

</mosaic_0001>

<sc_bundles>
// kernel: kernel.5.cloned.1.call-start
scs
__scs_entry_jumppad:
0x0: {  	(pc) =	sbr.rel $0x88, $3  }
0x1: {  	(tag) =	ssettag $0x0;
	lr =	simm.s32 $0x1  }
0x2: {  	[smem:$0x3F91] =	sst lr;
	_ =	strace $0xD0000000  }
0x3: {  	_ = 	snop  }
0x4: {  	_ = 	snop  }
0x5: {  	_ = 	snop  }
0x6: {  	_ = 	snop  }
0x7: {  	_ = 	snop  }
__scs_overlays_trampoline_lowered:
0x8: {  	[smem:$0x3FA0] =	sst s0  }
0x9: {  	[smem:$0x3FA1] =	sst s1  }
0xa: {  	[smem:$0x3FA2] =	sst s2  }
0xb: {  	[smem:$0x3FA3] =	sst s3  }
0xc: {  	[smem:$0x3FA4] =	sst s4  }
0xd: {  	[smem:$0x3FA5] =	sst s5  }
0xe: {  	[smem:$0x3FA6] =	sst s6  }
0xf: {  	[smem:$0x3FA7] =	sst s7  }
0x10: {  	[smem:$0x3FA8] =	sst s8  }
0x11: {  	[smem:$0x3FA9] =	sst s9;
	s0 =	simm.s32 @!p0 $0x0  }
0x12: {  	s1 =	sld [smem:$0x3F8F];
	s0 =	simm.s32 @p0 $0x1  }
0x13: {  	[smem:$0x3FAA] =	sst s0;
	s0 =	simm.s32 @!p1 $0x0  }
0x14: {  	s2 =	sld [smem:$0x3F8E];
	s0 =	simm.s32 @p1 $0x1  }
0x15: {  	[smem:$0x3FAB] =	sst s0;
	s0 =	simm.s32 @!p2 $0x0  }
0x16: {  	s3 =	sld [smem:$0x3FDB];
	s0 =	simm.s32 @p2 $0x1  }
0x17: {  	s4 =	simm.s32 $0x1BF5;
	[smem:$0x3FAD] =	sst s0  }
0x18: {  	s0 =	sld [smem:$0x3F90];
	_ =	swait.ge [sflag:s4], $0x0  }
0x19: {  	s7 =	sld [smem:$0x3F91]  }
0x1a: {  	s8 =	sadd.s32 $0xFFFFE003, lr  }
0x1b: {  	s9 =	sadd.s32 $0xFFFFFEF7, lr;
	s5 =	simm.s32 $0xFFFFFFFF;
	p2 =	slt.u32 s8, $0xFFFFF086  }
0x1c: {  	p1 =	slt.u32 s9, $0xF7A;
	s5 =	simm.s32 @!p2 $0x0  }
0x1d: {  	s5 =	simm.s32 @p1 $0x1;
	p0 =	seq.s32 s7, s2  }
0x1e: {  	s7 =	smul.u32 @!p0 $0xF7A, s2;
	p2 =	seq.s32 @!p0 s5, $0x0  }
0x1f: {  	s9 =	smul.u32 $0xF7A, s1;
	s8 =	simm.s32 @!p0 $0x1BF5;
	p2 =	por !p2, p0  }
0x20: {  	[sflag:s8] =	ssyncset.s32 @!p0 $0xFFFFF086;
	s6 =	sadd.s32 @!p0 s3, s7;
	s7 =	simm.s32 @!p0 $0x108  }
0x21: {  	s3 =	sadd.s32 s3, s9;
	s6 =	sadd.s32 @!p0 $0x88, s6;
	s7 =	simm.s32 @p2 $0x1082  }
0x22: {  	[simem:s7], [sflag:s8] =	dma.local @!p0 [hbm:s6], $0xF7A  }
0x23: {  	s9 =	sor.u32 $0xD0000000, s2;
	s6 =	simm.s32 $0x108;
	_ =	swait.ge @!p0 [sflag:s8], $0x0  }
0x24: {  	s3 =	sadd.s32 $0x88, s3;
	s6 =	simm.s32 @!p1 $0x1082;
	[sflag:s4] =	ssyncset.s32 $0xFFFFF086  }
0x25: {  	[simem:s6], [sflag:s4] =	dma.local [hbm:s3], $0xF7A  }
0x26: {  	[smem:$0x3F91] =	sst s1;
	(tag) =	ssettag s2;
	_ =	strace s9  }
0x27: {  	s1 =	sld [smem:$0x3FA1]  }
0x28: {  	s2 =	sld [smem:$0x3FA2]  }
0x29: {  	s4 =	sld [smem:$0x3FA4]  }
0x2a: {  	p0 =	seq.s32 s5, $0x0;
	s5 =	sld [smem:$0x3FA5]  }
0x2b: {  	s6 =	sld [smem:$0x3FA6]  }
0x2c: {  	s7 =	sld [smem:$0x3FA7]  }
0x2d: {  	s3 =	simm.s32 $0x108;
	s8 =	sld [smem:$0x3FA8]  }
0x2e: {  	s3 =	simm.s32 @!p0 $0x1082;
	s9 =	sld [smem:$0x3FA9]  }
0x2f: {  	lr =	sadd.s32 s0, s3;
	s0 =	sld [smem:$0x3FA0]  }
0x30: {  	s3 =	sld [smem:$0x3FA3]  }
0x31: {  	[smem:$0x3FAC] =	sst s10  }
0x32: {  	s10 =	sld [smem:$0x3FAA];
	_ =	sdelay $0x3  }
0x33: {  	p0 =	seq.s32 s10, $0x1;
	s10 =	sld [smem:$0x3FAC];
	_ =	sdelay $0x3  }
0x34: {  	[smem:$0x3FAC] =	sst s10  }
0x35: {  	s10 =	sld [smem:$0x3FAB];
	_ =	sdelay $0x3  }
0x36: {  	p1 =	seq.s32 s10, $0x1;
	s10 =	sld [smem:$0x3FAC];
	_ =	sdelay $0x3  }
0x37: {  	[smem:$0x3FAC] =	sst s10  }
0x38: {  	s10 =	sld [smem:$0x3FAD]  }
0x39: {  	_ = 	snop;
	(pc) =	sbr.ind lr, $3  }
0x3a: {  	_ = 	snop  }
0x3b: {  	_ = 	snop  }
0x3c: {  	p2 =	seq.s32 s10, $0x1;
	s10 =	sld [smem:$0x3FAC]  }
0x3d: {  	_ =	shalt  }
0x3e: {  	_ =	shalt  }
0x3f: {  	_ =	shalt  }
0x40: {  	_ =	shalt  }
0x41: {  	_ =	shalt  }
0x42: {  	_ =	shalt  }
0x43: {  	_ =	shalt  }
0x44: {  	_ =	shalt  }
0x45: {  	_ =	shalt  }
0x46: {  	_ =	shalt  }
0x47: {  	_ =	shalt  }
0x48: {  	_ =	shalt  }
0x49: {  	_ =	shalt  }
0x4a: {  	_ =	shalt  }
0x4b: {  	_ =	shalt  }
0x4c: {  	_ =	shalt  }
0x4d: {  	_ =	shalt  }
0x4e: {  	_ =	shalt  }
0x4f: {  	_ =	shalt  }
0x50: {  	_ =	shalt  }
0x51: {  	_ =	shalt  }
0x52: {  	_ =	shalt  }
0x53: {  	_ =	shalt  }
0x54: {  	_ =	shalt  }
0x55: {  	_ =	shalt  }
0x56: {  	_ =	shalt  }
0x57: {  	_ =	shalt  }
0x58: {  	_ =	shalt  }
0x59: {  	_ =	shalt  }
0x5a: {  	_ =	shalt  }
0x5b: {  	_ =	shalt  }
0x5c: {  	_ =	shalt  }
0x5d: {  	_ =	shalt  }
0x5e: {  	_ =	shalt  }
0x5f: {  	_ =	shalt  }
0x60: {  	_ =	shalt  }
0x61: {  	_ =	shalt  }
0x62: {  	_ =	shalt  }
0x63: {  	_ =	shalt  }
0x64: {  	_ =	shalt  }
0x65: {  	_ =	shalt  }
0x66: {  	_ =	shalt  }
0x67: {  	_ =	shalt  }
0x68: {  	_ =	shalt  }
0x69: {  	_ =	shalt  }
0x6a: {  	_ =	shalt  }
0x6b: {  	_ =	shalt  }
0x6c: {  	_ =	shalt  }
0x6d: {  	_ =	shalt  }
0x6e: {  	_ =	shalt  }
0x6f: {  	_ =	shalt  }
0x70: {  	_ =	shalt  }
0x71: {  	_ =	shalt  }
0x72: {  	_ =	shalt  }
0x73: {  	_ =	shalt  }
0x74: {  	_ =	shalt  }
0x75: {  	_ =	shalt  }
0x76: {  	_ =	shalt  }
0x77: {  	_ =	shalt  }
0x78: {  	_ =	shalt  }
0x79: {  	_ =	shalt  }
0x7a: {  	_ =	shalt  }
0x7b: {  	_ =	shalt  }
0x7c: {  	_ =	shalt  }
0x7d: {  	_ =	shalt  }
0x7e: {  	_ =	shalt  }
0x7f: {  	_ =	shalt  }
0x80: {  	_ =	shalt  }
0x81: {  	_ =	shalt  }
0x82: {  	_ =	shalt  }
0x83: {  	_ =	shalt  }
0x84: {  	_ =	shalt  }
0x85: {  	_ =	shalt  }
0x86: {  	_ =	shalt  }
0x87: {  	_ =	shalt  }
.Lfunc_end0:
.L_simem_size_0:
called_computation_lowered:
.L_overlay_start_0:
0x88: {  	s2 =	sld [smem:$0x3FD9]  }
0x89: {  	s3 =	sld [smem:$0x3FFE];
	_ =	sdelay $0x1  }
0x8a: {  	s1 =	srdreg.scid  }
0x8b: {  	s0 =	sand.u32 $0x1, s1  }
0x8c: {  	s14 =	sshll.u32 s0, $0xA;
	s2 =	sadd.s32 s3, s2  }
0x8d: {  	s2 =	sadd.s32 s2, s14  }
0x8e: {  	[smem:$0x3FB8] =	sst s2  }
0x8f: {  	_ = 	snop  }
0x90: {  	s2 =	sld [smem:$0x3FD0];
	_ =	sdelay $0x2  }
0x91: {  	s4 =	simm.s32 $0xA;
	s5 =	simm.s32 $0x10;
	s15 =	sld [smem:$0x3FC9]  }
0x92: {  	[smem:s5], [sflag:s4] =	dma.local [hbm:s2], $0x1  }
0x93: {  	_ =	swait.eq [sflag:s4], $0x1  }
0x94: {  	s16 =	sld [smem:$0x10];
	[sflag:s4] =	ssyncset.done $0x0  }
0x95: {  	s17 =	sld [smem:$0x11];
	[sflag:s4] =	ssyncadd.s32 $0xFFFFFFFF  }
0x96: {  	s18 =	sld [smem:$0x12];
	(tm) =	ssettm $0x1  }
0x97: {  	s6 =	sld [smem:$0x3FFB];
	_ =	sdelay $0x3  }
0x98: {  	_ =	strace s6  }
0x99: {  	s6 =	sld [smem:$0x3FFC];
	_ =	sdelay $0x3  }
0x9a: {  	_ =	strace s6  }
0x9b: {  	s6 =	sld [smem:$0x3FFD];
	_ =	sdelay $0x3  }
0x9c: {  	_ =	strace s6  }
0x9d: {  	_ =	strace $0x8FFFFFFF  }
0x9e: {  	s19 =	sld [smem:$0x3FDB];
	_ =	sdelay $0x1  }
0x9f: {  	s7 =	simm.s32 $_scs_section_size  }
0xa0: {  	s8 =	simm.s32 $_size__tile_overlayer_lowered;
	s9 =	simm.s32 $_tile_overlayer_lowered  }
0xa1: {  	s22 =	simm.s32 $0x1BFF;
	s21 =	sshll.u32 s9, $0x1;
	s6 =	sadd.s32 s7, s19  }
0xa2: {  	s10 =	simm.s32 $0x0;
	s20 =	sshll.u32 s8, $0x1;
	s8 =	sadd.s32 s21, s6  }
0xa3: {  	[timem:s10], [sflag:s22] =	dma.local [hbm:s8], s20  }
0xa4: {  	_ =	swait.ge [sflag:s22], s20  }
0xa5: {  	s7 =	ssub.s32 $0x0, s20;
	[sflag:s22] =	ssyncset.done $0x0  }
0xa6: {  	[sflag:s22] =	ssyncadd.s32 s7;
	_ =	sdelay $0x1  }
0xa7: {  	s23 =	simm.s32 $0x1B8B  }
0xa8: {  	_ =	swait.ge [sflag:s23], $0x1  }
0xa9: {  	[sflag:s23] =	ssyncset.done $0x0  }
0xaa: {  	s25 =	simm.s32 $0x1B8E;
	s24 =	sld [smem:$0x3FFE];
	[sflag:s23] =	ssyncadd.s32 $0xFFFFFFFF  }
0xab: {  	s26 =	simm.s32 $execute0_lowered;
	[smem:$0x3FD2] =	sst s25  }
0xac: {  	s8 =	sshll.u32 s26, $0x1;
	_ =	strace $0x80000046;
	[dreg:$0x1] =	wrdreg $0xFFFFFFFF  }
0xad: {  	s28 =	simm.s32 $_size_execute0_lowered;
	s6 =	sadd.s32 s6, s8;
	[dreg:$0x0] =	wrdreg $0x0  }
0xae: {  	s8 =	sshll.u32 s28, $0x1;
	[dreg:$0x2] =	wrdreg s6  }
0xaf: {  	[dreg:$0x3] =	wrdreg s8  }
0xb0: {  	[dreg:$0x4] =	wrdreg $0xC0  }
0xb1: {  	_ =	task [dreg:s10], $0x5FFFF  }
0xb2: {  	[dreg:$0x1] =	wrdreg $0xFFFFFFFF  }
0xb3: {  	[dreg:$0x0] =	wrdreg $0x60  }
0xb4: {  	[dreg:$0x2] =	wrdreg s15  }
0xb5: {  	[dreg:$0x3] =	wrdreg s16  }
0xb6: {  	[dreg:$0x4] =	wrdreg s24  }
0xb7: {  	[dreg:$0x5] =	wrdreg s18  }
0xb8: {  	[dreg:$0x6] =	wrdreg s17  }
0xb9: {  	[dreg:$0x7] =	wrdreg $0x9  }
0xba: {  	_ =	task.clear_ibuf [dreg:s10], $0x8FFFF;
	_ =	strace $0x90000046  }
0xbb: {  	s29 =	simm.s32 $0x9;
	_ =	strace $0x80000048  }
0xbc: {  	_ =	swait.ge [sflag:s29], $0x1  }
0xbd: {  	[sflag:s29] =	ssyncadd.s32 $0xFFFFFFFF  }
0xbe: {  	_ =	strace $0x90000048  }
0xbf: {  	_ =	sfence  }
0xc0: {  	s30 =	sld [smem:$0x0];
	_ =	sdelay $0x2  }
0xc1: {  	s31 =	sshll.u32 s1, $0xD;
	s1 =	sshrl.u32 s1, $0x2  }
0xc2: {  	s3 =	sand.u32 $0x4000, s31;
	s1 =	sadd.s32 s1, s30  }
0xc3: {  	s0 =	sor.u32 s3, s0;
	s1 =	sshll.u32 s1, $0x11  }
0xc4: {  	s0 =	sor.u32 s1, s0  }
0xc5: {  	s0 =	sadd.s32 $0x8F2B, s0  }
0xc6: {  	[sflag:s0] =	ssyncadd.remote.s32 $0x1  }
0xc7: {  	_ =	sfence.sel $0xFFFF  }
0xc8: {  	[dreg:$0x0] =	wrdreg $0xFFFFFFFF;
	(pc) =	sbr.abs _section_cstart, $3  }
0xc9: {  	[dreg:$0x1] =	wrdreg $0xFFFFFFFF  }
0xca: {  	_ =	task.clear_ibuf [dreg:s10], $0x2FFFF;
	_ =	strace $0x9FFFFFFF  }
0xcb: {  	(tm) =	ssettm $0x7FFFFFFF  }
tec
execute0_lowered:
.L_overlay_start_1:
0x0: {  	(tag) =	ssettag $0x1  }
0x1: {  	s0 =	rddreg [dreg:$0x0]  }
0x2: {  	s1 =	rddreg [dreg:$0x2]  }
0x3: {  	s3 =	rddreg [dreg:$0x3]  }
0x4: {  	s11 =	rddreg [dreg:$0x4];
	s2 =	simm.s32 $0x0;
	s5 =	srdreg.scid  }
0x5: {  	s20 =	stileid.u32;
	s17 =	simm.s32 $0x6400;
	s18 =	simm.s32 $0x3  }
0x6: {  	s19 =	simm.s32 $0x6480;
	s29 =	simm.s32 $0x2;
	s30 =	simm.s32 $0x0  }
0x7: {  	[smem:$0x7FF] =	sst s2;
	s4 =	sadd.s32 $0x2800, s1;
	s1 =	sadd.s32 $0x2A00, s1  }
0x8: {  	s5 =	sand.u32 $0x1, s5;
	s6 =	sshll.u32 s20, $0x9;
	s8 =	sshrl.u32 s20, $0x1  }
0x9: {  	s20 =	simm.s32 $0x1;
	_ =	strace $0x80000047;
	[dreg:$0x6] =	wrdreg s4  }
0xa: {  	s7 =	sshll.u32 s5, $0x8;
	s6 =	sand.u32 $0x200, s6;
	s5 =	ssub.s32 $0x2, s5  }
0xb: {  	s21 =	sshll.u32 s8, $0xF;
	s14 =	sshll.u32 s8, $0xC;
	s9 =	sor.u32 s7, s6  }
0xc: {  	s15 =	sshll.u32 s8, $0xA;
	s22 =	sshrl.u32 s5, $0x1;
	s10 =	sor.u32 s21, s9  }
0xd: {  	s12 =	sor.u32 $0x80, s9;
	s13 =	ssub.s32 s5, s22;
	s25 =	sor.u32 s14, s9  }
0xe: {  	s9 =	sor.u32 s15, s9;
	s22 =	simm.s32 $0x5000;
	s23 =	sshrl.u32 s10, $0x3  }
0xf: {  	s6 =	sor.u32 s21, s12;
	s26 =	sshrl.u32 s9, $0x3;
	s14 =	sor.u32 s14, s12  }
0x10: {  	s12 =	sor.u32 s15, s12;
	s13 =	smax.u32 s13, $0x1;
	s15 =	simm.s32 $0x400  }
0x11: {  	s21 =	simm.s32 $0x5400;
	s5 =	sadd.s32 s0, s23;
	s24 =	sshrl.u32 s6, $0x3  }
0x12: {  	s7 =	sadd.s32 s3, s23;
	s9 =	sadd.s32 s1, s26;
	s28 =	sshrl.u32 s14, $0x3  }
0x13: {  	s31 =	sshrl.u32 s12, $0x3;
	s14 =	simm.s32 $0x80;
	s6 =	sadd.s32 s0, s24  }
0x14: {  	s0 =	sshrl.u32 s25, $0x3;
	s10 =	sadd.s32 s3, s24;
	s12 =	sadd.s32 s1, s31  }
0x15: {  	v0 =	vlaneseq.u32;
	s25 =	simm.s32 $0x5200;
	s8 =	sadd.s32 s11, s0;
	s11 =	sadd.s32 s11, s28  }
.LBB2_1:
0x16: {  	[tilespmem:s2], [sflag:$0x1] =	stream.strided.gather [hbm4b:s5+s14], $0x1000, s15, s14, $0x38;
	[tilespmem:$0x6600] =	vst v63  }
0x17: {  	s0 =	simm.s32 $0x1000  }
0x18: {  	[tilespmem:s0], [sflag:$0x1] =	stream.strided.gather [hbm4b:s6+s14], $0x1000, s15, s14, $0x38;
	[tilespmem:$0x6600] =	vst v63  }
0x19: {  	s26 =	rddreg [dreg:$0x1]  }
0x1a: {  	[tilespmem:s17], [sflag:$0x3] =	stream.linear.gather [hbm4b:s26+s2], $0x80, $0x38;
	[tilespmem:$0x6600] =	vst v63  }
0x1b: {  	_ =	swait.ge [sflag:s18], $0x80  }
0x1c: {  	[sflag:s18] =	ssyncset.done $0x0  }
0x1d: {  	s28 =	rddreg [dreg:$0x6];
	[sflag:s18] =	ssyncadd.s32 $0xFFFFFF80  }
0x1e: {  	[tilespmem:s19], [sflag:$0x3] =	stream.linear.gather [hbm4b:s28+s2], $0x80, $0x38;
	[tilespmem:$0x6600] =	vst v63  }
0x1f: {  	_ =	swait.ge [sflag:s18], $0x80  }
0x20: {  	[sflag:s18] =	ssyncset.done $0x0  }
0x21: {  	[sflag:s18] =	ssyncadd.s32 $0xFFFFFF80  }
0x22: {  	s3 =	simm.s32 $0x5440;
	_ =	swait.ge [sflag:s20], $0x1000  }
0x23: {  	s31 =	simm.s32 $0x40;
	s1 =	simm.s32 $0x2040;
	[sflag:s20] =	ssyncset.done $0x0  }
0x24: {  	s16 =	simm.s32 $0x4040;
	s0 =	simm.s32 $0x70;
	[sflag:s20] =	ssyncadd.s32 $0xFFFFF000  }
.LBB2_2:
0x25: {  	v1 =	vimm.s32 $0x0  }
0x26: {  	[tilespmem:s3+$0xFFFFFFC0] =	vst v1  }
0x27: {  	[tilespmem:s3+$0xFFFFFFD0] =	vst v1  }
0x28: {  	[tilespmem:s3+$0xFFFFFFE0] =	vst v1  }
0x29: {  	[tilespmem:s3+$0xFFFFFFF0] =	vst v1  }
0x2a: {  	[tilespmem:s3+$0x0] =	vst v1  }
0x2b: {  	[tilespmem:s3+$0x10] =	vst v1  }
0x2c: {  	[tilespmem:s3+$0x20] =	vst v1  }
0x2d: {  	[tilespmem:s3+$0x30] =	vst v1  }
0x2e: {  	v2 =	vld [tilespmem:s31+$0xFFFFFFC0]  }
0x2f: {  	v3 =	vld [tilespmem:s31+$0xFFFFFFD0]  }
0x30: {  	v4 =	vld [tilespmem:s31+$0xFFFFFFE0]  }
0x31: {  	v5 =	vld [tilespmem:s31+$0xFFFFFFF0]  }
0x32: {  	v6 =	vld [tilespmem:s31+$0x0]  }
0x33: {  	v7 =	vld [tilespmem:s31+$0x10]  }
0x34: {  	v8 =	vld [tilespmem:s31+$0x20]  }
0x35: {  	v9 =	vld [tilespmem:s31+$0x30]  }
0x36: {  	v10 =	vld.idx.msk [tilespmem:v2+s17+$0x0], $0xffff  }
0x37: {  	v11 =	vld.idx.msk [tilespmem:v3+s17+$0x0], $0xffff  }
0x38: {  	v12 =	vld.idx.msk [tilespmem:v4+s17+$0x0], $0xffff  }
0x39: {  	v13 =	vld.idx.msk [tilespmem:v5+s17+$0x0], $0xffff  }
0x3a: {  	v14 =	vld.idx.msk [tilespmem:v6+s17+$0x0], $0xffff  }
0x3b: {  	v15 =	vld.idx.msk [tilespmem:v7+s17+$0x0], $0xffff  }
0x3c: {  	v16 =	vld.idx.msk [tilespmem:v8+s17+$0x0], $0xffff  }
0x3d: {  	v2 =	vld.idx.msk [tilespmem:v2+s19+$0x0], $0xffff  }
0x3e: {  	v3 =	vld.idx.msk [tilespmem:v3+s19+$0x0], $0xffff  }
0x3f: {  	v4 =	vld.idx.msk [tilespmem:v4+s19+$0x0], $0xffff  }
0x40: {  	v5 =	vld.idx.msk [tilespmem:v5+s19+$0x0], $0xffff  }
0x41: {  	v6 =	vld.idx.msk [tilespmem:v6+s19+$0x0], $0xffff  }
0x42: {  	v7 =	vld.idx.msk [tilespmem:v7+s19+$0x0], $0xffff;
	(xrf1) =	vunique.msk.u32 $0xffff, v2  }
0x43: {  	v8 =	vld.idx.msk [tilespmem:v8+s19+$0x0], $0xffff;
	(xrf1) =	vunique.msk.u32 $0xffff, v3  }
0x44: {  	v17 =	vld.idx.msk [tilespmem:v9+s19+$0x0], $0xffff;
	(xrf1) =	vunique.msk.u32 $0xffff, v4  }
0x45: {  	(xrf1) =	vunique.msk.u32 $0xffff, v5  }
0x46: {  	v9 =	vld.idx.msk [tilespmem:v9+s17+$0x0], $0xffff;
	[tilespmem:s1+$0xFFFFFFC0] =	vst v10;
	(xrf1) =	vunique.msk.u32 $0xffff, v6  }
0x47: {  	[tilespmem:s1+$0xFFFFFFD0] =	vst v11;
	(xrf1) =	vunique.msk.u32 $0xffff, v7  }
0x48: {  	[tilespmem:s1+$0xFFFFFFE0] =	vst v12;
	(xrf1) =	vunique.msk.u32 $0xffff, v8  }
0x49: {  	[tilespmem:s1+$0xFFFFFFF0] =	vst v13;
	(xrf1) =	vunique.msk.u32 $0xffff, v17  }
0x4a: {  	[tilespmem:s1+$0x0] =	vst v14  }
0x4b: {  	[tilespmem:s1+$0x10] =	vst v15  }
0x4c: {  	[tilespmem:s1+$0x20] =	vst v16  }
0x4d: {  	[tilespmem:s1+$0x30] =	vst v9  }
0x4e: {  	[tilespmem:s16+$0xFFFFFFC0] =	vst v2  }
0x4f: {  	[tilespmem:s16+$0xFFFFFFD0] =	vst v3  }
0x50: {  	s23 =	sadd.s32 $0xFFFFFF90, s0;
	[tilespmem:s16+$0xFFFFFFE0] =	vst v4;
	_, v55, vm0 =	vpop (xrf1)  }
0x51: {  	s24 =	sadd.s32 $0xFFFFFFA0, s0;
	[tilespmem:s16+$0xFFFFFFF0] =	vst v5;
	v2 =	vadd.s32 s23, v2;
	_, v56, vm1 =	vpop (xrf1)  }
0x52: {  	s26 =	sadd.s32 $0xFFFFFFB0, s0;
	[tilespmem:s16+$0x0] =	vst v6;
	v3 =	vadd.s32 s24, v3;
	_, v57, vm2 =	vpop (xrf1)  }
0x53: {  	s28 =	sadd.s32 $0xFFFFFFC0, s0;
	[tilespmem:s16+$0x10] =	vst v7;
	v4 =	vadd.s32 s26, v4;
	_, v58, vm3 =	vpop (xrf1)  }
0x54: {  	s4 =	sadd.s32 $0xFFFFFFD0, s0;
	[tilespmem:s16+$0x20] =	vst v8;
	v5 =	vadd.s32 s28, v5;
	_, v59, vm4 =	vpop (xrf1)  }
0x55: {  	[tilespmem:s16+$0x30] =	vst v17;
	s26 =	sadd.s32 $0xFFFFFFE0, s0;
	v6 =	vadd.s32 s4, v6;
	_, v60, vm5 =	vpop (xrf1)  }
0x56: {  	s28 =	sadd.s32 $0xFFFFFFF0, s0;
	_, v61, vm6 =	vpop (xrf1);
	[tilespmem:v2+s21+$0x0] =	vst.idx.msk vm0, v55;
	v2 =	vadd.s32 s26, v7  }
0x57: {  	_, v62, vm15 =	vpop (xrf1);
	[tilespmem:v3+s21+$0x0] =	vst.idx.msk vm1, v56;
	v3 =	vadd.s32 s28, v8  }
0x58: {  	p0 =	sne.s32 s0, $0xFF0;
	v63 =	vadd.s32 s0, v17;
	[tilespmem:v4+s21+$0x0] =	vst.idx.msk vm2, v57  }
.Ltmp0:
0x59: {  	[tilespmem:v5+s21+$0x0] =	vst.idx.msk vm3, v58;
	(pc) =	sbr.rel @p0 .LBB2_2-.Ltmp0, $4  }
0x5a: {  	[tilespmem:v6+s21+$0x0] =	vst.idx.msk vm4, v59  }
0x5b: {  	[tilespmem:v2+s21+$0x0] =	vst.idx.msk vm5, v60  }
0x5c: {  	s3 =	sadd.s32 $0x80, s3;
	s31 =	sadd.s32 $0x80, s31;
	[tilespmem:v3+s21+$0x0] =	vst.idx.msk vm6, v61  }
0x5d: {  	s1 =	sadd.s32 $0x80, s1;
	s16 =	sadd.s32 $0x80, s16;
	s0 =	sadd.s32 $0x80, s0;
	[tilespmem:v63+s21+$0x0] =	vst.idx.msk vm15, v62  }
0x5e: {  	s0 =	simm.s32 $0x0  }
0x5f: {  	v4 =	vld [tilespmem:s0+$0x5400]  }
0x60: {  	v6 =	vld [tilespmem:s0+$0x5410]  }
0x61: {  	v7 =	vld [tilespmem:s0+$0x5420]  }
0x62: {  	v5 =	vld [tilespmem:s0+$0x5430]  }
0x63: {  	v3 =	vld [tilespmem:s0+$0x5440]  }
0x64: {  	v2 =	vld [tilespmem:s0+$0x5450];
	[tilespmem:s0+$0x5400] =	vst v1;
	v4 =	vadd.s32 v1, v4  }
0x65: {  	v1 =	vld [tilespmem:s0+$0x5460];
	[tilespmem:s0+$0x5410] =	vst v4;
	v6 =	vadd.s32 v6, v4  }
0x66: {  	s1 =	simm.s32 $0x80;
	s3 =	simm.s32 $0x400;
	v4 =	vld [tilespmem:s0+$0x5470];
	[tilespmem:s0+$0x5420] =	vst v6;
	v6 =	vadd.s32 v7, v6  }
.LBB2_4:
0x67: {  	p0 =	sne.s32 s3, $0x3E00;
	v7 =	vld [tilespmem:s1+$0x5400];
	[tilespmem:s0+$0x5430] =	vst v6;
	v5 =	vadd.s32 v5, v6  }
0x68: {  	v6 =	vld [tilespmem:s1+$0x5410];
	[tilespmem:s0+$0x5440] =	vst v5;
	v3 =	vadd.s32 v3, v5  }
0x69: {  	v8 =	vld [tilespmem:s1+$0x5420];
	[tilespmem:s0+$0x5450] =	vst v3;
	v2 =	vadd.s32 v2, v3  }
.Ltmp1:
0x6a: {  	v5 =	vld [tilespmem:s1+$0x5430];
	[tilespmem:s0+$0x5460] =	vst v2;
	v1 =	vadd.s32 v1, v2;
	(pc) =	sbr.rel @p0 .LBB2_4-.Ltmp1, $4  }
0x6b: {  	v3 =	vld [tilespmem:s1+$0x5440];
	[tilespmem:s0+$0x5470] =	vst v1;
	v1 =	vadd.s32 v4, v1;
	s0 =	smov.u32 s1  }
0x6c: {  	v2 =	vld [tilespmem:s0+$0x5450];
	[tilespmem:s0+$0x5400] =	vst v1;
	v4 =	vadd.s32 v1, v7  }
0x6d: {  	v1 =	vld [tilespmem:s0+$0x5460];
	[tilespmem:s0+$0x5410] =	vst v4;
	v6 =	vadd.s32 v6, v4  }
0x6e: {  	s1 =	sshra.s32 s3, $0x2;
	s3 =	sadd.s32 $0x200, s3;
	v4 =	vld [tilespmem:s0+$0x5470];
	[tilespmem:s0+$0x5420] =	vst v6;
	v6 =	vadd.s32 v8, v6  }
0x6f: {  	v7 =	vld [tilespmem:s1+$0x5400];
	[tilespmem:s0+$0x5430] =	vst v6;
	v5 =	vadd.s32 v5, v6  }
0x70: {  	v6 =	vld [tilespmem:s1+$0x5410];
	[tilespmem:s0+$0x5440] =	vst v5;
	v3 =	vadd.s32 v3, v5  }
0x71: {  	v5 =	vld [tilespmem:s1+$0x5420];
	[tilespmem:s0+$0x5450] =	vst v3;
	v2 =	vadd.s32 v2, v3  }
0x72: {  	v3 =	vld [tilespmem:s1+$0x5430];
	[tilespmem:s0+$0x5460] =	vst v2;
	v1 =	vadd.s32 v1, v2  }
0x73: {  	v2 =	vld [tilespmem:s1+$0x5440];
	[tilespmem:s0+$0x5470] =	vst v1;
	v1 =	vadd.s32 v4, v1  }
0x74: {  	v4 =	vld [tilespmem:s1+$0x5450];
	[tilespmem:s1+$0x5400] =	vst v1;
	v1 =	vadd.s32 v1, v7  }
0x75: {  	v7 =	vld [tilespmem:s1+$0x5460];
	[tilespmem:s1+$0x5410] =	vst v1;
	v1 =	vadd.s32 v6, v1  }
0x76: {  	v6 =	vld [tilespmem:s1+$0x5470];
	v5 =	vadd.s32 v5, v1  }
0x77: {  	v3 =	vadd.s32 v3, v5  }
0x78: {  	[tilespmem:s1+$0x5420] =	vst v1;
	v1 =	vadd.s32 v2, v3  }
0x79: {  	v2 =	vadd.s32 v4, v1  }
0x7a: {  	[tilespmem:s1+$0x5440] =	vst v3;
	v3 =	vadd.s32 v7, v2  }
0x7b: {  	[tilespmem:s1+$0x5450] =	vst v1;
	v1 =	vadd.s32 v6, v3  }
0x7c: {  	[tilespmem:s1+$0x5430] =	vst v5;
	(xrf0) =	vadd.scan.msk.s32 $0xffff, v1  }
0x7d: {  	[tilespmem:s1+$0x5460] =	vst v2  }
0x7e: {  	s0 =	simm.s32 $0x0;
	[tilespmem:s1+$0x5470] =	vst v3  }
0x7f: {  	v7 =	vld [tilespmem:s0+$0x5400]  }
0x80: {  	v8 =	vld [tilespmem:s0+$0x5410]  }
0x81: {  	v6 =	vld [tilespmem:s0+$0x5420]  }
0x82: {  	v3 =	vld [tilespmem:s0+$0x5430];
	v2, _, _ =	vpop (xrf0)  }
0x83: {  	v4 =	vld [tilespmem:s0+$0x5440];
	v2 =	vsub.s32 v2, v1  }
0x84: {  	v5 =	vld [tilespmem:s0+$0x5450];
	v9 =	vadd.s32 v2, v7  }
0x85: {  	s1 =	simm.s32 $0x200;
	v7 =	vld [tilespmem:s0+$0x5460];
	v8 =	vadd.s32 v2, v8;
	[tilespmem:s0+$0x5400] =	vst v9  }
.LBB2_6:
0x86: {  	s3 =	sshra.s32 s1, $0x2;
	p0 =	sne.s32 s1, $0x3E00;
	v9 =	vld [tilespmem:s0+$0x5470];
	[tilespmem:s0+$0x5410] =	vst v8;
	v6 =	vadd.s32 v2, v6  }
0x87: {  	v8 =	vld [tilespmem:s3+$0x5400];
	[tilespmem:s0+$0x5420] =	vst v6;
	v3 =	vadd.s32 v2, v3  }
0x88: {  	v10 =	vld [tilespmem:s3+$0x5410];
	[tilespmem:s0+$0x5430] =	vst v3;
	v3 =	vadd.s32 v2, v4  }
.Ltmp2:
0x89: {  	v6 =	vld [tilespmem:s3+$0x5420];
	[tilespmem:s0+$0x5440] =	vst v3;
	v4 =	vadd.s32 v2, v5;
	(pc) =	sbr.rel @p0 .LBB2_6-.Ltmp2, $4  }
0x8a: {  	v3 =	vld [tilespmem:s3+$0x5430];
	[tilespmem:s0+$0x5450] =	vst v4;
	v5 =	vadd.s32 v2, v7  }
0x8b: {  	v4 =	vld [tilespmem:s3+$0x5440];
	[tilespmem:s0+$0x5460] =	vst v5;
	v7 =	vadd.s32 v2, v9  }
0x8c: {  	v5 =	vld [tilespmem:s3+$0x5450];
	v8 =	vadd.s32 v2, v8;
	[tilespmem:s0+$0x5470] =	vst v7;
	s0 =	smov.u32 s3  }
0x8d: {  	s1 =	sadd.s32 $0x200, s1;
	v7 =	vld [tilespmem:s0+$0x5460];
	[tilespmem:s0+$0x5400] =	vst v8;
	v8 =	vadd.s32 v2, v10  }
0x8e: {  	v9 =	vld [tilespmem:s0+$0x5470];
	[tilespmem:s0+$0x5410] =	vst v8;
	v6 =	vadd.s32 v2, v6  }
0x8f: {  	[tilespmem:s0+$0x5420] =	vst v6;
	v3 =	vadd.s32 v2, v3  }
0x90: {  	[tilespmem:s0+$0x5430] =	vst v3;
	v3 =	vadd.s32 v2, v4  }
0x91: {  	[tilespmem:s0+$0x5440] =	vst v3;
	v3 =	vadd.s32 v2, v5  }
0x92: {  	[tilespmem:s0+$0x5450] =	vst v3;
	v3 =	vadd.s32 v2, v7  }
0x93: {  	[tilespmem:s0+$0x5460] =	vst v3;
	v2 =	vadd.s32 v2, v9  }
0x94: {  	s31 =	simm.s32 $0x4040;
	[tilespmem:s0+$0x5470] =	vst v2  }
0x95: {  	v2 =	vld [tilespmem:s31+$0xFFFFFFC0]  }
0x96: {  	v3 =	vld [tilespmem:s31+$0xFFFFFFD0]  }
0x97: {  	v4 =	vld [tilespmem:s31+$0xFFFFFFE0]  }
0x98: {  	v5 =	vld [tilespmem:s31+$0xFFFFFFF0]  }
0x99: {  	v6 =	vld [tilespmem:s31+$0x0]  }
0x9a: {  	(xrf1) =	vunique.msk.u32 $0xffff, v2  }
0x9b: {  	(xrf1) =	vunique.msk.u32 $0xffff, v3  }
0x9c: {  	(xrf1) =	vunique.msk.u32 $0xffff, v4  }
0x9d: {  	v55 =	vld [tilespmem:s31+$0x10];
	(xrf1) =	vunique.msk.u32 $0xffff, v5  }
0x9e: {  	s4 =	simm.s32 $0x0;
	v8 =	vld [tilespmem:s31+$0x20];
	(xrf1) =	vunique.msk.u32 $0xffff, v6  }
0x9f: {  	s1 =	simm.s32 $0x10;
	v2 =	vadd.s32 s4, v2  }
0xa0: {  	s3 =	simm.s32 $0x20;
	v56 =	vld [tilespmem:s31+$0x30];
	v3 =	vadd.s32 s1, v3  }
0xa1: {  	s16 =	simm.s32 $0x30;
	v4 =	vadd.s32 s3, v4  }
0xa2: {  	s23 =	simm.s32 $0x40;
	v5 =	vadd.s32 s16, v5;
	(xrf1) =	vunique.msk.u32 $0xffff, v55  }
0xa3: {  	v6 =	vadd.s32 s23, v6;
	(xrf1) =	vunique.msk.u32 $0xffff, v8  }
0xa4: {  	v2 =	vld.idx.msk [tilespmem:v2+s21+$0x0], $0xffff  }
0xa5: {  	v3 =	vld.idx.msk [tilespmem:v3+s21+$0x0], $0xffff;
	(xrf1) =	vunique.msk.u32 $0xffff, v56  }
0xa6: {  	s24 =	simm.s32 $0x50;
	v4 =	vld.idx.msk [tilespmem:v4+s21+$0x0], $0xffff  }
0xa7: {  	s26 =	simm.s32 $0x60;
	v7 =	vadd.s32 s24, v55;
	v5 =	vld.idx.msk [tilespmem:v5+s21+$0x0], $0xffff  }
0xa8: {  	v8 =	vadd.s32 s26, v8;
	v6 =	vld.idx.msk [tilespmem:v6+s21+$0x0], $0xffff;
	_, v10, _ =	vpop (xrf1)  }
0xa9: {  	s28 =	simm.s32 $0x70;
	v2 =	vadd.s32 v2, v10;
	_, v57, _ =	vpop (xrf1)  }
0xaa: {  	v9 =	vadd.s32 s28, v56;
	v2 =	vadd.s32 $0xFFFFFFFF, v2;
	v3 =	vadd.s32 v3, v57;
	_, v58, _ =	vpop (xrf1)  }
0xab: {  	vm0 =	vlt.s32 v2, $0x199;
	v3 =	vadd.s32 $0xFFFFFFFF, v3;
	v4 =	vadd.s32 v4, v58;
	_, v59, _ =	vpop (xrf1)  }
0xac: {  	v7 =	vld.idx.msk [tilespmem:v7+s21+$0x0], $0xffff;
	vm1 =	vlt.s32 v3, $0x199;
	v4 =	vadd.s32 $0xFFFFFFFF, v4;
	v5 =	vadd.s32 v5, v59;
	_, v60, _ =	vpop (xrf1)  }
0xad: {  	v8 =	vld.idx.msk [tilespmem:v8+s21+$0x0], $0xffff;
	vm2 =	vlt.s32 v4, $0x199;
	v5 =	vadd.s32 $0xFFFFFFFF, v5;
	v6 =	vadd.s32 v6, v60  }
0xae: {  	vm3 =	vlt.s32 v5, $0x199;
	v6 =	vadd.s32 $0xFFFFFFFF, v6  }
0xaf: {  	v9 =	vld.idx.msk [tilespmem:v9+s21+$0x0], $0xffff;
	vm4 =	vlt.s32 v6, $0x199  }
0xb0: {  	v63 =	vor.u32 s4, v0;
	_, v61, _ =	vpop (xrf1)  }
0xb1: {  	v7 =	vadd.s32 v7, v61;
	_, v62, _ =	vpop (xrf1);
	[tilespmem:v2+s22+$0x0] =	vst.idx.msk vm0, v63;
	v2 =	vor.u32 s1, v0  }
0xb2: {  	v7 =	vadd.s32 $0xFFFFFFFF, v7;
	v8 =	vadd.s32 v8, v62;
	[tilespmem:v3+s22+$0x0] =	vst.idx.msk vm1, v2;
	v2 =	vor.u32 s3, v0  }
0xb3: {  	vm5 =	vlt.s32 v7, $0x199;
	v8 =	vadd.s32 $0xFFFFFFFF, v8;
	_, v3, _ =	vpop (xrf1);
	[tilespmem:v4+s22+$0x0] =	vst.idx.msk vm2, v2;
	v2 =	vor.u32 s16, v0  }
0xb4: {  	vm6 =	vlt.s32 v8, $0x199;
	v3 =	vadd.s32 v9, v3;
	[tilespmem:v5+s22+$0x0] =	vst.idx.msk vm3, v2;
	v2 =	vor.u32 s23, v0  }
0xb5: {  	[tilespmem:v6+s22+$0x0] =	vst.idx.msk vm4, v2;
	v2 =	vadd.s32 $0xFFFFFFFF, v3  }
0xb6: {  	vm0 =	vlt.s32 v2, $0x199;
	_ =	sdelay $0x1  }
0xb7: {  	v4 =	vor.u32 s24, v0  }
0xb8: {  	v3 =	vor.u32 s26, v0;
	[tilespmem:v7+s22+$0x0] =	vst.idx.msk vm5, v4  }
0xb9: {  	s0 =	simm.s32 $0xF0;
	[tilespmem:v8+s22+$0x0] =	vst.idx.msk vm6, v3;
	v3 =	vor.u32 s28, v0  }
.LBB2_8:
0xba: {  	p0 =	sne.s32 s0, $0xFF0  }
0xbb: {  	[tilespmem:v2+s22+$0x0] =	vst.idx.msk vm0, v3;
	s31 =	sadd.s32 $0x80, s31;
	s3 =	smov.u32 s0;
	s0 =	sadd.s32 $0x80, s0  }
0xbc: {  	v2 =	vld [tilespmem:s31+$0xFFFFFFC0]  }
0xbd: {  	v3 =	vld [tilespmem:s31+$0xFFFFFFD0]  }
0xbe: {  	v4 =	vld [tilespmem:s31+$0xFFFFFFE0]  }
0xbf: {  	v5 =	vld [tilespmem:s31+$0xFFFFFFF0]  }
0xc0: {  	s4 =	sadd.s32 $0xFFFFFF90, s3;
	v6 =	vld [tilespmem:s31+$0x0]  }
0xc1: {  	s1 =	sadd.s32 $0xFFFFFFA0, s3;
	v7 =	vld [tilespmem:s31+$0x10];
	v8 =	vadd.s32 s4, v2;
	(xrf1) =	vunique.msk.u32 $0xffff, v2  }
0xc2: {  	s16 =	sadd.s32 $0xFFFFFFB0, s3;
	v2 =	vld [tilespmem:s31+$0x20];
	v9 =	vadd.s32 s1, v3;
	(xrf1) =	vunique.msk.u32 $0xffff, v3  }
0xc3: {  	v3 =	vld [tilespmem:s31+$0x30];
	v10 =	vadd.s32 s16, v4;
	(xrf1) =	vunique.msk.u32 $0xffff, v4  }
0xc4: {  	(xrf1) =	vunique.msk.u32 $0xffff, v5  }
0xc5: {  	(xrf1) =	vunique.msk.u32 $0xffff, v6  }
0xc6: {  	(xrf1) =	vunique.msk.u32 $0xffff, v7  }
0xc7: {  	s23 =	sadd.s32 $0xFFFFFFC0, s3;
	(xrf1) =	vunique.msk.u32 $0xffff, v2  }
0xc8: {  	s24 =	sadd.s32 $0xFFFFFFD0, s3;
	v4 =	vadd.s32 s23, v5;
	v5 =	vadd.s32 s3, v3;
	(xrf1) =	vunique.msk.u32 $0xffff, v3  }
0xc9: {  	s26 =	sadd.s32 $0xFFFFFFE0, s3;
	v3 =	vadd.s32 s24, v6  }
0xca: {  	s28 =	sadd.s32 $0xFFFFFFF0, s3;
	v7 =	vadd.s32 s26, v7;
	v6 =	vld.idx.msk [tilespmem:v8+s21+$0x0], $0xffff  }
0xcb: {  	v2 =	vadd.s32 s28, v2;
	v8 =	vld.idx.msk [tilespmem:v9+s21+$0x0], $0xffff  }
0xcc: {  	v9 =	vld.idx.msk [tilespmem:v10+s21+$0x0], $0xffff  }
0xcd: {  	v4 =	vld.idx.msk [tilespmem:v4+s21+$0x0], $0xffff  }
0xce: {  	v3 =	vld.idx.msk [tilespmem:v3+s21+$0x0], $0xffff  }
0xcf: {  	v7 =	vld.idx.msk [tilespmem:v7+s21+$0x0], $0xffff;
	_, v10, _ =	vpop (xrf1)  }
0xd0: {  	v2 =	vld.idx.msk [tilespmem:v2+s21+$0x0], $0xffff;
	v6 =	vadd.s32 v6, v10;
	_, v10, _ =	vpop (xrf1)  }
0xd1: {  	v11 =	vor.u32 s4, v0;
	v5 =	vld.idx.msk [tilespmem:v5+s21+$0x0], $0xffff;
	v6 =	vadd.s32 $0xFFFFFFFF, v6;
	v8 =	vadd.s32 v8, v10;
	_, v10, _ =	vpop (xrf1)  }
0xd2: {  	vm0 =	vlt.s32 v6, $0x199;
	v8 =	vadd.s32 $0xFFFFFFFF, v8;
	v9 =	vadd.s32 v9, v10;
	_, v10, _ =	vpop (xrf1)  }
0xd3: {  	vm1 =	vlt.s32 v8, $0x199;
	v9 =	vadd.s32 $0xFFFFFFFF, v9;
	v4 =	vadd.s32 v4, v10;
	_, v10, _ =	vpop (xrf1)  }
0xd4: {  	vm2 =	vlt.s32 v9, $0x199;
	v4 =	vadd.s32 $0xFFFFFFFF, v4;
	v3 =	vadd.s32 v3, v10;
	_, v10, _ =	vpop (xrf1)  }
0xd5: {  	vm3 =	vlt.s32 v4, $0x199;
	v3 =	vadd.s32 $0xFFFFFFFF, v3;
	v7 =	vadd.s32 v7, v10;
	_, v10, _ =	vpop (xrf1)  }
0xd6: {  	vm4 =	vlt.s32 v3, $0x199;
	v7 =	vadd.s32 $0xFFFFFFFF, v7;
	v2 =	vadd.s32 v2, v10;
	_, v10, _ =	vpop (xrf1)  }
0xd7: {  	vm5 =	vlt.s32 v7, $0x199;
	v12 =	vadd.s32 $0xFFFFFFFF, v2;
	v2 =	vadd.s32 v5, v10  }
0xd8: {  	v5 =	vor.u32 s1, v0;
	[tilespmem:v6+s22+$0x0] =	vst.idx.msk vm0, v11;
	vm6 =	vlt.s32 v12, $0x199;
	v2 =	vadd.s32 $0xFFFFFFFF, v2  }
0xd9: {  	[tilespmem:v8+s22+$0x0] =	vst.idx.msk vm1, v5;
	v5 =	vor.u32 s16, v0;
	vm0 =	vlt.s32 v2, $0x199  }
.Ltmp3:
0xda: {  	[tilespmem:v9+s22+$0x0] =	vst.idx.msk vm2, v5;
	v5 =	vor.u32 s23, v0;
	(pc) =	sbr.rel @p0 .LBB2_8-.Ltmp3, $4  }
0xdb: {  	[tilespmem:v4+s22+$0x0] =	vst.idx.msk vm3, v5;
	v4 =	vor.u32 s24, v0  }
0xdc: {  	[tilespmem:v3+s22+$0x0] =	vst.idx.msk vm4, v4;
	v3 =	vor.u32 s26, v0  }
0xdd: {  	[tilespmem:v7+s22+$0x0] =	vst.idx.msk vm5, v3;
	v3 =	vor.u32 s28, v0  }
0xde: {  	[tilespmem:v12+s22+$0x0] =	vst.idx.msk vm6, v3;
	v3 =	vor.u32 s3, v0  }
0xdf: {  	_ =	sdelay $0x4  }
0xe0: {  	[tilespmem:v2+s22+$0x0] =	vst.idx.msk vm0, v3  }
0xe1: {  	s0 =	simm.s32 $0x2000;
	[tilespmem:$0x6500] =	vst v1  }
0xe2: {  	[hbm4b:s7+s14] =	stream.strided.scatter [tilespmem:s0], [sflag:$0x2], $0x1000, s15, s14, $0x38;
	[tilespmem:$0x6600] =	vst v63  }
0xe3: {  	_ = 	snop  }
0xe4: {  	[hbm4b:s8+s14] =	stream.strided.scatter [tilespmem:s22], [sflag:$0x2], $0x200, s15, s14, $0x38;
	[tilespmem:$0x6600] =	vst v63  }
0xe5: {  	s28 =	simm.s32 $0x6500  }
0xe6: {  	[hbm4b:s9+s2] =	stream.linear.scatter [tilespmem:s28], [sflag:$0x2], $0x80, $0x38;
	[tilespmem:$0x6600] =	vst v63  }
0xe7: {  	s3 =	simm.s32 $0x3070;
	_ =	swait.ge [sflag:s20], $0x1000  }
0xe8: {  	s31 =	simm.s32 $0x1070;
	s1 =	simm.s32 $0x5440;
	[sflag:s20] =	ssyncset.done $0x0  }
0xe9: {  	s16 =	simm.s32 $0x4040;
	s0 =	simm.s32 $0x70;
	[sflag:s20] =	ssyncadd.s32 $0xFFFFF000  }
.LBB2_10:
0xea: {  	v1 =	vimm.s32 $0x0  }
0xeb: {  	[tilespmem:s1+$0xFFFFFFC0] =	vst v1  }
0xec: {  	[tilespmem:s1+$0xFFFFFFD0] =	vst v1  }
0xed: {  	[tilespmem:s1+$0xFFFFFFE0] =	vst v1  }
0xee: {  	[tilespmem:s1+$0xFFFFFFF0] =	vst v1  }
0xef: {  	[tilespmem:s1+$0x0] =	vst v1  }
0xf0: {  	[tilespmem:s1+$0x10] =	vst v1  }
0xf1: {  	[tilespmem:s1+$0x20] =	vst v1  }
0xf2: {  	[tilespmem:s1+$0x30] =	vst v1  }
0xf3: {  	v2 =	vld [tilespmem:s31+$0xFFFFFF90]  }
0xf4: {  	v3 =	vld [tilespmem:s31+$0xFFFFFFA0]  }
0xf5: {  	v4 =	vld [tilespmem:s31+$0xFFFFFFB0]  }
0xf6: {  	v5 =	vld [tilespmem:s31+$0xFFFFFFC0]  }
0xf7: {  	v6 =	vld [tilespmem:s31+$0xFFFFFFD0]  }
0xf8: {  	v7 =	vld [tilespmem:s31+$0xFFFFFFE0]  }
0xf9: {  	v8 =	vld [tilespmem:s31+$0xFFFFFFF0]  }
0xfa: {  	v9 =	vld [tilespmem:s31+$0x0]  }
0xfb: {  	v10 =	vld.idx.msk [tilespmem:v2+s17+$0x0], $0xffff  }
0xfc: {  	v11 =	vld.idx.msk [tilespmem:v3+s17+$0x0], $0xffff  }
0xfd: {  	v12 =	vld.idx.msk [tilespmem:v4+s17+$0x0], $0xffff  }
0xfe: {  	v13 =	vld.idx.msk [tilespmem:v5+s17+$0x0], $0xffff  }
0xff: {  	v14 =	vld.idx.msk [tilespmem:v6+s17+$0x0], $0xffff  }
0x100: {  	v15 =	vld.idx.msk [tilespmem:v7+s17+$0x0], $0xffff  }
0x101: {  	v16 =	vld.idx.msk [tilespmem:v8+s17+$0x0], $0xffff  }
0x102: {  	v2 =	vld.idx.msk [tilespmem:v2+s19+$0x0], $0xffff  }
0x103: {  	v3 =	vld.idx.msk [tilespmem:v3+s19+$0x0], $0xffff  }
0x104: {  	v4 =	vld.idx.msk [tilespmem:v4+s19+$0x0], $0xffff  }
0x105: {  	v5 =	vld.idx.msk [tilespmem:v5+s19+$0x0], $0xffff  }
0x106: {  	v6 =	vld.idx.msk [tilespmem:v6+s19+$0x0], $0xffff  }
0x107: {  	v7 =	vld.idx.msk [tilespmem:v7+s19+$0x0], $0xffff;
	(xrf1) =	vunique.msk.u32 $0xffff, v2  }
0x108: {  	v8 =	vld.idx.msk [tilespmem:v8+s19+$0x0], $0xffff;
	(xrf1) =	vunique.msk.u32 $0xffff, v3  }
0x109: {  	v17 =	vld.idx.msk [tilespmem:v9+s19+$0x0], $0xffff;
	(xrf1) =	vunique.msk.u32 $0xffff, v4  }
0x10a: {  	(xrf1) =	vunique.msk.u32 $0xffff, v5  }
0x10b: {  	v9 =	vld.idx.msk [tilespmem:v9+s17+$0x0], $0xffff;
	[tilespmem:s3+$0xFFFFFF90] =	vst v10;
	(xrf1) =	vunique.msk.u32 $0xffff, v6  }
0x10c: {  	[tilespmem:s3+$0xFFFFFFA0] =	vst v11;
	(xrf1) =	vunique.msk.u32 $0xffff, v7  }
0x10d: {  	[tilespmem:s3+$0xFFFFFFB0] =	vst v12;
	(xrf1) =	vunique.msk.u32 $0xffff, v8  }
0x10e: {  	[tilespmem:s3+$0xFFFFFFC0] =	vst v13;
	(xrf1) =	vunique.msk.u32 $0xffff, v17  }
0x10f: {  	[tilespmem:s3+$0xFFFFFFD0] =	vst v14  }
0x110: {  	[tilespmem:s3+$0xFFFFFFE0] =	vst v15  }
0x111: {  	[tilespmem:s3+$0xFFFFFFF0] =	vst v16  }
0x112: {  	[tilespmem:s3+$0x0] =	vst v9  }
0x113: {  	[tilespmem:s16+$0xFFFFFFC0] =	vst v2  }
0x114: {  	[tilespmem:s16+$0xFFFFFFD0] =	vst v3  }
0x115: {  	s4 =	sadd.s32 $0xFFFFFF90, s0;
	[tilespmem:s16+$0xFFFFFFE0] =	vst v4;
	_, v55, vm0 =	vpop (xrf1)  }
0x116: {  	s23 =	sadd.s32 $0xFFFFFFA0, s0;
	[tilespmem:s16+$0xFFFFFFF0] =	vst v5;
	v2 =	vadd.s32 s4, v2;
	_, v56, vm1 =	vpop (xrf1)  }
0x117: {  	s26 =	sadd.s32 $0xFFFFFFB0, s0;
	[tilespmem:s16+$0x0] =	vst v6;
	v3 =	vadd.s32 s23, v3;
	_, v57, vm2 =	vpop (xrf1)  }
0x118: {  	s28 =	sadd.s32 $0xFFFFFFC0, s0;
	[tilespmem:s16+$0x10] =	vst v7;
	v4 =	vadd.s32 s26, v4;
	_, v58, vm3 =	vpop (xrf1)  }
0x119: {  	s24 =	sadd.s32 $0xFFFFFFD0, s0;
	[tilespmem:s16+$0x20] =	vst v8;
	v5 =	vadd.s32 s28, v5;
	_, v59, vm4 =	vpop (xrf1)  }
0x11a: {  	[tilespmem:s16+$0x30] =	vst v17;
	s26 =	sadd.s32 $0xFFFFFFE0, s0;
	v6 =	vadd.s32 s24, v6;
	_, v60, vm5 =	vpop (xrf1)  }
0x11b: {  	s28 =	sadd.s32 $0xFFFFFFF0, s0;
	_, v61, vm6 =	vpop (xrf1);
	[tilespmem:v2+s21+$0x0] =	vst.idx.msk vm0, v55;
	v2 =	vadd.s32 s26, v7  }
0x11c: {  	_, v62, vm15 =	vpop (xrf1);
	[tilespmem:v3+s21+$0x0] =	vst.idx.msk vm1, v56;
	v3 =	vadd.s32 s28, v8  }
0x11d: {  	p0 =	sne.s32 s0, $0xFF0;
	v63 =	vadd.s32 s0, v17;
	[tilespmem:v4+s21+$0x0] =	vst.idx.msk vm2, v57  }
.Ltmp4:
0x11e: {  	[tilespmem:v5+s21+$0x0] =	vst.idx.msk vm3, v58;
	(pc) =	sbr.rel @p0 .LBB2_10-.Ltmp4, $4  }
0x11f: {  	[tilespmem:v6+s21+$0x0] =	vst.idx.msk vm4, v59  }
0x120: {  	[tilespmem:v2+s21+$0x0] =	vst.idx.msk vm5, v60  }
0x121: {  	s1 =	sadd.s32 $0x80, s1;
	s31 =	sadd.s32 $0x80, s31;
	[tilespmem:v3+s21+$0x0] =	vst.idx.msk vm6, v61  }
0x122: {  	s3 =	sadd.s32 $0x80, s3;
	s16 =	sadd.s32 $0x80, s16;
	s0 =	sadd.s32 $0x80, s0;
	[tilespmem:v63+s21+$0x0] =	vst.idx.msk vm15, v62  }
0x123: {  	s0 =	simm.s32 $0x0  }
0x124: {  	v4 =	vld [tilespmem:s0+$0x5400]  }
0x125: {  	v6 =	vld [tilespmem:s0+$0x5410]  }
0x126: {  	v7 =	vld [tilespmem:s0+$0x5420]  }
0x127: {  	v5 =	vld [tilespmem:s0+$0x5430]  }
0x128: {  	v3 =	vld [tilespmem:s0+$0x5440]  }
0x129: {  	v2 =	vld [tilespmem:s0+$0x5450];
	[tilespmem:s0+$0x5400] =	vst v1;
	v4 =	vadd.s32 v1, v4  }
0x12a: {  	v1 =	vld [tilespmem:s0+$0x5460];
	[tilespmem:s0+$0x5410] =	vst v4;
	v6 =	vadd.s32 v6, v4  }
0x12b: {  	s1 =	simm.s32 $0x80;
	s3 =	simm.s32 $0x400;
	v4 =	vld [tilespmem:s0+$0x5470];
	[tilespmem:s0+$0x5420] =	vst v6;
	v6 =	vadd.s32 v7, v6  }
.LBB2_12:
0x12c: {  	p0 =	sne.s32 s3, $0x3E00;
	v7 =	vld [tilespmem:s1+$0x5400];
	[tilespmem:s0+$0x5430] =	vst v6;
	v5 =	vadd.s32 v5, v6  }
0x12d: {  	v6 =	vld [tilespmem:s1+$0x5410];
	[tilespmem:s0+$0x5440] =	vst v5;
	v3 =	vadd.s32 v3, v5  }
0x12e: {  	v8 =	vld [tilespmem:s1+$0x5420];
	[tilespmem:s0+$0x5450] =	vst v3;
	v2 =	vadd.s32 v2, v3  }
.Ltmp5:
0x12f: {  	v5 =	vld [tilespmem:s1+$0x5430];
	[tilespmem:s0+$0x5460] =	vst v2;
	v1 =	vadd.s32 v1, v2;
	(pc) =	sbr.rel @p0 .LBB2_12-.Ltmp5, $4  }
0x130: {  	v3 =	vld [tilespmem:s1+$0x5440];
	[tilespmem:s0+$0x5470] =	vst v1;
	v1 =	vadd.s32 v4, v1;
	s0 =	smov.u32 s1  }
0x131: {  	v2 =	vld [tilespmem:s0+$0x5450];
	[tilespmem:s0+$0x5400] =	vst v1;
	v4 =	vadd.s32 v1, v7  }
0x132: {  	v1 =	vld [tilespmem:s0+$0x5460];
	[tilespmem:s0+$0x5410] =	vst v4;
	v6 =	vadd.s32 v6, v4  }
0x133: {  	s1 =	sshra.s32 s3, $0x2;
	s3 =	sadd.s32 $0x200, s3;
	v4 =	vld [tilespmem:s0+$0x5470];
	[tilespmem:s0+$0x5420] =	vst v6;
	v6 =	vadd.s32 v8, v6  }
0x134: {  	v7 =	vld [tilespmem:s1+$0x5400];
	[tilespmem:s0+$0x5430] =	vst v6;
	v5 =	vadd.s32 v5, v6  }
0x135: {  	v6 =	vld [tilespmem:s1+$0x5410];
	[tilespmem:s0+$0x5440] =	vst v5;
	v3 =	vadd.s32 v3, v5  }
0x136: {  	v5 =	vld [tilespmem:s1+$0x5420];
	[tilespmem:s0+$0x5450] =	vst v3;
	v2 =	vadd.s32 v2, v3  }
0x137: {  	v3 =	vld [tilespmem:s1+$0x5430];
	[tilespmem:s0+$0x5460] =	vst v2;
	v1 =	vadd.s32 v1, v2  }
0x138: {  	v2 =	vld [tilespmem:s1+$0x5440];
	[tilespmem:s0+$0x5470] =	vst v1;
	v1 =	vadd.s32 v4, v1  }
0x139: {  	v4 =	vld [tilespmem:s1+$0x5450];
	[tilespmem:s1+$0x5400] =	vst v1;
	v1 =	vadd.s32 v1, v7  }
0x13a: {  	v7 =	vld [tilespmem:s1+$0x5460];
	[tilespmem:s1+$0x5410] =	vst v1;
	v1 =	vadd.s32 v6, v1  }
0x13b: {  	v6 =	vld [tilespmem:s1+$0x5470];
	v5 =	vadd.s32 v5, v1  }
0x13c: {  	v3 =	vadd.s32 v3, v5  }
0x13d: {  	[tilespmem:s1+$0x5420] =	vst v1;
	v1 =	vadd.s32 v2, v3  }
0x13e: {  	v2 =	vadd.s32 v4, v1  }
0x13f: {  	[tilespmem:s1+$0x5440] =	vst v3;
	v3 =	vadd.s32 v7, v2  }
0x140: {  	[tilespmem:s1+$0x5450] =	vst v1;
	v1 =	vadd.s32 v6, v3  }
0x141: {  	[tilespmem:s1+$0x5430] =	vst v5;
	(xrf0) =	vadd.scan.msk.s32 $0xffff, v1  }
0x142: {  	[tilespmem:s1+$0x5460] =	vst v2  }
0x143: {  	s0 =	simm.s32 $0x0;
	[tilespmem:s1+$0x5470] =	vst v3  }
0x144: {  	v7 =	vld [tilespmem:s0+$0x5400]  }
0x145: {  	v8 =	vld [tilespmem:s0+$0x5410]  }
0x146: {  	v6 =	vld [tilespmem:s0+$0x5420]  }
0x147: {  	v3 =	vld [tilespmem:s0+$0x5430];
	v2, _, _ =	vpop (xrf0)  }
0x148: {  	v4 =	vld [tilespmem:s0+$0x5440];
	v2 =	vsub.s32 v2, v1  }
0x149: {  	v5 =	vld [tilespmem:s0+$0x5450];
	v9 =	vadd.s32 v2, v7  }
0x14a: {  	s1 =	simm.s32 $0x200;
	v7 =	vld [tilespmem:s0+$0x5460];
	v8 =	vadd.s32 v2, v8;
	[tilespmem:s0+$0x5400] =	vst v9  }
.LBB2_14:
0x14b: {  	s3 =	sshra.s32 s1, $0x2;
	p0 =	sne.s32 s1, $0x3E00;
	v9 =	vld [tilespmem:s0+$0x5470];
	[tilespmem:s0+$0x5410] =	vst v8;
	v6 =	vadd.s32 v2, v6  }
0x14c: {  	v8 =	vld [tilespmem:s3+$0x5400];
	[tilespmem:s0+$0x5420] =	vst v6;
	v3 =	vadd.s32 v2, v3  }
0x14d: {  	v10 =	vld [tilespmem:s3+$0x5410];
	[tilespmem:s0+$0x5430] =	vst v3;
	v3 =	vadd.s32 v2, v4  }
.Ltmp6:
0x14e: {  	v6 =	vld [tilespmem:s3+$0x5420];
	[tilespmem:s0+$0x5440] =	vst v3;
	v4 =	vadd.s32 v2, v5;
	(pc) =	sbr.rel @p0 .LBB2_14-.Ltmp6, $4  }
0x14f: {  	v3 =	vld [tilespmem:s3+$0x5430];
	[tilespmem:s0+$0x5450] =	vst v4;
	v5 =	vadd.s32 v2, v7  }
0x150: {  	v4 =	vld [tilespmem:s3+$0x5440];
	[tilespmem:s0+$0x5460] =	vst v5;
	v7 =	vadd.s32 v2, v9  }
0x151: {  	v5 =	vld [tilespmem:s3+$0x5450];
	v8 =	vadd.s32 v2, v8;
	[tilespmem:s0+$0x5470] =	vst v7;
	s0 =	smov.u32 s3  }
0x152: {  	s1 =	sadd.s32 $0x200, s1;
	v7 =	vld [tilespmem:s0+$0x5460];
	[tilespmem:s0+$0x5400] =	vst v8;
	v8 =	vadd.s32 v2, v10  }
0x153: {  	v9 =	vld [tilespmem:s0+$0x5470];
	[tilespmem:s0+$0x5410] =	vst v8;
	v6 =	vadd.s32 v2, v6  }
0x154: {  	[tilespmem:s0+$0x5420] =	vst v6;
	v3 =	vadd.s32 v2, v3  }
0x155: {  	[tilespmem:s0+$0x5430] =	vst v3;
	v3 =	vadd.s32 v2, v4  }
0x156: {  	[tilespmem:s0+$0x5440] =	vst v3;
	v3 =	vadd.s32 v2, v5  }
0x157: {  	[tilespmem:s0+$0x5450] =	vst v3;
	v3 =	vadd.s32 v2, v7  }
0x158: {  	[tilespmem:s0+$0x5460] =	vst v3;
	v2 =	vadd.s32 v2, v9  }
0x159: {  	s31 =	simm.s32 $0x4040;
	[tilespmem:s0+$0x5470] =	vst v2  }
0x15a: {  	v2 =	vld [tilespmem:s31+$0xFFFFFFC0]  }
0x15b: {  	v3 =	vld [tilespmem:s31+$0xFFFFFFD0]  }
0x15c: {  	v4 =	vld [tilespmem:s31+$0xFFFFFFE0]  }
0x15d: {  	v5 =	vld [tilespmem:s31+$0xFFFFFFF0]  }
0x15e: {  	v6 =	vld [tilespmem:s31+$0x0]  }
0x15f: {  	(xrf1) =	vunique.msk.u32 $0xffff, v2  }
0x160: {  	(xrf1) =	vunique.msk.u32 $0xffff, v3  }
0x161: {  	(xrf1) =	vunique.msk.u32 $0xffff, v4  }
0x162: {  	v55 =	vld [tilespmem:s31+$0x10];
	(xrf1) =	vunique.msk.u32 $0xffff, v5  }
0x163: {  	s28 =	simm.s32 $0x0;
	v8 =	vld [tilespmem:s31+$0x20];
	(xrf1) =	vunique.msk.u32 $0xffff, v6  }
0x164: {  	s1 =	simm.s32 $0x10;
	v2 =	vadd.s32 s28, v2  }
0x165: {  	s3 =	simm.s32 $0x20;
	v56 =	vld [tilespmem:s31+$0x30];
	v3 =	vadd.s32 s1, v3  }
0x166: {  	s4 =	simm.s32 $0x30;
	v4 =	vadd.s32 s3, v4  }
0x167: {  	s16 =	simm.s32 $0x40;
	v5 =	vadd.s32 s4, v5;
	(xrf1) =	vunique.msk.u32 $0xffff, v55  }
0x168: {  	v6 =	vadd.s32 s16, v6;
	(xrf1) =	vunique.msk.u32 $0xffff, v8  }
0x169: {  	v2 =	vld.idx.msk [tilespmem:v2+s21+$0x0], $0xffff  }
0x16a: {  	v3 =	vld.idx.msk [tilespmem:v3+s21+$0x0], $0xffff;
	(xrf1) =	vunique.msk.u32 $0xffff, v56  }
0x16b: {  	s23 =	simm.s32 $0x50;
	v4 =	vld.idx.msk [tilespmem:v4+s21+$0x0], $0xffff  }
0x16c: {  	s24 =	simm.s32 $0x60;
	v7 =	vadd.s32 s23, v55;
	v5 =	vld.idx.msk [tilespmem:v5+s21+$0x0], $0xffff  }
0x16d: {  	v8 =	vadd.s32 s24, v8;
	v6 =	vld.idx.msk [tilespmem:v6+s21+$0x0], $0xffff;
	_, v10, _ =	vpop (xrf1)  }
0x16e: {  	s26 =	simm.s32 $0x70;
	v2 =	vadd.s32 v2, v10;
	_, v57, _ =	vpop (xrf1)  }
0x16f: {  	v9 =	vadd.s32 s26, v56;
	v2 =	vadd.s32 $0xFFFFFFFF, v2;
	v3 =	vadd.s32 v3, v57;
	_, v58, _ =	vpop (xrf1)  }
0x170: {  	vm0 =	vlt.s32 v2, $0x199;
	v3 =	vadd.s32 $0xFFFFFFFF, v3;
	v4 =	vadd.s32 v4, v58;
	_, v59, _ =	vpop (xrf1)  }
0x171: {  	v7 =	vld.idx.msk [tilespmem:v7+s21+$0x0], $0xffff;
	vm1 =	vlt.s32 v3, $0x199;
	v4 =	vadd.s32 $0xFFFFFFFF, v4;
	v5 =	vadd.s32 v5, v59;
	_, v60, _ =	vpop (xrf1)  }
0x172: {  	v8 =	vld.idx.msk [tilespmem:v8+s21+$0x0], $0xffff;
	vm2 =	vlt.s32 v4, $0x199;
	v5 =	vadd.s32 $0xFFFFFFFF, v5;
	v6 =	vadd.s32 v6, v60  }
0x173: {  	vm3 =	vlt.s32 v5, $0x199;
	v6 =	vadd.s32 $0xFFFFFFFF, v6  }
0x174: {  	v9 =	vld.idx.msk [tilespmem:v9+s21+$0x0], $0xffff;
	vm4 =	vlt.s32 v6, $0x199  }
0x175: {  	v63 =	vor.u32 s28, v0;
	_, v61, _ =	vpop (xrf1)  }
0x176: {  	v7 =	vadd.s32 v7, v61;
	_, v62, _ =	vpop (xrf1);
	[tilespmem:v2+s25+$0x0] =	vst.idx.msk vm0, v63;
	v2 =	vor.u32 s1, v0  }
0x177: {  	v7 =	vadd.s32 $0xFFFFFFFF, v7;
	v8 =	vadd.s32 v8, v62;
	[tilespmem:v3+s25+$0x0] =	vst.idx.msk vm1, v2;
	v2 =	vor.u32 s3, v0  }
0x178: {  	vm5 =	vlt.s32 v7, $0x199;
	v8 =	vadd.s32 $0xFFFFFFFF, v8;
	_, v3, _ =	vpop (xrf1);
	[tilespmem:v4+s25+$0x0] =	vst.idx.msk vm2, v2;
	v2 =	vor.u32 s4, v0  }
0x179: {  	vm6 =	vlt.s32 v8, $0x199;
	v3 =	vadd.s32 v9, v3;
	[tilespmem:v5+s25+$0x0] =	vst.idx.msk vm3, v2;
	v2 =	vor.u32 s16, v0  }
0x17a: {  	[tilespmem:v6+s25+$0x0] =	vst.idx.msk vm4, v2;
	v2 =	vadd.s32 $0xFFFFFFFF, v3  }
0x17b: {  	vm0 =	vlt.s32 v2, $0x199;
	_ =	sdelay $0x1  }
0x17c: {  	v4 =	vor.u32 s23, v0  }
0x17d: {  	v3 =	vor.u32 s24, v0;
	[tilespmem:v7+s25+$0x0] =	vst.idx.msk vm5, v4  }
0x17e: {  	s0 =	simm.s32 $0xF0;
	[tilespmem:v8+s25+$0x0] =	vst.idx.msk vm6, v3;
	v3 =	vor.u32 s26, v0  }
.LBB2_16:
0x17f: {  	p0 =	sne.s32 s0, $0xFF0  }
0x180: {  	[tilespmem:v2+s25+$0x0] =	vst.idx.msk vm0, v3;
	s31 =	sadd.s32 $0x80, s31;
	s3 =	smov.u32 s0;
	s0 =	sadd.s32 $0x80, s0  }
0x181: {  	v2 =	vld [tilespmem:s31+$0xFFFFFFC0]  }
0x182: {  	v3 =	vld [tilespmem:s31+$0xFFFFFFD0]  }
0x183: {  	v4 =	vld [tilespmem:s31+$0xFFFFFFE0]  }
0x184: {  	v5 =	vld [tilespmem:s31+$0xFFFFFFF0]  }
0x185: {  	s4 =	sadd.s32 $0xFFFFFF90, s3;
	v6 =	vld [tilespmem:s31+$0x0]  }
0x186: {  	s1 =	sadd.s32 $0xFFFFFFA0, s3;
	v7 =	vld [tilespmem:s31+$0x10];
	v8 =	vadd.s32 s4, v2;
	(xrf1) =	vunique.msk.u32 $0xffff, v2  }
0x187: {  	s16 =	sadd.s32 $0xFFFFFFB0, s3;
	v2 =	vld [tilespmem:s31+$0x20];
	v9 =	vadd.s32 s1, v3;
	(xrf1) =	vunique.msk.u32 $0xffff, v3  }
0x188: {  	v3 =	vld [tilespmem:s31+$0x30];
	v10 =	vadd.s32 s16, v4;
	(xrf1) =	vunique.msk.u32 $0xffff, v4  }
0x189: {  	(xrf1) =	vunique.msk.u32 $0xffff, v5  }
0x18a: {  	(xrf1) =	vunique.msk.u32 $0xffff, v6  }
0x18b: {  	(xrf1) =	vunique.msk.u32 $0xffff, v7  }
0x18c: {  	s23 =	sadd.s32 $0xFFFFFFC0, s3;
	(xrf1) =	vunique.msk.u32 $0xffff, v2  }
0x18d: {  	s24 =	sadd.s32 $0xFFFFFFD0, s3;
	v4 =	vadd.s32 s23, v5;
	v5 =	vadd.s32 s3, v3;
	(xrf1) =	vunique.msk.u32 $0xffff, v3  }
0x18e: {  	s26 =	sadd.s32 $0xFFFFFFE0, s3;
	v3 =	vadd.s32 s24, v6  }
0x18f: {  	s28 =	sadd.s32 $0xFFFFFFF0, s3;
	v7 =	vadd.s32 s26, v7;
	v6 =	vld.idx.msk [tilespmem:v8+s21+$0x0], $0xffff  }
0x190: {  	v2 =	vadd.s32 s28, v2;
	v8 =	vld.idx.msk [tilespmem:v9+s21+$0x0], $0xffff  }
0x191: {  	v9 =	vld.idx.msk [tilespmem:v10+s21+$0x0], $0xffff  }
0x192: {  	v4 =	vld.idx.msk [tilespmem:v4+s21+$0x0], $0xffff  }
0x193: {  	v3 =	vld.idx.msk [tilespmem:v3+s21+$0x0], $0xffff  }
0x194: {  	v7 =	vld.idx.msk [tilespmem:v7+s21+$0x0], $0xffff;
	_, v10, _ =	vpop (xrf1)  }
0x195: {  	v2 =	vld.idx.msk [tilespmem:v2+s21+$0x0], $0xffff;
	v6 =	vadd.s32 v6, v10;
	_, v10, _ =	vpop (xrf1)  }
0x196: {  	v11 =	vor.u32 s4, v0;
	v5 =	vld.idx.msk [tilespmem:v5+s21+$0x0], $0xffff;
	v6 =	vadd.s32 $0xFFFFFFFF, v6;
	v8 =	vadd.s32 v8, v10;
	_, v10, _ =	vpop (xrf1)  }
0x197: {  	vm0 =	vlt.s32 v6, $0x199;
	v8 =	vadd.s32 $0xFFFFFFFF, v8;
	v9 =	vadd.s32 v9, v10;
	_, v10, _ =	vpop (xrf1)  }
0x198: {  	vm1 =	vlt.s32 v8, $0x199;
	v9 =	vadd.s32 $0xFFFFFFFF, v9;
	v4 =	vadd.s32 v4, v10;
	_, v10, _ =	vpop (xrf1)  }
0x199: {  	vm2 =	vlt.s32 v9, $0x199;
	v4 =	vadd.s32 $0xFFFFFFFF, v4;
	v3 =	vadd.s32 v3, v10;
	_, v10, _ =	vpop (xrf1)  }
0x19a: {  	vm3 =	vlt.s32 v4, $0x199;
	v3 =	vadd.s32 $0xFFFFFFFF, v3;
	v7 =	vadd.s32 v7, v10;
	_, v10, _ =	vpop (xrf1)  }
0x19b: {  	vm4 =	vlt.s32 v3, $0x199;
	v7 =	vadd.s32 $0xFFFFFFFF, v7;
	v2 =	vadd.s32 v2, v10;
	_, v10, _ =	vpop (xrf1)  }
0x19c: {  	vm5 =	vlt.s32 v7, $0x199;
	v12 =	vadd.s32 $0xFFFFFFFF, v2;
	v2 =	vadd.s32 v5, v10  }
0x19d: {  	v5 =	vor.u32 s1, v0;
	[tilespmem:v6+s25+$0x0] =	vst.idx.msk vm0, v11;
	vm6 =	vlt.s32 v12, $0x199;
	v2 =	vadd.s32 $0xFFFFFFFF, v2  }
0x19e: {  	[tilespmem:v8+s25+$0x0] =	vst.idx.msk vm1, v5;
	v5 =	vor.u32 s16, v0;
	vm0 =	vlt.s32 v2, $0x199  }
.Ltmp7:
0x19f: {  	[tilespmem:v9+s25+$0x0] =	vst.idx.msk vm2, v5;
	v5 =	vor.u32 s23, v0;
	(pc) =	sbr.rel @p0 .LBB2_16-.Ltmp7, $4  }
0x1a0: {  	[tilespmem:v4+s25+$0x0] =	vst.idx.msk vm3, v5;
	v4 =	vor.u32 s24, v0  }
0x1a1: {  	[tilespmem:v3+s25+$0x0] =	vst.idx.msk vm4, v4;
	v3 =	vor.u32 s26, v0  }
0x1a2: {  	[tilespmem:v7+s25+$0x0] =	vst.idx.msk vm5, v3;
	v3 =	vor.u32 s28, v0  }
0x1a3: {  	[tilespmem:v12+s25+$0x0] =	vst.idx.msk vm6, v3;
	v3 =	vor.u32 s3, v0  }
0x1a4: {  	_ =	sdelay $0x4  }
0x1a5: {  	[tilespmem:v2+s25+$0x0] =	vst.idx.msk vm0, v3  }
0x1a6: {  	s0 =	simm.s32 $0x3000;
	[tilespmem:$0x6580] =	vst v1  }
0x1a7: {  	[hbm4b:s10+s14] =	stream.strided.scatter [tilespmem:s0], [sflag:$0x2], $0x1000, s15, s14, $0x38;
	[tilespmem:$0x6600] =	vst v63  }
0x1a8: {  	_ = 	snop  }
0x1a9: {  	[hbm4b:s11+s14] =	stream.strided.scatter [tilespmem:s25], [sflag:$0x2], $0x200, s15, s14, $0x38;
	[tilespmem:$0x6600] =	vst v63  }
0x1aa: {  	s31 =	simm.s32 $0x6580  }
0x1ab: {  	[hbm4b:s12+s2] =	stream.linear.scatter [tilespmem:s31], [sflag:$0x2], $0x80, $0x38;
	[tilespmem:$0x6600] =	vst v63  }
0x1ac: {  	_ =	swait.ge [sflag:s29], $0x1000  }
0x1ad: {  	[sflag:s29] =	ssyncset.done $0x0  }
0x1ae: {  	[sflag:s29] =	ssyncadd.s32 $0xFFFFF000  }
0x1af: {  	_ =	swait.ge [sflag:s29], $0x200  }
0x1b0: {  	[sflag:s29] =	ssyncset.done $0x0  }
0x1b1: {  	[sflag:s29] =	ssyncadd.s32 $0xFFFFFE00  }
0x1b2: {  	_ =	swait.ge [sflag:s29], $0x80  }
0x1b3: {  	[sflag:s29] =	ssyncset.done $0x0  }
0x1b4: {  	[sflag:s29] =	ssyncadd.s32 $0xFFFFFF80  }
0x1b5: {  	_ =	swait.ge [sflag:s29], $0x1000  }
0x1b6: {  	[sflag:s29] =	ssyncset.done $0x0  }
0x1b7: {  	s30 =	sadd.s32 $0x1, s30;
	[sflag:s29] =	ssyncadd.s32 $0xFFFFF000  }
0x1b8: {  	p0 =	sne.s32 s30, s13;
	_ =	swait.ge [sflag:s29], $0x200  }
.Ltmp8:
0x1b9: {  	[sflag:s29] =	ssyncset.done $0x0;
	(pc) =	sbr.rel @p0 .LBB2_1-.Ltmp8, $4  }
0x1ba: {  	[sflag:s29] =	ssyncadd.s32 $0xFFFFFE00  }
0x1bb: {  	_ =	swait.ge [sflag:s29], $0x80  }
0x1bc: {  	[sflag:s29] =	ssyncset.done $0x0  }
0x1bd: {  	[sflag:s29] =	ssyncadd.s32 $0xFFFFFF80  }
0x1be: {  	_ =	sfence.sel $0x180000  }
0x1bf: {  	[bflag:$0x0] =	sbarrier.arrive $0xFFFF  }
0x1c0: {  	_ =	strace $0x90000047  }
0x1c1: {  	s0 =	stileid.u32;
	[bflag:$0x2] =	sbarrier.arrive $0xFFFF  }
0x1c2: {  	p0 =	sne.s32 s0, $0x0;
	s0 =	rddreg [dreg:$0x5]  }
0x1c3: {  	s0 =	sadd.s32 @!p0 $0x100000, s0  }
0x1c4: {  	[sflag:s0] =	ssyncadd.tile.s32 @!p0 $0x1;
	_ =	shalt  }
.Lfunc_end2:
_tile_overlayer_lowered:
.L_overlay_start_2:
0x1c5: {  	(tag) =	ssettag $0x2  }
0x1c6: {  	s0 =	rddreg [dreg:$0x0];
	s2 =	stileid.u32  }
0x1c7: {  	s1 =	rddreg [dreg:$0x1];
	p0 =	sne.s32 s2, $0x0  }
0x1c8: {  	s3 =	rddreg [dreg:$0x2];
	[bflag:$0x3] =	sbarrier.arrive $0xFFFF;
	s2 =	simm.s32 @!p0 $0x1C03  }
0x1c9: {  	[timem:s3], [sflag:s2] =	dma.local @!p0 [hbm:s0], s1  }
0x1ca: {  	s0 =	simm.s32 @!p0 $0x3  }
0x1cb: {  	_ =	swait.ge @!p0 [sflag:s0], s1  }
0x1cc: {  	s1 =	ssub.s32 @!p0 $0x0, s1;
	[sflag:s0] =	ssyncset.done @!p0 $0x0  }
0x1cd: {  	[sflag:s0] =	ssyncadd.s32 @!p0 s1  }
0x1ce: {  	[bflag:$0x3] =	sbarrier.arrive $0xFFFF  }
0x1cf: {  	_ =	shalt  }

</sc_bundles>
